<compile_context>
chip_gen: v7x
topology: tpu7x:2x2x1
jax: 0.10.2.dev20260603
libtpu: 0.0.44.dev20260713+nightly
codegen_flags: <defaults>
</compile_context>

<pallas_src>
import functools

import jax
import jax.numpy as jnp
import numpy as np
from jax import lax
from jax.experimental import pallas as pl
from jax.experimental.pallas import tpu as pltpu
from jax.experimental.pallas import tpu_sc as plsc

_BR = 496
_BC = 128
_BLK = _BR * _BC
_GRID = 16


def _split_dot(a, b_bf16):
    a_hi = a.astype(jnp.bfloat16)
    a_lo = (a - a_hi.astype(jnp.float32)).astype(jnp.bfloat16)
    return (lax.dot(a_hi, b_bf16, preferred_element_type=jnp.float32)
            + lax.dot(a_lo, b_bf16, preferred_element_type=jnp.float32))


def _split_dot_r(a_bf16, b):
    b_hi = b.astype(jnp.bfloat16)
    b_lo = (b - b_hi.astype(jnp.float32)).astype(jnp.bfloat16)
    return (lax.dot(a_bf16, b_hi, preferred_element_type=jnp.float32)
            + lax.dot(a_bf16, b_lo, preferred_element_type=jnp.float32))


def _tc_body(Km1, n_xs_blk, w_ref, loff_ref, xs_ref, lt_ref, xsf_ref,
             contrib_ref, scr):
    xsf_ref[...] = xs_ref[...].reshape(n_xs_blk)
    b = pl.program_id(0)

    @pl.when(b == 0)
    def _init():
        scr[0] = 0.0
        scr[1] = 0.0

    wv = w_ref[...].reshape(_BR, _BC)
    r = lax.broadcasted_iota(jnp.int32, (_BR, _BC), 0)
    c = lax.broadcasted_iota(jnp.int32, (_BR, _BC), 1)
    k = (b * _BR + r) * _BC + c
    valid = k < Km1
    km = jnp.where(valid, k, 0)
    xo = wv - loff_ref[...]
    l1pe = jnp.log1p(jnp.exp(-jnp.abs(xo)))
    log_z = jnp.minimum(xo, 0.0) - l1pe
    log_1mz = jnp.minimum(-xo, 0.0) - l1pe
    xm = jnp.where(valid, log_1mz, 0.0)
    s = jnp.where(valid, log_z, 0.0)

    tm = lax.broadcasted_iota(jnp.int32, (_BC, _BC), 0)
    tl = lax.broadcasted_iota(jnp.int32, (_BC, _BC), 1)
    t_strict = (tm < tl).astype(jnp.bfloat16)
    rowexcl = _split_dot(xm, t_strict)
    rt = rowexcl[:, _BC - 1:_BC] + xm[:, _BC - 1:_BC]
    lr = lax.broadcasted_iota(jnp.int32, (_BR, _BR), 0)
    lc = lax.broadcasted_iota(jnp.int32, (_BR, _BR), 1)
    l_strict = (lc < lr).astype(jnp.bfloat16)
    pref = jnp.broadcast_to(_split_dot_r(l_strict, rt), (_BR, _BC))

    carry = scr[0]
    cum_prev = carry + rowexcl + pref
    lt_ref[...] = (s + cum_prev).reshape(_BLK)

    wgt = (Km1 - 1 - km).astype(jnp.float32)
    terms = jnp.where(valid, -xo + 2.0 * log_z, 0.0) + wgt * xm
    scr[1] = scr[1] + jnp.sum(terms)
    scr[0] = carry + jnp.sum(xm)

    @pl.when(b == pl.num_programs(0) - 1)
    def _fin():
        contrib_ref[...] = jnp.full((1, 1), scr[1], jnp.float32)


def _tc_transform(w, loff2d, xs_t, Km1, grid):
    n_xs = xs_t.shape[0] * xs_t.shape[1]
    xs_cols = xs_t.shape[1] // grid
    n_xs_blk = xs_t.shape[0] * xs_cols
    body = functools.partial(_tc_body, Km1, n_xs_blk)
    return pl.pallas_call(
        body,
        grid=(grid,),
        in_specs=[
            pl.BlockSpec((_BLK,), lambda b: (b,)),
            pl.BlockSpec((_BR, _BC), lambda b: (b, 0)),
            pl.BlockSpec((xs_t.shape[0], xs_cols), lambda b: (0, b)),
        ],
        out_specs=[
            pl.BlockSpec((_BLK,), lambda b: (b,)),
            pl.BlockSpec((n_xs_blk,), lambda b: (b,)),
            pl.BlockSpec((1, 1), lambda b: (0, 0)),
        ],
        out_shape=[
            jax.ShapeDtypeStruct((grid * _BLK,), jnp.float32),
            jax.ShapeDtypeStruct((n_xs,), jnp.int32),
            jax.ShapeDtypeStruct((1, 1), jnp.float32),
        ],
        scratch_shapes=[pltpu.SMEM((2,), jnp.float32)],
    )(w, loff2d, xs_t)


def _make_sc_gather(n_idx, n_workers, chunk, n_chunks):
    mesh = plsc.VectorSubcoreMesh(core_axis_name="c", subcore_axis_name="s")
    per_w = n_idx // n_workers

    @functools.partial(
        pl.kernel,
        out_type=jax.ShapeDtypeStruct((n_workers, 16), jnp.float32),
        mesh=mesh,
        compiler_params=pltpu.CompilerParams(use_tc_tiling_on_sc=True),
        scratch_types=[
            pltpu.VMEM((chunk,), jnp.int32),
            pltpu.VMEM((chunk,), jnp.int32),
            pltpu.VMEM((chunk,), jnp.float32),
            pltpu.VMEM((chunk,), jnp.float32),
            pltpu.VMEM((16,), jnp.float32),
            pltpu.SemaphoreType.DMA,
            pltpu.SemaphoreType.DMA,
            pltpu.SemaphoreType.DMA,
            pltpu.SemaphoreType.DMA,
        ],
    )
    def sc_gather(table_hbm, xs_hbm, out_hbm, idx0, idx1, dat0, dat1,
                  acc_v, sem_i0, sem_i1, sem_g0, sem_g1):
        wid = lax.axis_index("s") * 2 + lax.axis_index("c")
        base = wid * per_w
        idxs, dats = (idx0, idx1), (dat0, dat1)
        sem_i, sem_g = (sem_i0, sem_i1), (sem_g0, sem_g1)

        def stage_idx(j, b):
            return pltpu.async_copy(
                xs_hbm.at[pl.ds(base + j * chunk, chunk)], idxs[b], sem_i[b])

        def start_gather(b):
            return pltpu.async_copy(table_hbm.at[idxs[b]], dats[b], sem_g[b])

        def make_sum(b):
            def chunk_sum(i, a):
                a0, a1, a2, a3 = a
                o = i * 64
                a0 = a0 + dats[b][pl.ds(o, 16)]
                a1 = a1 + dats[b][pl.ds(o + 16, 16)]
                a2 = a2 + dats[b][pl.ds(o + 32, 16)]
                a3 = a3 + dats[b][pl.ds(o + 48, 16)]
                return (a0, a1, a2, a3)
            return chunk_sum

        stage_idx(0, 0).wait()
        g = [start_gather(0), None]
        i_h = [None, stage_idx(1, 1) if n_chunks > 1 else None]

        accs = (jnp.zeros((16,), jnp.float32),) * 4
        for j in range(n_chunks):
            b, nb = j & 1, (j + 1) & 1
            if j + 1 < n_chunks:
                i_h[nb].wait()
                g[nb] = start_gather(nb)
            g[b].wait()
            if j + 2 < n_chunks:
                i_h[b] = stage_idx(j + 2, b)
            accs = lax.fori_loop(0, chunk // 64, make_sum(b), accs)

        acc_v[...] = accs[0] + accs[1] + accs[2] + accs[3]
        pltpu.sync_copy(acc_v, out_hbm.at[wid])

    return sc_gather


def kernel(xs, w):
    Km1 = w.shape[0]
    grid = _GRID
    n_pad = grid * _BLK
    loff_np = np.zeros((n_pad,), np.float32)
    loff_np[:Km1] = np.log(np.arange(Km1, 0, -1, dtype=np.float32))
    loff2d = jnp.asarray(loff_np.reshape(n_pad // _BC, _BC))
    xs_t = xs.T

    table, xs_flat, contrib = _tc_transform(w, loff2d, xs_t, Km1, grid)

    n_idx = xs.size
    n_workers = 32
    per_w = n_idx // n_workers
    chunk = 3200
    n_chunks = per_w // chunk

    partials = _make_sc_gather(n_idx, n_workers, chunk, n_chunks)(
        table, xs_flat)
    return jnp.sum(partials) + contrib[0, 0]

# --- scband reference (transcript-rebuilt; emitter-appended) ---
"""Pipeline reference for scband-model-26362509263517 (READ-ONLY COPY).

The authoritative reference and input builder live on the scoring server;
editing this copy changes nothing except your own understanding.
"""

import jax, jax.numpy as jnp
import numpy as np

SIZE = 1000000


def setup_inputs(seed: int = 0) -> dict:
    key = jax.random.key(seed)
    k1, k2 = jax.random.split(key)
    xs = jax.random.randint(k1, (16384, 200), 0, SIZE)
    # Unconstrained simplex parameter (stick-breaking parameterization, size-1 dof)
    w = jax.random.normal(k2, (SIZE - 1,), dtype=jnp.float32) * 0.01
    return {"xs": xs, "w": w}


def _simplex(w):
    # Stick-breaking transform (matches torch.distributions.StickBreakingTransform)
    K = w.shape[0] + 1
    offset = jnp.log(jnp.arange(K - 1, 0, -1).astype(w.dtype))
    xo = w - offset
    log_z = jax.nn.log_sigmoid(xo)
    log_1mz = jax.nn.log_sigmoid(-xo)
    cum = jnp.cumsum(log_1mz)
    cum_prev = jnp.concatenate([jnp.zeros((1,), w.dtype), cum[:-1]])
    # log theta_k = log z_k + sum_{j<k} log(1 - z_j); last stick is remainder
    log_theta = jnp.concatenate([log_z + cum_prev, cum[-1:]])
    theta = jnp.exp(log_theta)
    # log |det J| = sum(-xo + log_sigmoid(xo) + log(theta_head))
    theta_contrib = jnp.sum(-xo + log_z + (log_z + cum_prev))
    return theta, log_theta, theta_contrib


def reference(xs, w):
    theta, log_theta, theta_contrib = _simplex(w)
    # Categorical(probs=theta).log_prob(xs).sum() == gather of log_theta at xs
    lp = jnp.take(log_theta, xs, axis=0).sum()
    return lp + theta_contrib

if __name__ == "__main__":
    import jax
    _d = setup_inputs()
    print(jax.jit(kernel)(*tuple(_d.values())))

</pallas_src>

<mosaic_0001>
#map = affine_map<(d0, d1) -> (0)>
#map1 = affine_map<(d0, d1) -> (0, 0)>
module attributes {stable_mosaic.version = 14 : i64} {
  func.func @sc_gather(%arg0: i32, %arg1: i32, %arg2: memref<1015808xf32, #tpu.memory_space<hbm>>, %arg3: memref<3276800xi32, #tpu.memory_space<hbm>>, %arg4: memref<32x16xf32, #tpu.memory_space<hbm>>, %arg5: memref<3200xi32, #tpu.memory_space<vmem>>, %arg6: memref<3200xi32, #tpu.memory_space<vmem>>, %arg7: memref<3200xf32, #tpu.memory_space<vmem>>, %arg8: memref<3200xf32, #tpu.memory_space<vmem>>, %arg9: memref<16xf32, #tpu.memory_space<vmem>>, %arg10: memref<!tpu.dma_semaphore, #tpu.memory_space<semaphore_mem>>, %arg11: memref<!tpu.dma_semaphore, #tpu.memory_space<semaphore_mem>>, %arg12: memref<!tpu.dma_semaphore, #tpu.memory_space<semaphore_mem>>, %arg13: memref<!tpu.dma_semaphore, #tpu.memory_space<semaphore_mem>>) attributes {dimension_semantics = [#tpu.dimension_semantics<core_parallel>, #tpu.dimension_semantics<subcore_parallel>], iteration_bounds = array<i64: 2, 16>, scalar_prefetch = 0 : i64, scratch_operands = 9 : i64, tpu.core_type = #tpu.core_type<sc_vector_subcore>, window_params = [{transform_indices = #map}, {transform_indices = #map}, {transform_indices = #map1}]} {
    %mul3A = arith.constant 2 : i32
    %mul3A_0 = arith.muli %arg1, %mul3A : i32
    %add3A = arith.addi %mul3A_0, %arg0 : i32
    %mul3A_1 = arith.constant 102400 : i32
    %mul3A_2 = arith.muli %add3A, %mul3A_1 : i32
    %add3A_3 = arith.constant 0 : i32
    %add3A_4 = arith.addi %mul3A_2, %add3A_3 : i32
    %dma_start3A = tpu.memref_slice %arg3[%add3A_4] : memref<3276800xi32, #tpu.memory_space<hbm>> -> memref<3200xi32, #tpu.memory_space<hbm>>
    %dma_start3A_5 = tpu.memref_slice %arg3[%add3A_4] : memref<3276800xi32, #tpu.memory_space<hbm>> -> memref<3200xi32, #tpu.memory_space<hbm>>
    tpu.enqueue_dma source(%dma_start3A_5 : memref<3200xi32, #tpu.memory_space<hbm>>) target(%arg5 : memref<3200xi32, #tpu.memory_space<vmem>>) target_semaphore(%arg10 : memref<!tpu.dma_semaphore, #tpu.memory_space<semaphore_mem>>)
    %dma_wait3A = tpu.memref_slice %arg3[%add3A_4] : memref<3276800xi32, #tpu.memory_space<hbm>> -> memref<3200xi32, #tpu.memory_space<hbm>>
    %dma_wait3A_6 = tpu.memref_slice %arg3[%add3A_4] : memref<3276800xi32, #tpu.memory_space<hbm>> -> memref<3200xi32, #tpu.memory_space<hbm>>
    tpu.wait_dma2 semaphore(%arg10 : memref<!tpu.dma_semaphore, #tpu.memory_space<semaphore_mem>>) src(%dma_wait3A_6 : memref<3200xi32, #tpu.memory_space<hbm>>) dst(%arg5 : memref<3200xi32, #tpu.memory_space<vmem>>)
    %dma_start3A_7 = arith.constant 0 : i32
    %dma_start3A_8 = tpu.memref_slice %arg2[%dma_start3A_7] : memref<1015808xf32, #tpu.memory_space<hbm>> -> memref<1015808xf32, #tpu.memory_space<hbm>>
    tpu.enqueue_indirect_dma source(%dma_start3A_8 : memref<1015808xf32, #tpu.memory_space<hbm>>) target(%arg7 : memref<3200xf32, #tpu.memory_space<vmem>>) offsets(%arg5 : memref<3200xi32, #tpu.memory_space<vmem>>) semaphore(%arg12 : memref<!tpu.dma_semaphore, #tpu.memory_space<semaphore_mem>>)
    %add3A_9 = arith.constant 3200 : i32
    %add3A_10 = arith.addi %mul3A_2, %add3A_9 : i32
    %dma_start3A_11 = tpu.memref_slice %arg3[%add3A_10] : memref<3276800xi32, #tpu.memory_space<hbm>> -> memref<3200xi32, #tpu.memory_space<hbm>>
    %dma_start3A_12 = tpu.memref_slice %arg3[%add3A_10] : memref<3276800xi32, #tpu.memory_space<hbm>> -> memref<3200xi32, #tpu.memory_space<hbm>>
    tpu.enqueue_dma source(%dma_start3A_12 : memref<3200xi32, #tpu.memory_space<hbm>>) target(%arg6 : memref<3200xi32, #tpu.memory_space<vmem>>) target_semaphore(%arg11 : memref<!tpu.dma_semaphore, #tpu.memory_space<semaphore_mem>>)
    %broadcast_in_dim3A = arith.constant 0.000000e+00 : f32
    %broadcast_in_dim3A_13 = vector.broadcast %broadcast_in_dim3A : f32 to vector<16xf32>
    %dma_wait3A_14 = tpu.memref_slice %arg3[%add3A_10] : memref<3276800xi32, #tpu.memory_space<hbm>> -> memref<3200xi32, #tpu.memory_space<hbm>>
    %dma_wait3A_15 = tpu.memref_slice %arg3[%add3A_10] : memref<3276800xi32, #tpu.memory_space<hbm>> -> memref<3200xi32, #tpu.memory_space<hbm>>
    tpu.wait_dma2 semaphore(%arg11 : memref<!tpu.dma_semaphore, #tpu.memory_space<semaphore_mem>>) src(%dma_wait3A_15 : memref<3200xi32, #tpu.memory_space<hbm>>) dst(%arg6 : memref<3200xi32, #tpu.memory_space<vmem>>)
    %dma_start3A_16 = arith.constant 0 : i32
    %dma_start3A_17 = tpu.memref_slice %arg2[%dma_start3A_16] : memref<1015808xf32, #tpu.memory_space<hbm>> -> memref<1015808xf32, #tpu.memory_space<hbm>>
    tpu.enqueue_indirect_dma source(%dma_start3A_17 : memref<1015808xf32, #tpu.memory_space<hbm>>) target(%arg8 : memref<3200xf32, #tpu.memory_space<vmem>>) offsets(%arg6 : memref<3200xi32, #tpu.memory_space<vmem>>) semaphore(%arg13 : memref<!tpu.dma_semaphore, #tpu.memory_space<semaphore_mem>>)
    %dma_wait3A_18 = arith.constant 0 : i32
    %dma_wait3A_19 = tpu.memref_slice %arg2[%dma_wait3A_18] : memref<1015808xf32, #tpu.memory_space<hbm>> -> memref<1015808xf32, #tpu.memory_space<hbm>>
    tpu.wait_indirect_dma semaphore(%arg12 : memref<!tpu.dma_semaphore, #tpu.memory_space<semaphore_mem>>) src(%dma_wait3A_19 : memref<1015808xf32, #tpu.memory_space<hbm>>) dst(%arg7 : memref<3200xf32, #tpu.memory_space<vmem>>)
    %add3A_20 = arith.constant 6400 : i32
    %add3A_21 = arith.addi %mul3A_2, %add3A_20 : i32
    %dma_start3A_22 = tpu.memref_slice %arg3[%add3A_21] : memref<3276800xi32, #tpu.memory_space<hbm>> -> memref<3200xi32, #tpu.memory_space<hbm>>
    %dma_start3A_23 = tpu.memref_slice %arg3[%add3A_21] : memref<3276800xi32, #tpu.memory_space<hbm>> -> memref<3200xi32, #tpu.memory_space<hbm>>
    tpu.enqueue_dma source(%dma_start3A_23 : memref<3200xi32, #tpu.memory_space<hbm>>) target(%arg5 : memref<3200xi32, #tpu.memory_space<vmem>>) target_semaphore(%arg10 : memref<!tpu.dma_semaphore, #tpu.memory_space<semaphore_mem>>)
    %scan3A = arith.constant 0 : i32
    %scan3A_24 = arith.constant 50 : i32
    %scan3A_25 = arith.addi %scan3A, %scan3A_24 : i32
    %scan3A_26 = arith.constant 1 : i32
    %scan3A_27:4 = scf.for %scan3A_519 = %scan3A to %scan3A_25 step %scan3A_26 iter_args(%scan3A_520 = %broadcast_in_dim3A_13, %scan3A_521 = %broadcast_in_dim3A_13, %scan3A_522 = %broadcast_in_dim3A_13, %scan3A_523 = %broadcast_in_dim3A_13) -> (vector<16xf32>, vector<16xf32>, vector<16xf32>, vector<16xf32>)  : i32 {
      %mul3A_524 = arith.constant 64 : i32
      %mul3A_525 = arith.muli %scan3A_519, %mul3A_524 : i32
      %get3A = arith.index_cast %mul3A_525 : i32 to index
      %get3A_526 = tpu.vector_load %arg7[%get3A] {strides = array<i32>} : memref<3200xf32, #tpu.memory_space<vmem>>, vector<16xf32>,
      %get3A_527 = vector.shape_cast %get3A_526 : vector<16xf32> to vector<16xf32>
      %add3A_528 = arith.addf %scan3A_520, %get3A_527 : vector<16xf32>
      %add3A_529 = arith.constant 16 : i32
      %add3A_530 = arith.addi %mul3A_525, %add3A_529 : i32
      %get3A_531 = arith.index_cast %add3A_530 : i32 to index
      %get3A_532 = tpu.vector_load %arg7[%get3A_531] {strides = array<i32>} : memref<3200xf32, #tpu.memory_space<vmem>>, vector<16xf32>,
      %get3A_533 = vector.shape_cast %get3A_532 : vector<16xf32> to vector<16xf32>
      %add3A_534 = arith.addf %scan3A_521, %get3A_533 : vector<16xf32>
      %add3A_535 = arith.constant 32 : i32
      %add3A_536 = arith.addi %mul3A_525, %add3A_535 : i32
      %get3A_537 = arith.index_cast %add3A_536 : i32 to index
      %get3A_538 = tpu.vector_load %arg7[%get3A_537] {strides = array<i32>} : memref<3200xf32, #tpu.memory_space<vmem>>, vector<16xf32>,
      %get3A_539 = vector.shape_cast %get3A_538 : vector<16xf32> to vector<16xf32>
      %add3A_540 = arith.addf %scan3A_522, %get3A_539 : vector<16xf32>
      %add3A_541 = arith.constant 48 : i32
      %add3A_542 = arith.addi %mul3A_525, %add3A_541 : i32
      %get3A_543 = arith.index_cast %add3A_542 : i32 to index
      %get3A_544 = tpu.vector_load %arg7[%get3A_543] {strides = array<i32>} : memref<3200xf32, #tpu.memory_space<vmem>>, vector<16xf32>,
      %get3A_545 = vector.shape_cast %get3A_544 : vector<16xf32> to vector<16xf32>
      %add3A_546 = arith.addf %scan3A_523, %get3A_545 : vector<16xf32>
      scf.yield %add3A_528, %add3A_534, %add3A_540, %add3A_546 : vector<16xf32>, vector<16xf32>, vector<16xf32>, vector<16xf32>
    }
    %scan3A_28 = arith.constant 50 : i32
    %dma_wait3A_29 = tpu.memref_slice %arg3[%add3A_21] : memref<3276800xi32, #tpu.memory_space<hbm>> -> memref<3200xi32, #tpu.memory_space<hbm>>
    %dma_wait3A_30 = tpu.memref_slice %arg3[%add3A_21] : memref<3276800xi32, #tpu.memory_space<hbm>> -> memref<3200xi32, #tpu.memory_space<hbm>>
    tpu.wait_dma2 semaphore(%arg10 : memref<!tpu.dma_semaphore, #tpu.memory_space<semaphore_mem>>) src(%dma_wait3A_30 : memref<3200xi32, #tpu.memory_space<hbm>>) dst(%arg5 : memref<3200xi32, #tpu.memory_space<vmem>>)
    %dma_start3A_31 = arith.constant 0 : i32
    %dma_start3A_32 = tpu.memref_slice %arg2[%dma_start3A_31] : memref<1015808xf32, #tpu.memory_space<hbm>> -> memref<1015808xf32, #tpu.memory_space<hbm>>
    tpu.enqueue_indirect_dma source(%dma_start3A_32 : memref<1015808xf32, #tpu.memory_space<hbm>>) target(%arg7 : memref<3200xf32, #tpu.memory_space<vmem>>) offsets(%arg5 : memref<3200xi32, #tpu.memory_space<vmem>>) semaphore(%arg12 : memref<!tpu.dma_semaphore, #tpu.memory_space<semaphore_mem>>)
    %dma_wait3A_33 = arith.constant 0 : i32
    %dma_wait3A_34 = tpu.memref_slice %arg2[%dma_wait3A_33] : memref<1015808xf32, #tpu.memory_space<hbm>> -> memref<1015808xf32, #tpu.memory_space<hbm>>
    tpu.wait_indirect_dma semaphore(%arg13 : memref<!tpu.dma_semaphore, #tpu.memory_space<semaphore_mem>>) src(%dma_wait3A_34 : memref<1015808xf32, #tpu.memory_space<hbm>>) dst(%arg8 : memref<3200xf32, #tpu.memory_space<vmem>>)
    %add3A_35 = arith.constant 9600 : i32
    %add3A_36 = arith.addi %mul3A_2, %add3A_35 : i32
    %dma_start3A_37 = tpu.memref_slice %arg3[%add3A_36] : memref<3276800xi32, #tpu.memory_space<hbm>> -> memref<3200xi32, #tpu.memory_space<hbm>>
    %dma_start3A_38 = tpu.memref_slice %arg3[%add3A_36] : memref<3276800xi32, #tpu.memory_space<hbm>> -> memref<3200xi32, #tpu.memory_space<hbm>>
    tpu.enqueue_dma source(%dma_start3A_38 : memref<3200xi32, #tpu.memory_space<hbm>>) target(%arg6 : memref<3200xi32, #tpu.memory_space<vmem>>) target_semaphore(%arg11 : memref<!tpu.dma_semaphore, #tpu.memory_space<semaphore_mem>>)
    %scan3A_39 = arith.constant 0 : i32
    %scan3A_40 = arith.constant 50 : i32
    %scan3A_41 = arith.addi %scan3A_39, %scan3A_40 : i32
    %scan3A_42 = arith.constant 1 : i32
    %scan3A_43:4 = scf.for %scan3A_519 = %scan3A_39 to %scan3A_41 step %scan3A_42 iter_args(%scan3A_520 = %scan3A_27#0, %scan3A_521 = %scan3A_27#1, %scan3A_522 = %scan3A_27#2, %scan3A_523 = %scan3A_27#3) -> (vector<16xf32>, vector<16xf32>, vector<16xf32>, vector<16xf32>)  : i32 {
      %mul3A_524 = arith.constant 64 : i32
      %mul3A_525 = arith.muli %scan3A_519, %mul3A_524 : i32
      %get3A = arith.index_cast %mul3A_525 : i32 to index
      %get3A_526 = tpu.vector_load %arg8[%get3A] {strides = array<i32>} : memref<3200xf32, #tpu.memory_space<vmem>>, vector<16xf32>,
      %get3A_527 = vector.shape_cast %get3A_526 : vector<16xf32> to vector<16xf32>
      %add3A_528 = arith.addf %scan3A_520, %get3A_527 : vector<16xf32>
      %add3A_529 = arith.constant 16 : i32
      %add3A_530 = arith.addi %mul3A_525, %add3A_529 : i32
      %get3A_531 = arith.index_cast %add3A_530 : i32 to index
      %get3A_532 = tpu.vector_load %arg8[%get3A_531] {strides = array<i32>} : memref<3200xf32, #tpu.memory_space<vmem>>, vector<16xf32>,
      %get3A_533 = vector.shape_cast %get3A_532 : vector<16xf32> to vector<16xf32>
      %add3A_534 = arith.addf %scan3A_521, %get3A_533 : vector<16xf32>
      %add3A_535 = arith.constant 32 : i32
      %add3A_536 = arith.addi %mul3A_525, %add3A_535 : i32
      %get3A_537 = arith.index_cast %add3A_536 : i32 to index
      %get3A_538 = tpu.vector_load %arg8[%get3A_537] {strides = array<i32>} : memref<3200xf32, #tpu.memory_space<vmem>>, vector<16xf32>,
      %get3A_539 = vector.shape_cast %get3A_538 : vector<16xf32> to vector<16xf32>
      %add3A_540 = arith.addf %scan3A_522, %get3A_539 : vector<16xf32>
      %add3A_541 = arith.constant 48 : i32
      %add3A_542 = arith.addi %mul3A_525, %add3A_541 : i32
      %get3A_543 = arith.index_cast %add3A_542 : i32 to index
      %get3A_544 = tpu.vector_load %arg8[%get3A_543] {strides = array<i32>} : memref<3200xf32, #tpu.memory_space<vmem>>, vector<16xf32>,
      %get3A_545 = vector.shape_cast %get3A_544 : vector<16xf32> to vector<16xf32>
      %add3A_546 = arith.addf %scan3A_523, %get3A_545 : vector<16xf32>
      scf.yield %add3A_528, %add3A_534, %add3A_540, %add3A_546 : vector<16xf32>, vector<16xf32>, vector<16xf32>, vector<16xf32>
    }
    %scan3A_44 = arith.constant 50 : i32
    %dma_wait3A_45 = tpu.memref_slice %arg3[%add3A_36] : memref<3276800xi32, #tpu.memory_space<hbm>> -> memref<3200xi32, #tpu.memory_space<hbm>>
    %dma_wait3A_46 = tpu.memref_slice %arg3[%add3A_36] : memref<3276800xi32, #tpu.memory_space<hbm>> -> memref<3200xi32, #tpu.memory_space<hbm>>
    tpu.wait_dma2 semaphore(%arg11 : memref<!tpu.dma_semaphore, #tpu.memory_space<semaphore_mem>>) src(%dma_wait3A_46 : memref<3200xi32, #tpu.memory_space<hbm>>) dst(%arg6 : memref<3200xi32, #tpu.memory_space<vmem>>)
    %dma_start3A_47 = arith.constant 0 : i32
    %dma_start3A_48 = tpu.memref_slice %arg2[%dma_start3A_47] : memref<1015808xf32, #tpu.memory_space<hbm>> -> memref<1015808xf32, #tpu.memory_space<hbm>>
    tpu.enqueue_indirect_dma source(%dma_start3A_48 : memref<1015808xf32, #tpu.memory_space<hbm>>) target(%arg8 : memref<3200xf32, #tpu.memory_space<vmem>>) offsets(%arg6 : memref<3200xi32, #tpu.memory_space<vmem>>) semaphore(%arg13 : memref<!tpu.dma_semaphore, #tpu.memory_space<semaphore_mem>>)
    %dma_wait3A_49 = arith.constant 0 : i32
    %dma_wait3A_50 = tpu.memref_slice %arg2[%dma_wait3A_49] : memref<1015808xf32, #tpu.memory_space<hbm>> -> memref<1015808xf32, #tpu.memory_space<hbm>>
    tpu.wait_indirect_dma semaphore(%arg12 : memref<!tpu.dma_semaphore, #tpu.memory_space<semaphore_mem>>) src(%dma_wait3A_50 : memref<1015808xf32, #tpu.memory_space<hbm>>) dst(%arg7 : memref<3200xf32, #tpu.memory_space<vmem>>)
    %add3A_51 = arith.constant 12800 : i32
    %add3A_52 = arith.addi %mul3A_2, %add3A_51 : i32
    %dma_start3A_53 = tpu.memref_slice %arg3[%add3A_52] : memref<3276800xi32, #tpu.memory_space<hbm>> -> memref<3200xi32, #tpu.memory_space<hbm>>
    %dma_start3A_54 = tpu.memref_slice %arg3[%add3A_52] : memref<3276800xi32, #tpu.memory_space<hbm>> -> memref<3200xi32, #tpu.memory_space<hbm>>
    tpu.enqueue_dma source(%dma_start3A_54 : memref<3200xi32, #tpu.memory_space<hbm>>) target(%arg5 : memref<3200xi32, #tpu.memory_space<vmem>>) target_semaphore(%arg10 : memref<!tpu.dma_semaphore, #tpu.memory_space<semaphore_mem>>)
    %scan3A_55 = arith.constant 0 : i32
    %scan3A_56 = arith.constant 50 : i32
    %scan3A_57 = arith.addi %scan3A_55, %scan3A_56 : i32
    %scan3A_58 = arith.constant 1 : i32
    %scan3A_59:4 = scf.for %scan3A_519 = %scan3A_55 to %scan3A_57 step %scan3A_58 iter_args(%scan3A_520 = %scan3A_43#0, %scan3A_521 = %scan3A_43#1, %scan3A_522 = %scan3A_43#2, %scan3A_523 = %scan3A_43#3) -> (vector<16xf32>, vector<16xf32>, vector<16xf32>, vector<16xf32>)  : i32 {
      %mul3A_524 = arith.constant 64 : i32
      %mul3A_525 = arith.muli %scan3A_519, %mul3A_524 : i32
      %get3A = arith.index_cast %mul3A_525 : i32 to index
      %get3A_526 = tpu.vector_load %arg7[%get3A] {strides = array<i32>} : memref<3200xf32, #tpu.memory_space<vmem>>, vector<16xf32>,
      %get3A_527 = vector.shape_cast %get3A_526 : vector<16xf32> to vector<16xf32>
      %add3A_528 = arith.addf %scan3A_520, %get3A_527 : vector<16xf32>
      %add3A_529 = arith.constant 16 : i32
      %add3A_530 = arith.addi %mul3A_525, %add3A_529 : i32
      %get3A_531 = arith.index_cast %add3A_530 : i32 to index
      %get3A_532 = tpu.vector_load %arg7[%get3A_531] {strides = array<i32>} : memref<3200xf32, #tpu.memory_space<vmem>>, vector<16xf32>,
      %get3A_533 = vector.shape_cast %get3A_532 : vector<16xf32> to vector<16xf32>
      %add3A_534 = arith.addf %scan3A_521, %get3A_533 : vector<16xf32>
      %add3A_535 = arith.constant 32 : i32
      %add3A_536 = arith.addi %mul3A_525, %add3A_535 : i32
      %get3A_537 = arith.index_cast %add3A_536 : i32 to index
      %get3A_538 = tpu.vector_load %arg7[%get3A_537] {strides = array<i32>} : memref<3200xf32, #tpu.memory_space<vmem>>, vector<16xf32>,
      %get3A_539 = vector.shape_cast %get3A_538 : vector<16xf32> to vector<16xf32>
      %add3A_540 = arith.addf %scan3A_522, %get3A_539 : vector<16xf32>
      %add3A_541 = arith.constant 48 : i32
      %add3A_542 = arith.addi %mul3A_525, %add3A_541 : i32
      %get3A_543 = arith.index_cast %add3A_542 : i32 to index
      %get3A_544 = tpu.vector_load %arg7[%get3A_543] {strides = array<i32>} : memref<3200xf32, #tpu.memory_space<vmem>>, vector<16xf32>,
      %get3A_545 = vector.shape_cast %get3A_544 : vector<16xf32> to vector<16xf32>
      %add3A_546 = arith.addf %scan3A_523, %get3A_545 : vector<16xf32>
      scf.yield %add3A_528, %add3A_534, %add3A_540, %add3A_546 : vector<16xf32>, vector<16xf32>, vector<16xf32>, vector<16xf32>
    }
    %scan3A_60 = arith.constant 50 : i32
    %dma_wait3A_61 = tpu.memref_slice %arg3[%add3A_52] : memref<3276800xi32, #tpu.memory_space<hbm>> -> memref<3200xi32, #tpu.memory_space<hbm>>
    %dma_wait3A_62 = tpu.memref_slice %arg3[%add3A_52] : memref<3276800xi32, #tpu.memory_space<hbm>> -> memref<3200xi32, #tpu.memory_space<hbm>>
    tpu.wait_dma2 semaphore(%arg10 : memref<!tpu.dma_semaphore, #tpu.memory_space<semaphore_mem>>) src(%dma_wait3A_62 : memref<3200xi32, #tpu.memory_space<hbm>>) dst(%arg5 : memref<3200xi32, #tpu.memory_space<vmem>>)
    %dma_start3A_63 = arith.constant 0 : i32
    %dma_start3A_64 = tpu.memref_slice %arg2[%dma_start3A_63] : memref<1015808xf32, #tpu.memory_space<hbm>> -> memref<1015808xf32, #tpu.memory_space<hbm>>
    tpu.enqueue_indirect_dma source(%dma_start3A_64 : memref<1015808xf32, #tpu.memory_space<hbm>>) target(%arg7 : memref<3200xf32, #tpu.memory_space<vmem>>) offsets(%arg5 : memref<3200xi32, #tpu.memory_space<vmem>>) semaphore(%arg12 : memref<!tpu.dma_semaphore, #tpu.memory_space<semaphore_mem>>)
    %dma_wait3A_65 = arith.constant 0 : i32
    %dma_wait3A_66 = tpu.memref_slice %arg2[%dma_wait3A_65] : memref<1015808xf32, #tpu.memory_space<hbm>> -> memref<1015808xf32, #tpu.memory_space<hbm>>
    tpu.wait_indirect_dma semaphore(%arg13 : memref<!tpu.dma_semaphore, #tpu.memory_space<semaphore_mem>>) src(%dma_wait3A_66 : memref<1015808xf32, #tpu.memory_space<hbm>>) dst(%arg8 : memref<3200xf32, #tpu.memory_space<vmem>>)
    %add3A_67 = arith.constant 16000 : i32
    %add3A_68 = arith.addi %mul3A_2, %add3A_67 : i32
    %dma_start3A_69 = tpu.memref_slice %arg3[%add3A_68] : memref<3276800xi32, #tpu.memory_space<hbm>> -> memref<3200xi32, #tpu.memory_space<hbm>>
    %dma_start3A_70 = tpu.memref_slice %arg3[%add3A_68] : memref<3276800xi32, #tpu.memory_space<hbm>> -> memref<3200xi32, #tpu.memory_space<hbm>>
    tpu.enqueue_dma source(%dma_start3A_70 : memref<3200xi32, #tpu.memory_space<hbm>>) target(%arg6 : memref<3200xi32, #tpu.memory_space<vmem>>) target_semaphore(%arg11 : memref<!tpu.dma_semaphore, #tpu.memory_space<semaphore_mem>>)
    %scan3A_71 = arith.constant 0 : i32
    %scan3A_72 = arith.constant 50 : i32
    %scan3A_73 = arith.addi %scan3A_71, %scan3A_72 : i32
    %scan3A_74 = arith.constant 1 : i32
    %scan3A_75:4 = scf.for %scan3A_519 = %scan3A_71 to %scan3A_73 step %scan3A_74 iter_args(%scan3A_520 = %scan3A_59#0, %scan3A_521 = %scan3A_59#1, %scan3A_522 = %scan3A_59#2, %scan3A_523 = %scan3A_59#3) -> (vector<16xf32>, vector<16xf32>, vector<16xf32>, vector<16xf32>)  : i32 {
      %mul3A_524 = arith.constant 64 : i32
      %mul3A_525 = arith.muli %scan3A_519, %mul3A_524 : i32
      %get3A = arith.index_cast %mul3A_525 : i32 to index
      %get3A_526 = tpu.vector_load %arg8[%get3A] {strides = array<i32>} : memref<3200xf32, #tpu.memory_space<vmem>>, vector<16xf32>,
      %get3A_527 = vector.shape_cast %get3A_526 : vector<16xf32> to vector<16xf32>
      %add3A_528 = arith.addf %scan3A_520, %get3A_527 : vector<16xf32>
      %add3A_529 = arith.constant 16 : i32
      %add3A_530 = arith.addi %mul3A_525, %add3A_529 : i32
      %get3A_531 = arith.index_cast %add3A_530 : i32 to index
      %get3A_532 = tpu.vector_load %arg8[%get3A_531] {strides = array<i32>} : memref<3200xf32, #tpu.memory_space<vmem>>, vector<16xf32>,
      %get3A_533 = vector.shape_cast %get3A_532 : vector<16xf32> to vector<16xf32>
      %add3A_534 = arith.addf %scan3A_521, %get3A_533 : vector<16xf32>
      %add3A_535 = arith.constant 32 : i32
      %add3A_536 = arith.addi %mul3A_525, %add3A_535 : i32
      %get3A_537 = arith.index_cast %add3A_536 : i32 to index
      %get3A_538 = tpu.vector_load %arg8[%get3A_537] {strides = array<i32>} : memref<3200xf32, #tpu.memory_space<vmem>>, vector<16xf32>,
      %get3A_539 = vector.shape_cast %get3A_538 : vector<16xf32> to vector<16xf32>
      %add3A_540 = arith.addf %scan3A_522, %get3A_539 : vector<16xf32>
      %add3A_541 = arith.constant 48 : i32
      %add3A_542 = arith.addi %mul3A_525, %add3A_541 : i32
      %get3A_543 = arith.index_cast %add3A_542 : i32 to index
      %get3A_544 = tpu.vector_load %arg8[%get3A_543] {strides = array<i32>} : memref<3200xf32, #tpu.memory_space<vmem>>, vector<16xf32>,
      %get3A_545 = vector.shape_cast %get3A_544 : vector<16xf32> to vector<16xf32>
      %add3A_546 = arith.addf %scan3A_523, %get3A_545 : vector<16xf32>
      scf.yield %add3A_528, %add3A_534, %add3A_540, %add3A_546 : vector<16xf32>, vector<16xf32>, vector<16xf32>, vector<16xf32>
    }
    %scan3A_76 = arith.constant 50 : i32
    %dma_wait3A_77 = tpu.memref_slice %arg3[%add3A_68] : memref<3276800xi32, #tpu.memory_space<hbm>> -> memref<3200xi32, #tpu.memory_space<hbm>>
    %dma_wait3A_78 = tpu.memref_slice %arg3[%add3A_68] : memref<3276800xi32, #tpu.memory_space<hbm>> -> memref<3200xi32, #tpu.memory_space<hbm>>
    tpu.wait_dma2 semaphore(%arg11 : memref<!tpu.dma_semaphore, #tpu.memory_space<semaphore_mem>>) src(%dma_wait3A_78 : memref<3200xi32, #tpu.memory_space<hbm>>) dst(%arg6 : memref<3200xi32, #tpu.memory_space<vmem>>)
    %dma_start3A_79 = arith.constant 0 : i32
    %dma_start3A_80 = tpu.memref_slice %arg2[%dma_start3A_79] : memref<1015808xf32, #tpu.memory_space<hbm>> -> memref<1015808xf32, #tpu.memory_space<hbm>>
    tpu.enqueue_indirect_dma source(%dma_start3A_80 : memref<1015808xf32, #tpu.memory_space<hbm>>) target(%arg8 : memref<3200xf32, #tpu.memory_space<vmem>>) offsets(%arg6 : memref<3200xi32, #tpu.memory_space<vmem>>) semaphore(%arg13 : memref<!tpu.dma_semaphore, #tpu.memory_space<semaphore_mem>>)
    %dma_wait3A_81 = arith.constant 0 : i32
    %dma_wait3A_82 = tpu.memref_slice %arg2[%dma_wait3A_81] : memref<1015808xf32, #tpu.memory_space<hbm>> -> memref<1015808xf32, #tpu.memory_space<hbm>>
    tpu.wait_indirect_dma semaphore(%arg12 : memref<!tpu.dma_semaphore, #tpu.memory_space<semaphore_mem>>) src(%dma_wait3A_82 : memref<1015808xf32, #tpu.memory_space<hbm>>) dst(%arg7 : memref<3200xf32, #tpu.memory_space<vmem>>)
    %add3A_83 = arith.constant 19200 : i32
    %add3A_84 = arith.addi %mul3A_2, %add3A_83 : i32
    %dma_start3A_85 = tpu.memref_slice %arg3[%add3A_84] : memref<3276800xi32, #tpu.memory_space<hbm>> -> memref<3200xi32, #tpu.memory_space<hbm>>
    %dma_start3A_86 = tpu.memref_slice %arg3[%add3A_84] : memref<3276800xi32, #tpu.memory_space<hbm>> -> memref<3200xi32, #tpu.memory_space<hbm>>
    tpu.enqueue_dma source(%dma_start3A_86 : memref<3200xi32, #tpu.memory_space<hbm>>) target(%arg5 : memref<3200xi32, #tpu.memory_space<vmem>>) target_semaphore(%arg10 : memref<!tpu.dma_semaphore, #tpu.memory_space<semaphore_mem>>)
    %scan3A_87 = arith.constant 0 : i32
    %scan3A_88 = arith.constant 50 : i32
    %scan3A_89 = arith.addi %scan3A_87, %scan3A_88 : i32
    %scan3A_90 = arith.constant 1 : i32
    %scan3A_91:4 = scf.for %scan3A_519 = %scan3A_87 to %scan3A_89 step %scan3A_90 iter_args(%scan3A_520 = %scan3A_75#0, %scan3A_521 = %scan3A_75#1, %scan3A_522 = %scan3A_75#2, %scan3A_523 = %scan3A_75#3) -> (vector<16xf32>, vector<16xf32>, vector<16xf32>, vector<16xf32>)  : i32 {
      %mul3A_524 = arith.constant 64 : i32
      %mul3A_525 = arith.muli %scan3A_519, %mul3A_524 : i32
      %get3A = arith.index_cast %mul3A_525 : i32 to index
      %get3A_526 = tpu.vector_load %arg7[%get3A] {strides = array<i32>} : memref<3200xf32, #tpu.memory_space<vmem>>, vector<16xf32>,
      %get3A_527 = vector.shape_cast %get3A_526 : vector<16xf32> to vector<16xf32>
      %add3A_528 = arith.addf %scan3A_520, %get3A_527 : vector<16xf32>
      %add3A_529 = arith.constant 16 : i32
      %add3A_530 = arith.addi %mul3A_525, %add3A_529 : i32
      %get3A_531 = arith.index_cast %add3A_530 : i32 to index
      %get3A_532 = tpu.vector_load %arg7[%get3A_531] {strides = array<i32>} : memref<3200xf32, #tpu.memory_space<vmem>>, vector<16xf32>,
      %get3A_533 = vector.shape_cast %get3A_532 : vector<16xf32> to vector<16xf32>
      %add3A_534 = arith.addf %scan3A_521, %get3A_533 : vector<16xf32>
      %add3A_535 = arith.constant 32 : i32
      %add3A_536 = arith.addi %mul3A_525, %add3A_535 : i32
      %get3A_537 = arith.index_cast %add3A_536 : i32 to index
      %get3A_538 = tpu.vector_load %arg7[%get3A_537] {strides = array<i32>} : memref<3200xf32, #tpu.memory_space<vmem>>, vector<16xf32>,
      %get3A_539 = vector.shape_cast %get3A_538 : vector<16xf32> to vector<16xf32>
      %add3A_540 = arith.addf %scan3A_522, %get3A_539 : vector<16xf32>
      %add3A_541 = arith.constant 48 : i32
      %add3A_542 = arith.addi %mul3A_525, %add3A_541 : i32
      %get3A_543 = arith.index_cast %add3A_542 : i32 to index
      %get3A_544 = tpu.vector_load %arg7[%get3A_543] {strides = array<i32>} : memref<3200xf32, #tpu.memory_space<vmem>>, vector<16xf32>,
      %get3A_545 = vector.shape_cast %get3A_544 : vector<16xf32> to vector<16xf32>
      %add3A_546 = arith.addf %scan3A_523, %get3A_545 : vector<16xf32>
      scf.yield %add3A_528, %add3A_534, %add3A_540, %add3A_546 : vector<16xf32>, vector<16xf32>, vector<16xf32>, vector<16xf32>
    }
    %scan3A_92 = arith.constant 50 : i32
    %dma_wait3A_93 = tpu.memref_slice %arg3[%add3A_84] : memref<3276800xi32, #tpu.memory_space<hbm>> -> memref<3200xi32, #tpu.memory_space<hbm>>
    %dma_wait3A_94 = tpu.memref_slice %arg3[%add3A_84] : memref<3276800xi32, #tpu.memory_space<hbm>> -> memref<3200xi32, #tpu.memory_space<hbm>>
    tpu.wait_dma2 semaphore(%arg10 : memref<!tpu.dma_semaphore, #tpu.memory_space<semaphore_mem>>) src(%dma_wait3A_94 : memref<3200xi32, #tpu.memory_space<hbm>>) dst(%arg5 : memref<3200xi32, #tpu.memory_space<vmem>>)
    %dma_start3A_95 = arith.constant 0 : i32
    %dma_start3A_96 = tpu.memref_slice %arg2[%dma_start3A_95] : memref<1015808xf32, #tpu.memory_space<hbm>> -> memref<1015808xf32, #tpu.memory_space<hbm>>
    tpu.enqueue_indirect_dma source(%dma_start3A_96 : memref<1015808xf32, #tpu.memory_space<hbm>>) target(%arg7 : memref<3200xf32, #tpu.memory_space<vmem>>) offsets(%arg5 : memref<3200xi32, #tpu.memory_space<vmem>>) semaphore(%arg12 : memref<!tpu.dma_semaphore, #tpu.memory_space<semaphore_mem>>)
    %dma_wait3A_97 = arith.constant 0 : i32
    %dma_wait3A_98 = tpu.memref_slice %arg2[%dma_wait3A_97] : memref<1015808xf32, #tpu.memory_space<hbm>> -> memref<1015808xf32, #tpu.memory_space<hbm>>
    tpu.wait_indirect_dma semaphore(%arg13 : memref<!tpu.dma_semaphore, #tpu.memory_space<semaphore_mem>>) src(%dma_wait3A_98 : memref<1015808xf32, #tpu.memory_space<hbm>>) dst(%arg8 : memref<3200xf32, #tpu.memory_space<vmem>>)
    %add3A_99 = arith.constant 22400 : i32
    %add3A_100 = arith.addi %mul3A_2, %add3A_99 : i32
    %dma_start3A_101 = tpu.memref_slice %arg3[%add3A_100] : memref<3276800xi32, #tpu.memory_space<hbm>> -> memref<3200xi32, #tpu.memory_space<hbm>>
    %dma_start3A_102 = tpu.memref_slice %arg3[%add3A_100] : memref<3276800xi32, #tpu.memory_space<hbm>> -> memref<3200xi32, #tpu.memory_space<hbm>>
    tpu.enqueue_dma source(%dma_start3A_102 : memref<3200xi32, #tpu.memory_space<hbm>>) target(%arg6 : memref<3200xi32, #tpu.memory_space<vmem>>) target_semaphore(%arg11 : memref<!tpu.dma_semaphore, #tpu.memory_space<semaphore_mem>>)
    %scan3A_103 = arith.constant 0 : i32
    %scan3A_104 = arith.constant 50 : i32
    %scan3A_105 = arith.addi %scan3A_103, %scan3A_104 : i32
    %scan3A_106 = arith.constant 1 : i32
    %scan3A_107:4 = scf.for %scan3A_519 = %scan3A_103 to %scan3A_105 step %scan3A_106 iter_args(%scan3A_520 = %scan3A_91#0, %scan3A_521 = %scan3A_91#1, %scan3A_522 = %scan3A_91#2, %scan3A_523 = %scan3A_91#3) -> (vector<16xf32>, vector<16xf32>, vector<16xf32>, vector<16xf32>)  : i32 {
      %mul3A_524 = arith.constant 64 : i32
      %mul3A_525 = arith.muli %scan3A_519, %mul3A_524 : i32
      %get3A = arith.index_cast %mul3A_525 : i32 to index
      %get3A_526 = tpu.vector_load %arg8[%get3A] {strides = array<i32>} : memref<3200xf32, #tpu.memory_space<vmem>>, vector<16xf32>,
      %get3A_527 = vector.shape_cast %get3A_526 : vector<16xf32> to vector<16xf32>
      %add3A_528 = arith.addf %scan3A_520, %get3A_527 : vector<16xf32>
      %add3A_529 = arith.constant 16 : i32
      %add3A_530 = arith.addi %mul3A_525, %add3A_529 : i32
      %get3A_531 = arith.index_cast %add3A_530 : i32 to index
      %get3A_532 = tpu.vector_load %arg8[%get3A_531] {strides = array<i32>} : memref<3200xf32, #tpu.memory_space<vmem>>, vector<16xf32>,
      %get3A_533 = vector.shape_cast %get3A_532 : vector<16xf32> to vector<16xf32>
      %add3A_534 = arith.addf %scan3A_521, %get3A_533 : vector<16xf32>
      %add3A_535 = arith.constant 32 : i32
      %add3A_536 = arith.addi %mul3A_525, %add3A_535 : i32
      %get3A_537 = arith.index_cast %add3A_536 : i32 to index
      %get3A_538 = tpu.vector_load %arg8[%get3A_537] {strides = array<i32>} : memref<3200xf32, #tpu.memory_space<vmem>>, vector<16xf32>,
      %get3A_539 = vector.shape_cast %get3A_538 : vector<16xf32> to vector<16xf32>
      %add3A_540 = arith.addf %scan3A_522, %get3A_539 : vector<16xf32>
      %add3A_541 = arith.constant 48 : i32
      %add3A_542 = arith.addi %mul3A_525, %add3A_541 : i32
      %get3A_543 = arith.index_cast %add3A_542 : i32 to index
      %get3A_544 = tpu.vector_load %arg8[%get3A_543] {strides = array<i32>} : memref<3200xf32, #tpu.memory_space<vmem>>, vector<16xf32>,
      %get3A_545 = vector.shape_cast %get3A_544 : vector<16xf32> to vector<16xf32>
      %add3A_546 = arith.addf %scan3A_523, %get3A_545 : vector<16xf32>
      scf.yield %add3A_528, %add3A_534, %add3A_540, %add3A_546 : vector<16xf32>, vector<16xf32>, vector<16xf32>, vector<16xf32>
    }
    %scan3A_108 = arith.constant 50 : i32
    %dma_wait3A_109 = tpu.memref_slice %arg3[%add3A_100] : memref<3276800xi32, #tpu.memory_space<hbm>> -> memref<3200xi32, #tpu.memory_space<hbm>>
    %dma_wait3A_110 = tpu.memref_slice %arg3[%add3A_100] : memref<3276800xi32, #tpu.memory_space<hbm>> -> memref<3200xi32, #tpu.memory_space<hbm>>
    tpu.wait_dma2 semaphore(%arg11 : memref<!tpu.dma_semaphore, #tpu.memory_space<semaphore_mem>>) src(%dma_wait3A_110 : memref<3200xi32, #tpu.memory_space<hbm>>) dst(%arg6 : memref<3200xi32, #tpu.memory_space<vmem>>)
    %dma_start3A_111 = arith.constant 0 : i32
    %dma_start3A_112 = tpu.memref_slice %arg2[%dma_start3A_111] : memref<1015808xf32, #tpu.memory_space<hbm>> -> memref<1015808xf32, #tpu.memory_space<hbm>>
    tpu.enqueue_indirect_dma source(%dma_start3A_112 : memref<1015808xf32, #tpu.memory_space<hbm>>) target(%arg8 : memref<3200xf32, #tpu.memory_space<vmem>>) offsets(%arg6 : memref<3200xi32, #tpu.memory_space<vmem>>) semaphore(%arg13 : memref<!tpu.dma_semaphore, #tpu.memory_space<semaphore_mem>>)
    %dma_wait3A_113 = arith.constant 0 : i32
    %dma_wait3A_114 = tpu.memref_slice %arg2[%dma_wait3A_113] : memref<1015808xf32, #tpu.memory_space<hbm>> -> memref<1015808xf32, #tpu.memory_space<hbm>>
    tpu.wait_indirect_dma semaphore(%arg12 : memref<!tpu.dma_semaphore, #tpu.memory_space<semaphore_mem>>) src(%dma_wait3A_114 : memref<1015808xf32, #tpu.memory_space<hbm>>) dst(%arg7 : memref<3200xf32, #tpu.memory_space<vmem>>)
    %add3A_115 = arith.constant 25600 : i32
    %add3A_116 = arith.addi %mul3A_2, %add3A_115 : i32
    %dma_start3A_117 = tpu.memref_slice %arg3[%add3A_116] : memref<3276800xi32, #tpu.memory_space<hbm>> -> memref<3200xi32, #tpu.memory_space<hbm>>
    %dma_start3A_118 = tpu.memref_slice %arg3[%add3A_116] : memref<3276800xi32, #tpu.memory_space<hbm>> -> memref<3200xi32, #tpu.memory_space<hbm>>
    tpu.enqueue_dma source(%dma_start3A_118 : memref<3200xi32, #tpu.memory_space<hbm>>) target(%arg5 : memref<3200xi32, #tpu.memory_space<vmem>>) target_semaphore(%arg10 : memref<!tpu.dma_semaphore, #tpu.memory_space<semaphore_mem>>)
    %scan3A_119 = arith.constant 0 : i32
    %scan3A_120 = arith.constant 50 : i32
    %scan3A_121 = arith.addi %scan3A_119, %scan3A_120 : i32
    %scan3A_122 = arith.constant 1 : i32
    %scan3A_123:4 = scf.for %scan3A_519 = %scan3A_119 to %scan3A_121 step %scan3A_122 iter_args(%scan3A_520 = %scan3A_107#0, %scan3A_521 = %scan3A_107#1, %scan3A_522 = %scan3A_107#2, %scan3A_523 = %scan3A_107#3) -> (vector<16xf32>, vector<16xf32>, vector<16xf32>, vector<16xf32>)  : i32 {
      %mul3A_524 = arith.constant 64 : i32
      %mul3A_525 = arith.muli %scan3A_519, %mul3A_524 : i32
      %get3A = arith.index_cast %mul3A_525 : i32 to index
      %get3A_526 = tpu.vector_load %arg7[%get3A] {strides = array<i32>} : memref<3200xf32, #tpu.memory_space<vmem>>, vector<16xf32>,
      %get3A_527 = vector.shape_cast %get3A_526 : vector<16xf32> to vector<16xf32>
      %add3A_528 = arith.addf %scan3A_520, %get3A_527 : vector<16xf32>
      %add3A_529 = arith.constant 16 : i32
      %add3A_530 = arith.addi %mul3A_525, %add3A_529 : i32
      %get3A_531 = arith.index_cast %add3A_530 : i32 to index
      %get3A_532 = tpu.vector_load %arg7[%get3A_531] {strides = array<i32>} : memref<3200xf32, #tpu.memory_space<vmem>>, vector<16xf32>,
      %get3A_533 = vector.shape_cast %get3A_532 : vector<16xf32> to vector<16xf32>
      %add3A_534 = arith.addf %scan3A_521, %get3A_533 : vector<16xf32>
      %add3A_535 = arith.constant 32 : i32
      %add3A_536 = arith.addi %mul3A_525, %add3A_535 : i32
      %get3A_537 = arith.index_cast %add3A_536 : i32 to index
      %get3A_538 = tpu.vector_load %arg7[%get3A_537] {strides = array<i32>} : memref<3200xf32, #tpu.memory_space<vmem>>, vector<16xf32>,
      %get3A_539 = vector.shape_cast %get3A_538 : vector<16xf32> to vector<16xf32>
      %add3A_540 = arith.addf %scan3A_522, %get3A_539 : vector<16xf32>
      %add3A_541 = arith.constant 48 : i32
      %add3A_542 = arith.addi %mul3A_525, %add3A_541 : i32
      %get3A_543 = arith.index_cast %add3A_542 : i32 to index
      %get3A_544 = tpu.vector_load %arg7[%get3A_543] {strides = array<i32>} : memref<3200xf32, #tpu.memory_space<vmem>>, vector<16xf32>,
      %get3A_545 = vector.shape_cast %get3A_544 : vector<16xf32> to vector<16xf32>
      %add3A_546 = arith.addf %scan3A_523, %get3A_545 : vector<16xf32>
      scf.yield %add3A_528, %add3A_534, %add3A_540, %add3A_546 : vector<16xf32>, vector<16xf32>, vector<16xf32>, vector<16xf32>
    }
    %scan3A_124 = arith.constant 50 : i32
    %dma_wait3A_125 = tpu.memref_slice %arg3[%add3A_116] : memref<3276800xi32, #tpu.memory_space<hbm>> -> memref<3200xi32, #tpu.memory_space<hbm>>
    %dma_wait3A_126 = tpu.memref_slice %arg3[%add3A_116] : memref<3276800xi32, #tpu.memory_space<hbm>> -> memref<3200xi32, #tpu.memory_space<hbm>>
    tpu.wait_dma2 semaphore(%arg10 : memref<!tpu.dma_semaphore, #tpu.memory_space<semaphore_mem>>) src(%dma_wait3A_126 : memref<3200xi32, #tpu.memory_space<hbm>>) dst(%arg5 : memref<3200xi32, #tpu.memory_space<vmem>>)
    %dma_start3A_127 = arith.constant 0 : i32
    %dma_start3A_128 = tpu.memref_slice %arg2[%dma_start3A_127] : memref<1015808xf32, #tpu.memory_space<hbm>> -> memref<1015808xf32, #tpu.memory_space<hbm>>
    tpu.enqueue_indirect_dma source(%dma_start3A_128 : memref<1015808xf32, #tpu.memory_space<hbm>>) target(%arg7 : memref<3200xf32, #tpu.memory_space<vmem>>) offsets(%arg5 : memref<3200xi32, #tpu.memory_space<vmem>>) semaphore(%arg12 : memref<!tpu.dma_semaphore, #tpu.memory_space<semaphore_mem>>)
    %dma_wait3A_129 = arith.constant 0 : i32
    %dma_wait3A_130 = tpu.memref_slice %arg2[%dma_wait3A_129] : memref<1015808xf32, #tpu.memory_space<hbm>> -> memref<1015808xf32, #tpu.memory_space<hbm>>
    tpu.wait_indirect_dma semaphore(%arg13 : memref<!tpu.dma_semaphore, #tpu.memory_space<semaphore_mem>>) src(%dma_wait3A_130 : memref<1015808xf32, #tpu.memory_space<hbm>>) dst(%arg8 : memref<3200xf32, #tpu.memory_space<vmem>>)
    %add3A_131 = arith.constant 28800 : i32
    %add3A_132 = arith.addi %mul3A_2, %add3A_131 : i32
    %dma_start3A_133 = tpu.memref_slice %arg3[%add3A_132] : memref<3276800xi32, #tpu.memory_space<hbm>> -> memref<3200xi32, #tpu.memory_space<hbm>>
    %dma_start3A_134 = tpu.memref_slice %arg3[%add3A_132] : memref<3276800xi32, #tpu.memory_space<hbm>> -> memref<3200xi32, #tpu.memory_space<hbm>>
    tpu.enqueue_dma source(%dma_start3A_134 : memref<3200xi32, #tpu.memory_space<hbm>>) target(%arg6 : memref<3200xi32, #tpu.memory_space<vmem>>) target_semaphore(%arg11 : memref<!tpu.dma_semaphore, #tpu.memory_space<semaphore_mem>>)
    %scan3A_135 = arith.constant 0 : i32
    %scan3A_136 = arith.constant 50 : i32
    %scan3A_137 = arith.addi %scan3A_135, %scan3A_136 : i32
    %scan3A_138 = arith.constant 1 : i32
    %scan3A_139:4 = scf.for %scan3A_519 = %scan3A_135 to %scan3A_137 step %scan3A_138 iter_args(%scan3A_520 = %scan3A_123#0, %scan3A_521 = %scan3A_123#1, %scan3A_522 = %scan3A_123#2, %scan3A_523 = %scan3A_123#3) -> (vector<16xf32>, vector<16xf32>, vector<16xf32>, vector<16xf32>)  : i32 {
      %mul3A_524 = arith.constant 64 : i32
      %mul3A_525 = arith.muli %scan3A_519, %mul3A_524 : i32
      %get3A = arith.index_cast %mul3A_525 : i32 to index
      %get3A_526 = tpu.vector_load %arg8[%get3A] {strides = array<i32>} : memref<3200xf32, #tpu.memory_space<vmem>>, vector<16xf32>,
      %get3A_527 = vector.shape_cast %get3A_526 : vector<16xf32> to vector<16xf32>
      %add3A_528 = arith.addf %scan3A_520, %get3A_527 : vector<16xf32>
      %add3A_529 = arith.constant 16 : i32
      %add3A_530 = arith.addi %mul3A_525, %add3A_529 : i32
      %get3A_531 = arith.index_cast %add3A_530 : i32 to index
      %get3A_532 = tpu.vector_load %arg8[%get3A_531] {strides = array<i32>} : memref<3200xf32, #tpu.memory_space<vmem>>, vector<16xf32>,
      %get3A_533 = vector.shape_cast %get3A_532 : vector<16xf32> to vector<16xf32>
      %add3A_534 = arith.addf %scan3A_521, %get3A_533 : vector<16xf32>
      %add3A_535 = arith.constant 32 : i32
      %add3A_536 = arith.addi %mul3A_525, %add3A_535 : i32
      %get3A_537 = arith.index_cast %add3A_536 : i32 to index
      %get3A_538 = tpu.vector_load %arg8[%get3A_537] {strides = array<i32>} : memref<3200xf32, #tpu.memory_space<vmem>>, vector<16xf32>,
      %get3A_539 = vector.shape_cast %get3A_538 : vector<16xf32> to vector<16xf32>
      %add3A_540 = arith.addf %scan3A_522, %get3A_539 : vector<16xf32>
      %add3A_541 = arith.constant 48 : i32
      %add3A_542 = arith.addi %mul3A_525, %add3A_541 : i32
      %get3A_543 = arith.index_cast %add3A_542 : i32 to index
      %get3A_544 = tpu.vector_load %arg8[%get3A_543] {strides = array<i32>} : memref<3200xf32, #tpu.memory_space<vmem>>, vector<16xf32>,
      %get3A_545 = vector.shape_cast %get3A_544 : vector<16xf32> to vector<16xf32>
      %add3A_546 = arith.addf %scan3A_523, %get3A_545 : vector<16xf32>
      scf.yield %add3A_528, %add3A_534, %add3A_540, %add3A_546 : vector<16xf32>, vector<16xf32>, vector<16xf32>, vector<16xf32>
    }
    %scan3A_140 = arith.constant 50 : i32
    %dma_wait3A_141 = tpu.memref_slice %arg3[%add3A_132] : memref<3276800xi32, #tpu.memory_space<hbm>> -> memref<3200xi32, #tpu.memory_space<hbm>>
    %dma_wait3A_142 = tpu.memref_slice %arg3[%add3A_132] : memref<3276800xi32, #tpu.memory_space<hbm>> -> memref<3200xi32, #tpu.memory_space<hbm>>
    tpu.wait_dma2 semaphore(%arg11 : memref<!tpu.dma_semaphore, #tpu.memory_space<semaphore_mem>>) src(%dma_wait3A_142 : memref<3200xi32, #tpu.memory_space<hbm>>) dst(%arg6 : memref<3200xi32, #tpu.memory_space<vmem>>)
    %dma_start3A_143 = arith.constant 0 : i32
    %dma_start3A_144 = tpu.memref_slice %arg2[%dma_start3A_143] : memref<1015808xf32, #tpu.memory_space<hbm>> -> memref<1015808xf32, #tpu.memory_space<hbm>>
    tpu.enqueue_indirect_dma source(%dma_start3A_144 : memref<1015808xf32, #tpu.memory_space<hbm>>) target(%arg8 : memref<3200xf32, #tpu.memory_space<vmem>>) offsets(%arg6 : memref<3200xi32, #tpu.memory_space<vmem>>) semaphore(%arg13 : memref<!tpu.dma_semaphore, #tpu.memory_space<semaphore_mem>>)
    %dma_wait3A_145 = arith.constant 0 : i32
    %dma_wait3A_146 = tpu.memref_slice %arg2[%dma_wait3A_145] : memref<1015808xf32, #tpu.memory_space<hbm>> -> memref<1015808xf32, #tpu.memory_space<hbm>>
    tpu.wait_indirect_dma semaphore(%arg12 : memref<!tpu.dma_semaphore, #tpu.memory_space<semaphore_mem>>) src(%dma_wait3A_146 : memref<1015808xf32, #tpu.memory_space<hbm>>) dst(%arg7 : memref<3200xf32, #tpu.memory_space<vmem>>)
    %add3A_147 = arith.constant 32000 : i32
    %add3A_148 = arith.addi %mul3A_2, %add3A_147 : i32
    %dma_start3A_149 = tpu.memref_slice %arg3[%add3A_148] : memref<3276800xi32, #tpu.memory_space<hbm>> -> memref<3200xi32, #tpu.memory_space<hbm>>
    %dma_start3A_150 = tpu.memref_slice %arg3[%add3A_148] : memref<3276800xi32, #tpu.memory_space<hbm>> -> memref<3200xi32, #tpu.memory_space<hbm>>
    tpu.enqueue_dma source(%dma_start3A_150 : memref<3200xi32, #tpu.memory_space<hbm>>) target(%arg5 : memref<3200xi32, #tpu.memory_space<vmem>>) target_semaphore(%arg10 : memref<!tpu.dma_semaphore, #tpu.memory_space<semaphore_mem>>)
    %scan3A_151 = arith.constant 0 : i32
    %scan3A_152 = arith.constant 50 : i32
    %scan3A_153 = arith.addi %scan3A_151, %scan3A_152 : i32
    %scan3A_154 = arith.constant 1 : i32
    %scan3A_155:4 = scf.for %scan3A_519 = %scan3A_151 to %scan3A_153 step %scan3A_154 iter_args(%scan3A_520 = %scan3A_139#0, %scan3A_521 = %scan3A_139#1, %scan3A_522 = %scan3A_139#2, %scan3A_523 = %scan3A_139#3) -> (vector<16xf32>, vector<16xf32>, vector<16xf32>, vector<16xf32>)  : i32 {
      %mul3A_524 = arith.constant 64 : i32
      %mul3A_525 = arith.muli %scan3A_519, %mul3A_524 : i32
      %get3A = arith.index_cast %mul3A_525 : i32 to index
      %get3A_526 = tpu.vector_load %arg7[%get3A] {strides = array<i32>} : memref<3200xf32, #tpu.memory_space<vmem>>, vector<16xf32>,
      %get3A_527 = vector.shape_cast %get3A_526 : vector<16xf32> to vector<16xf32>
      %add3A_528 = arith.addf %scan3A_520, %get3A_527 : vector<16xf32>
      %add3A_529 = arith.constant 16 : i32
      %add3A_530 = arith.addi %mul3A_525, %add3A_529 : i32
      %get3A_531 = arith.index_cast %add3A_530 : i32 to index
      %get3A_532 = tpu.vector_load %arg7[%get3A_531] {strides = array<i32>} : memref<3200xf32, #tpu.memory_space<vmem>>, vector<16xf32>,
      %get3A_533 = vector.shape_cast %get3A_532 : vector<16xf32> to vector<16xf32>
      %add3A_534 = arith.addf %scan3A_521, %get3A_533 : vector<16xf32>
      %add3A_535 = arith.constant 32 : i32
      %add3A_536 = arith.addi %mul3A_525, %add3A_535 : i32
      %get3A_537 = arith.index_cast %add3A_536 : i32 to index
      %get3A_538 = tpu.vector_load %arg7[%get3A_537] {strides = array<i32>} : memref<3200xf32, #tpu.memory_space<vmem>>, vector<16xf32>,
      %get3A_539 = vector.shape_cast %get3A_538 : vector<16xf32> to vector<16xf32>
      %add3A_540 = arith.addf %scan3A_522, %get3A_539 : vector<16xf32>
      %add3A_541 = arith.constant 48 : i32
      %add3A_542 = arith.addi %mul3A_525, %add3A_541 : i32
      %get3A_543 = arith.index_cast %add3A_542 : i32 to index
      %get3A_544 = tpu.vector_load %arg7[%get3A_543] {strides = array<i32>} : memref<3200xf32, #tpu.memory_space<vmem>>, vector<16xf32>,
      %get3A_545 = vector.shape_cast %get3A_544 : vector<16xf32> to vector<16xf32>
      %add3A_546 = arith.addf %scan3A_523, %get3A_545 : vector<16xf32>
      scf.yield %add3A_528, %add3A_534, %add3A_540, %add3A_546 : vector<16xf32>, vector<16xf32>, vector<16xf32>, vector<16xf32>
    }
    %scan3A_156 = arith.constant 50 : i32
    %dma_wait3A_157 = tpu.memref_slice %arg3[%add3A_148] : memref<3276800xi32, #tpu.memory_space<hbm>> -> memref<3200xi32, #tpu.memory_space<hbm>>
    %dma_wait3A_158 = tpu.memref_slice %arg3[%add3A_148] : memref<3276800xi32, #tpu.memory_space<hbm>> -> memref<3200xi32, #tpu.memory_space<hbm>>
    tpu.wait_dma2 semaphore(%arg10 : memref<!tpu.dma_semaphore, #tpu.memory_space<semaphore_mem>>) src(%dma_wait3A_158 : memref<3200xi32, #tpu.memory_space<hbm>>) dst(%arg5 : memref<3200xi32, #tpu.memory_space<vmem>>)
    %dma_start3A_159 = arith.constant 0 : i32
    %dma_start3A_160 = tpu.memref_slice %arg2[%dma_start3A_159] : memref<1015808xf32, #tpu.memory_space<hbm>> -> memref<1015808xf32, #tpu.memory_space<hbm>>
    tpu.enqueue_indirect_dma source(%dma_start3A_160 : memref<1015808xf32, #tpu.memory_space<hbm>>) target(%arg7 : memref<3200xf32, #tpu.memory_space<vmem>>) offsets(%arg5 : memref<3200xi32, #tpu.memory_space<vmem>>) semaphore(%arg12 : memref<!tpu.dma_semaphore, #tpu.memory_space<semaphore_mem>>)
    %dma_wait3A_161 = arith.constant 0 : i32
    %dma_wait3A_162 = tpu.memref_slice %arg2[%dma_wait3A_161] : memref<1015808xf32, #tpu.memory_space<hbm>> -> memref<1015808xf32, #tpu.memory_space<hbm>>
    tpu.wait_indirect_dma semaphore(%arg13 : memref<!tpu.dma_semaphore, #tpu.memory_space<semaphore_mem>>) src(%dma_wait3A_162 : memref<1015808xf32, #tpu.memory_space<hbm>>) dst(%arg8 : memref<3200xf32, #tpu.memory_space<vmem>>)
    %add3A_163 = arith.constant 35200 : i32
    %add3A_164 = arith.addi %mul3A_2, %add3A_163 : i32
    %dma_start3A_165 = tpu.memref_slice %arg3[%add3A_164] : memref<3276800xi32, #tpu.memory_space<hbm>> -> memref<3200xi32, #tpu.memory_space<hbm>>
    %dma_start3A_166 = tpu.memref_slice %arg3[%add3A_164] : memref<3276800xi32, #tpu.memory_space<hbm>> -> memref<3200xi32, #tpu.memory_space<hbm>>
    tpu.enqueue_dma source(%dma_start3A_166 : memref<3200xi32, #tpu.memory_space<hbm>>) target(%arg6 : memref<3200xi32, #tpu.memory_space<vmem>>) target_semaphore(%arg11 : memref<!tpu.dma_semaphore, #tpu.memory_space<semaphore_mem>>)
    %scan3A_167 = arith.constant 0 : i32
    %scan3A_168 = arith.constant 50 : i32
    %scan3A_169 = arith.addi %scan3A_167, %scan3A_168 : i32
    %scan3A_170 = arith.constant 1 : i32
    %scan3A_171:4 = scf.for %scan3A_519 = %scan3A_167 to %scan3A_169 step %scan3A_170 iter_args(%scan3A_520 = %scan3A_155#0, %scan3A_521 = %scan3A_155#1, %scan3A_522 = %scan3A_155#2, %scan3A_523 = %scan3A_155#3) -> (vector<16xf32>, vector<16xf32>, vector<16xf32>, vector<16xf32>)  : i32 {
      %mul3A_524 = arith.constant 64 : i32
      %mul3A_525 = arith.muli %scan3A_519, %mul3A_524 : i32
      %get3A = arith.index_cast %mul3A_525 : i32 to index
      %get3A_526 = tpu.vector_load %arg8[%get3A] {strides = array<i32>} : memref<3200xf32, #tpu.memory_space<vmem>>, vector<16xf32>,
      %get3A_527 = vector.shape_cast %get3A_526 : vector<16xf32> to vector<16xf32>
      %add3A_528 = arith.addf %scan3A_520, %get3A_527 : vector<16xf32>
      %add3A_529 = arith.constant 16 : i32
      %add3A_530 = arith.addi %mul3A_525, %add3A_529 : i32
      %get3A_531 = arith.index_cast %add3A_530 : i32 to index
      %get3A_532 = tpu.vector_load %arg8[%get3A_531] {strides = array<i32>} : memref<3200xf32, #tpu.memory_space<vmem>>, vector<16xf32>,
      %get3A_533 = vector.shape_cast %get3A_532 : vector<16xf32> to vector<16xf32>
      %add3A_534 = arith.addf %scan3A_521, %get3A_533 : vector<16xf32>
      %add3A_535 = arith.constant 32 : i32
      %add3A_536 = arith.addi %mul3A_525, %add3A_535 : i32
      %get3A_537 = arith.index_cast %add3A_536 : i32 to index
      %get3A_538 = tpu.vector_load %arg8[%get3A_537] {strides = array<i32>} : memref<3200xf32, #tpu.memory_space<vmem>>, vector<16xf32>,
      %get3A_539 = vector.shape_cast %get3A_538 : vector<16xf32> to vector<16xf32>
      %add3A_540 = arith.addf %scan3A_522, %get3A_539 : vector<16xf32>
      %add3A_541 = arith.constant 48 : i32
      %add3A_542 = arith.addi %mul3A_525, %add3A_541 : i32
      %get3A_543 = arith.index_cast %add3A_542 : i32 to index
      %get3A_544 = tpu.vector_load %arg8[%get3A_543] {strides = array<i32>} : memref<3200xf32, #tpu.memory_space<vmem>>, vector<16xf32>,
      %get3A_545 = vector.shape_cast %get3A_544 : vector<16xf32> to vector<16xf32>
      %add3A_546 = arith.addf %scan3A_523, %get3A_545 : vector<16xf32>
      scf.yield %add3A_528, %add3A_534, %add3A_540, %add3A_546 : vector<16xf32>, vector<16xf32>, vector<16xf32>, vector<16xf32>
    }
    %scan3A_172 = arith.constant 50 : i32
    %dma_wait3A_173 = tpu.memref_slice %arg3[%add3A_164] : memref<3276800xi32, #tpu.memory_space<hbm>> -> memref<3200xi32, #tpu.memory_space<hbm>>
    %dma_wait3A_174 = tpu.memref_slice %arg3[%add3A_164] : memref<3276800xi32, #tpu.memory_space<hbm>> -> memref<3200xi32, #tpu.memory_space<hbm>>
    tpu.wait_dma2 semaphore(%arg11 : memref<!tpu.dma_semaphore, #tpu.memory_space<semaphore_mem>>) src(%dma_wait3A_174 : memref<3200xi32, #tpu.memory_space<hbm>>) dst(%arg6 : memref<3200xi32, #tpu.memory_space<vmem>>)
    %dma_start3A_175 = arith.constant 0 : i32
    %dma_start3A_176 = tpu.memref_slice %arg2[%dma_start3A_175] : memref<1015808xf32, #tpu.memory_space<hbm>> -> memref<1015808xf32, #tpu.memory_space<hbm>>
    tpu.enqueue_indirect_dma source(%dma_start3A_176 : memref<1015808xf32, #tpu.memory_space<hbm>>) target(%arg8 : memref<3200xf32, #tpu.memory_space<vmem>>) offsets(%arg6 : memref<3200xi32, #tpu.memory_space<vmem>>) semaphore(%arg13 : memref<!tpu.dma_semaphore, #tpu.memory_space<semaphore_mem>>)
    %dma_wait3A_177 = arith.constant 0 : i32
    %dma_wait3A_178 = tpu.memref_slice %arg2[%dma_wait3A_177] : memref<1015808xf32, #tpu.memory_space<hbm>> -> memref<1015808xf32, #tpu.memory_space<hbm>>
    tpu.wait_indirect_dma semaphore(%arg12 : memref<!tpu.dma_semaphore, #tpu.memory_space<semaphore_mem>>) src(%dma_wait3A_178 : memref<1015808xf32, #tpu.memory_space<hbm>>) dst(%arg7 : memref<3200xf32, #tpu.memory_space<vmem>>)
    %add3A_179 = arith.constant 38400 : i32
    %add3A_180 = arith.addi %mul3A_2, %add3A_179 : i32
    %dma_start3A_181 = tpu.memref_slice %arg3[%add3A_180] : memref<3276800xi32, #tpu.memory_space<hbm>> -> memref<3200xi32, #tpu.memory_space<hbm>>
    %dma_start3A_182 = tpu.memref_slice %arg3[%add3A_180] : memref<3276800xi32, #tpu.memory_space<hbm>> -> memref<3200xi32, #tpu.memory_space<hbm>>
    tpu.enqueue_dma source(%dma_start3A_182 : memref<3200xi32, #tpu.memory_space<hbm>>) target(%arg5 : memref<3200xi32, #tpu.memory_space<vmem>>) target_semaphore(%arg10 : memref<!tpu.dma_semaphore, #tpu.memory_space<semaphore_mem>>)
    %scan3A_183 = arith.constant 0 : i32
    %scan3A_184 = arith.constant 50 : i32
    %scan3A_185 = arith.addi %scan3A_183, %scan3A_184 : i32
    %scan3A_186 = arith.constant 1 : i32
    %scan3A_187:4 = scf.for %scan3A_519 = %scan3A_183 to %scan3A_185 step %scan3A_186 iter_args(%scan3A_520 = %scan3A_171#0, %scan3A_521 = %scan3A_171#1, %scan3A_522 = %scan3A_171#2, %scan3A_523 = %scan3A_171#3) -> (vector<16xf32>, vector<16xf32>, vector<16xf32>, vector<16xf32>)  : i32 {
      %mul3A_524 = arith.constant 64 : i32
      %mul3A_525 = arith.muli %scan3A_519, %mul3A_524 : i32
      %get3A = arith.index_cast %mul3A_525 : i32 to index
      %get3A_526 = tpu.vector_load %arg7[%get3A] {strides = array<i32>} : memref<3200xf32, #tpu.memory_space<vmem>>, vector<16xf32>,
      %get3A_527 = vector.shape_cast %get3A_526 : vector<16xf32> to vector<16xf32>
      %add3A_528 = arith.addf %scan3A_520, %get3A_527 : vector<16xf32>
      %add3A_529 = arith.constant 16 : i32
      %add3A_530 = arith.addi %mul3A_525, %add3A_529 : i32
      %get3A_531 = arith.index_cast %add3A_530 : i32 to index
      %get3A_532 = tpu.vector_load %arg7[%get3A_531] {strides = array<i32>} : memref<3200xf32, #tpu.memory_space<vmem>>, vector<16xf32>,
      %get3A_533 = vector.shape_cast %get3A_532 : vector<16xf32> to vector<16xf32>
      %add3A_534 = arith.addf %scan3A_521, %get3A_533 : vector<16xf32>
      %add3A_535 = arith.constant 32 : i32
      %add3A_536 = arith.addi %mul3A_525, %add3A_535 : i32
      %get3A_537 = arith.index_cast %add3A_536 : i32 to index
      %get3A_538 = tpu.vector_load %arg7[%get3A_537] {strides = array<i32>} : memref<3200xf32, #tpu.memory_space<vmem>>, vector<16xf32>,
      %get3A_539 = vector.shape_cast %get3A_538 : vector<16xf32> to vector<16xf32>
      %add3A_540 = arith.addf %scan3A_522, %get3A_539 : vector<16xf32>
      %add3A_541 = arith.constant 48 : i32
      %add3A_542 = arith.addi %mul3A_525, %add3A_541 : i32
      %get3A_543 = arith.index_cast %add3A_542 : i32 to index
      %get3A_544 = tpu.vector_load %arg7[%get3A_543] {strides = array<i32>} : memref<3200xf32, #tpu.memory_space<vmem>>, vector<16xf32>,
      %get3A_545 = vector.shape_cast %get3A_544 : vector<16xf32> to vector<16xf32>
      %add3A_546 = arith.addf %scan3A_523, %get3A_545 : vector<16xf32>
      scf.yield %add3A_528, %add3A_534, %add3A_540, %add3A_546 : vector<16xf32>, vector<16xf32>, vector<16xf32>, vector<16xf32>
    }
    %scan3A_188 = arith.constant 50 : i32
    %dma_wait3A_189 = tpu.memref_slice %arg3[%add3A_180] : memref<3276800xi32, #tpu.memory_space<hbm>> -> memref<3200xi32, #tpu.memory_space<hbm>>
    %dma_wait3A_190 = tpu.memref_slice %arg3[%add3A_180] : memref<3276800xi32, #tpu.memory_space<hbm>> -> memref<3200xi32, #tpu.memory_space<hbm>>
    tpu.wait_dma2 semaphore(%arg10 : memref<!tpu.dma_semaphore, #tpu.memory_space<semaphore_mem>>) src(%dma_wait3A_190 : memref<3200xi32, #tpu.memory_space<hbm>>) dst(%arg5 : memref<3200xi32, #tpu.memory_space<vmem>>)
    %dma_start3A_191 = arith.constant 0 : i32
    %dma_start3A_192 = tpu.memref_slice %arg2[%dma_start3A_191] : memref<1015808xf32, #tpu.memory_space<hbm>> -> memref<1015808xf32, #tpu.memory_space<hbm>>
    tpu.enqueue_indirect_dma source(%dma_start3A_192 : memref<1015808xf32, #tpu.memory_space<hbm>>) target(%arg7 : memref<3200xf32, #tpu.memory_space<vmem>>) offsets(%arg5 : memref<3200xi32, #tpu.memory_space<vmem>>) semaphore(%arg12 : memref<!tpu.dma_semaphore, #tpu.memory_space<semaphore_mem>>)
    %dma_wait3A_193 = arith.constant 0 : i32
    %dma_wait3A_194 = tpu.memref_slice %arg2[%dma_wait3A_193] : memref<1015808xf32, #tpu.memory_space<hbm>> -> memref<1015808xf32, #tpu.memory_space<hbm>>
    tpu.wait_indirect_dma semaphore(%arg13 : memref<!tpu.dma_semaphore, #tpu.memory_space<semaphore_mem>>) src(%dma_wait3A_194 : memref<1015808xf32, #tpu.memory_space<hbm>>) dst(%arg8 : memref<3200xf32, #tpu.memory_space<vmem>>)
    %add3A_195 = arith.constant 41600 : i32
    %add3A_196 = arith.addi %mul3A_2, %add3A_195 : i32
    %dma_start3A_197 = tpu.memref_slice %arg3[%add3A_196] : memref<3276800xi32, #tpu.memory_space<hbm>> -> memref<3200xi32, #tpu.memory_space<hbm>>
    %dma_start3A_198 = tpu.memref_slice %arg3[%add3A_196] : memref<3276800xi32, #tpu.memory_space<hbm>> -> memref<3200xi32, #tpu.memory_space<hbm>>
    tpu.enqueue_dma source(%dma_start3A_198 : memref<3200xi32, #tpu.memory_space<hbm>>) target(%arg6 : memref<3200xi32, #tpu.memory_space<vmem>>) target_semaphore(%arg11 : memref<!tpu.dma_semaphore, #tpu.memory_space<semaphore_mem>>)
    %scan3A_199 = arith.constant 0 : i32
    %scan3A_200 = arith.constant 50 : i32
    %scan3A_201 = arith.addi %scan3A_199, %scan3A_200 : i32
    %scan3A_202 = arith.constant 1 : i32
    %scan3A_203:4 = scf.for %scan3A_519 = %scan3A_199 to %scan3A_201 step %scan3A_202 iter_args(%scan3A_520 = %scan3A_187#0, %scan3A_521 = %scan3A_187#1, %scan3A_522 = %scan3A_187#2, %scan3A_523 = %scan3A_187#3) -> (vector<16xf32>, vector<16xf32>, vector<16xf32>, vector<16xf32>)  : i32 {
      %mul3A_524 = arith.constant 64 : i32
      %mul3A_525 = arith.muli %scan3A_519, %mul3A_524 : i32
      %get3A = arith.index_cast %mul3A_525 : i32 to index
      %get3A_526 = tpu.vector_load %arg8[%get3A] {strides = array<i32>} : memref<3200xf32, #tpu.memory_space<vmem>>, vector<16xf32>,
      %get3A_527 = vector.shape_cast %get3A_526 : vector<16xf32> to vector<16xf32>
      %add3A_528 = arith.addf %scan3A_520, %get3A_527 : vector<16xf32>
      %add3A_529 = arith.constant 16 : i32
      %add3A_530 = arith.addi %mul3A_525, %add3A_529 : i32
      %get3A_531 = arith.index_cast %add3A_530 : i32 to index
      %get3A_532 = tpu.vector_load %arg8[%get3A_531] {strides = array<i32>} : memref<3200xf32, #tpu.memory_space<vmem>>, vector<16xf32>,
      %get3A_533 = vector.shape_cast %get3A_532 : vector<16xf32> to vector<16xf32>
      %add3A_534 = arith.addf %scan3A_521, %get3A_533 : vector<16xf32>
      %add3A_535 = arith.constant 32 : i32
      %add3A_536 = arith.addi %mul3A_525, %add3A_535 : i32
      %get3A_537 = arith.index_cast %add3A_536 : i32 to index
      %get3A_538 = tpu.vector_load %arg8[%get3A_537] {strides = array<i32>} : memref<3200xf32, #tpu.memory_space<vmem>>, vector<16xf32>,
      %get3A_539 = vector.shape_cast %get3A_538 : vector<16xf32> to vector<16xf32>
      %add3A_540 = arith.addf %scan3A_522, %get3A_539 : vector<16xf32>
      %add3A_541 = arith.constant 48 : i32
      %add3A_542 = arith.addi %mul3A_525, %add3A_541 : i32
      %get3A_543 = arith.index_cast %add3A_542 : i32 to index
      %get3A_544 = tpu.vector_load %arg8[%get3A_543] {strides = array<i32>} : memref<3200xf32, #tpu.memory_space<vmem>>, vector<16xf32>,
      %get3A_545 = vector.shape_cast %get3A_544 : vector<16xf32> to vector<16xf32>
      %add3A_546 = arith.addf %scan3A_523, %get3A_545 : vector<16xf32>
      scf.yield %add3A_528, %add3A_534, %add3A_540, %add3A_546 : vector<16xf32>, vector<16xf32>, vector<16xf32>, vector<16xf32>
    }
    %scan3A_204 = arith.constant 50 : i32
    %dma_wait3A_205 = tpu.memref_slice %arg3[%add3A_196] : memref<3276800xi32, #tpu.memory_space<hbm>> -> memref<3200xi32, #tpu.memory_space<hbm>>
    %dma_wait3A_206 = tpu.memref_slice %arg3[%add3A_196] : memref<3276800xi32, #tpu.memory_space<hbm>> -> memref<3200xi32, #tpu.memory_space<hbm>>
    tpu.wait_dma2 semaphore(%arg11 : memref<!tpu.dma_semaphore, #tpu.memory_space<semaphore_mem>>) src(%dma_wait3A_206 : memref<3200xi32, #tpu.memory_space<hbm>>) dst(%arg6 : memref<3200xi32, #tpu.memory_space<vmem>>)
    %dma_start3A_207 = arith.constant 0 : i32
    %dma_start3A_208 = tpu.memref_slice %arg2[%dma_start3A_207] : memref<1015808xf32, #tpu.memory_space<hbm>> -> memref<1015808xf32, #tpu.memory_space<hbm>>
    tpu.enqueue_indirect_dma source(%dma_start3A_208 : memref<1015808xf32, #tpu.memory_space<hbm>>) target(%arg8 : memref<3200xf32, #tpu.memory_space<vmem>>) offsets(%arg6 : memref<3200xi32, #tpu.memory_space<vmem>>) semaphore(%arg13 : memref<!tpu.dma_semaphore, #tpu.memory_space<semaphore_mem>>)
    %dma_wait3A_209 = arith.constant 0 : i32
    %dma_wait3A_210 = tpu.memref_slice %arg2[%dma_wait3A_209] : memref<1015808xf32, #tpu.memory_space<hbm>> -> memref<1015808xf32, #tpu.memory_space<hbm>>
    tpu.wait_indirect_dma semaphore(%arg12 : memref<!tpu.dma_semaphore, #tpu.memory_space<semaphore_mem>>) src(%dma_wait3A_210 : memref<1015808xf32, #tpu.memory_space<hbm>>) dst(%arg7 : memref<3200xf32, #tpu.memory_space<vmem>>)
    %add3A_211 = arith.constant 44800 : i32
    %add3A_212 = arith.addi %mul3A_2, %add3A_211 : i32
    %dma_start3A_213 = tpu.memref_slice %arg3[%add3A_212] : memref<3276800xi32, #tpu.memory_space<hbm>> -> memref<3200xi32, #tpu.memory_space<hbm>>
    %dma_start3A_214 = tpu.memref_slice %arg3[%add3A_212] : memref<3276800xi32, #tpu.memory_space<hbm>> -> memref<3200xi32, #tpu.memory_space<hbm>>
    tpu.enqueue_dma source(%dma_start3A_214 : memref<3200xi32, #tpu.memory_space<hbm>>) target(%arg5 : memref<3200xi32, #tpu.memory_space<vmem>>) target_semaphore(%arg10 : memref<!tpu.dma_semaphore, #tpu.memory_space<semaphore_mem>>)
    %scan3A_215 = arith.constant 0 : i32
    %scan3A_216 = arith.constant 50 : i32
    %scan3A_217 = arith.addi %scan3A_215, %scan3A_216 : i32
    %scan3A_218 = arith.constant 1 : i32
    %scan3A_219:4 = scf.for %scan3A_519 = %scan3A_215 to %scan3A_217 step %scan3A_218 iter_args(%scan3A_520 = %scan3A_203#0, %scan3A_521 = %scan3A_203#1, %scan3A_522 = %scan3A_203#2, %scan3A_523 = %scan3A_203#3) -> (vector<16xf32>, vector<16xf32>, vector<16xf32>, vector<16xf32>)  : i32 {
      %mul3A_524 = arith.constant 64 : i32
      %mul3A_525 = arith.muli %scan3A_519, %mul3A_524 : i32
      %get3A = arith.index_cast %mul3A_525 : i32 to index
      %get3A_526 = tpu.vector_load %arg7[%get3A] {strides = array<i32>} : memref<3200xf32, #tpu.memory_space<vmem>>, vector<16xf32>,
      %get3A_527 = vector.shape_cast %get3A_526 : vector<16xf32> to vector<16xf32>
      %add3A_528 = arith.addf %scan3A_520, %get3A_527 : vector<16xf32>
      %add3A_529 = arith.constant 16 : i32
      %add3A_530 = arith.addi %mul3A_525, %add3A_529 : i32
      %get3A_531 = arith.index_cast %add3A_530 : i32 to index
      %get3A_532 = tpu.vector_load %arg7[%get3A_531] {strides = array<i32>} : memref<3200xf32, #tpu.memory_space<vmem>>, vector<16xf32>,
      %get3A_533 = vector.shape_cast %get3A_532 : vector<16xf32> to vector<16xf32>
      %add3A_534 = arith.addf %scan3A_521, %get3A_533 : vector<16xf32>
      %add3A_535 = arith.constant 32 : i32
      %add3A_536 = arith.addi %mul3A_525, %add3A_535 : i32
      %get3A_537 = arith.index_cast %add3A_536 : i32 to index
      %get3A_538 = tpu.vector_load %arg7[%get3A_537] {strides = array<i32>} : memref<3200xf32, #tpu.memory_space<vmem>>, vector<16xf32>,
      %get3A_539 = vector.shape_cast %get3A_538 : vector<16xf32> to vector<16xf32>
      %add3A_540 = arith.addf %scan3A_522, %get3A_539 : vector<16xf32>
      %add3A_541 = arith.constant 48 : i32
      %add3A_542 = arith.addi %mul3A_525, %add3A_541 : i32
      %get3A_543 = arith.index_cast %add3A_542 : i32 to index
      %get3A_544 = tpu.vector_load %arg7[%get3A_543] {strides = array<i32>} : memref<3200xf32, #tpu.memory_space<vmem>>, vector<16xf32>,
      %get3A_545 = vector.shape_cast %get3A_544 : vector<16xf32> to vector<16xf32>
      %add3A_546 = arith.addf %scan3A_523, %get3A_545 : vector<16xf32>
      scf.yield %add3A_528, %add3A_534, %add3A_540, %add3A_546 : vector<16xf32>, vector<16xf32>, vector<16xf32>, vector<16xf32>
    }
    %scan3A_220 = arith.constant 50 : i32
    %dma_wait3A_221 = tpu.memref_slice %arg3[%add3A_212] : memref<3276800xi32, #tpu.memory_space<hbm>> -> memref<3200xi32, #tpu.memory_space<hbm>>
    %dma_wait3A_222 = tpu.memref_slice %arg3[%add3A_212] : memref<3276800xi32, #tpu.memory_space<hbm>> -> memref<3200xi32, #tpu.memory_space<hbm>>
    tpu.wait_dma2 semaphore(%arg10 : memref<!tpu.dma_semaphore, #tpu.memory_space<semaphore_mem>>) src(%dma_wait3A_222 : memref<3200xi32, #tpu.memory_space<hbm>>) dst(%arg5 : memref<3200xi32, #tpu.memory_space<vmem>>)
    %dma_start3A_223 = arith.constant 0 : i32
    %dma_start3A_224 = tpu.memref_slice %arg2[%dma_start3A_223] : memref<1015808xf32, #tpu.memory_space<hbm>> -> memref<1015808xf32, #tpu.memory_space<hbm>>
    tpu.enqueue_indirect_dma source(%dma_start3A_224 : memref<1015808xf32, #tpu.memory_space<hbm>>) target(%arg7 : memref<3200xf32, #tpu.memory_space<vmem>>) offsets(%arg5 : memref<3200xi32, #tpu.memory_space<vmem>>) semaphore(%arg12 : memref<!tpu.dma_semaphore, #tpu.memory_space<semaphore_mem>>)
    %dma_wait3A_225 = arith.constant 0 : i32
    %dma_wait3A_226 = tpu.memref_slice %arg2[%dma_wait3A_225] : memref<1015808xf32, #tpu.memory_space<hbm>> -> memref<1015808xf32, #tpu.memory_space<hbm>>
    tpu.wait_indirect_dma semaphore(%arg13 : memref<!tpu.dma_semaphore, #tpu.memory_space<semaphore_mem>>) src(%dma_wait3A_226 : memref<1015808xf32, #tpu.memory_space<hbm>>) dst(%arg8 : memref<3200xf32, #tpu.memory_space<vmem>>)
    %add3A_227 = arith.constant 48000 : i32
    %add3A_228 = arith.addi %mul3A_2, %add3A_227 : i32
    %dma_start3A_229 = tpu.memref_slice %arg3[%add3A_228] : memref<3276800xi32, #tpu.memory_space<hbm>> -> memref<3200xi32, #tpu.memory_space<hbm>>
    %dma_start3A_230 = tpu.memref_slice %arg3[%add3A_228] : memref<3276800xi32, #tpu.memory_space<hbm>> -> memref<3200xi32, #tpu.memory_space<hbm>>
    tpu.enqueue_dma source(%dma_start3A_230 : memref<3200xi32, #tpu.memory_space<hbm>>) target(%arg6 : memref<3200xi32, #tpu.memory_space<vmem>>) target_semaphore(%arg11 : memref<!tpu.dma_semaphore, #tpu.memory_space<semaphore_mem>>)
    %scan3A_231 = arith.constant 0 : i32
    %scan3A_232 = arith.constant 50 : i32
    %scan3A_233 = arith.addi %scan3A_231, %scan3A_232 : i32
    %scan3A_234 = arith.constant 1 : i32
    %scan3A_235:4 = scf.for %scan3A_519 = %scan3A_231 to %scan3A_233 step %scan3A_234 iter_args(%scan3A_520 = %scan3A_219#0, %scan3A_521 = %scan3A_219#1, %scan3A_522 = %scan3A_219#2, %scan3A_523 = %scan3A_219#3) -> (vector<16xf32>, vector<16xf32>, vector<16xf32>, vector<16xf32>)  : i32 {
      %mul3A_524 = arith.constant 64 : i32
      %mul3A_525 = arith.muli %scan3A_519, %mul3A_524 : i32
      %get3A = arith.index_cast %mul3A_525 : i32 to index
      %get3A_526 = tpu.vector_load %arg8[%get3A] {strides = array<i32>} : memref<3200xf32, #tpu.memory_space<vmem>>, vector<16xf32>,
      %get3A_527 = vector.shape_cast %get3A_526 : vector<16xf32> to vector<16xf32>
      %add3A_528 = arith.addf %scan3A_520, %get3A_527 : vector<16xf32>
      %add3A_529 = arith.constant 16 : i32
      %add3A_530 = arith.addi %mul3A_525, %add3A_529 : i32
      %get3A_531 = arith.index_cast %add3A_530 : i32 to index
      %get3A_532 = tpu.vector_load %arg8[%get3A_531] {strides = array<i32>} : memref<3200xf32, #tpu.memory_space<vmem>>, vector<16xf32>,
      %get3A_533 = vector.shape_cast %get3A_532 : vector<16xf32> to vector<16xf32>
      %add3A_534 = arith.addf %scan3A_521, %get3A_533 : vector<16xf32>
      %add3A_535 = arith.constant 32 : i32
      %add3A_536 = arith.addi %mul3A_525, %add3A_535 : i32
      %get3A_537 = arith.index_cast %add3A_536 : i32 to index
      %get3A_538 = tpu.vector_load %arg8[%get3A_537] {strides = array<i32>} : memref<3200xf32, #tpu.memory_space<vmem>>, vector<16xf32>,
      %get3A_539 = vector.shape_cast %get3A_538 : vector<16xf32> to vector<16xf32>
      %add3A_540 = arith.addf %scan3A_522, %get3A_539 : vector<16xf32>
      %add3A_541 = arith.constant 48 : i32
      %add3A_542 = arith.addi %mul3A_525, %add3A_541 : i32
      %get3A_543 = arith.index_cast %add3A_542 : i32 to index
      %get3A_544 = tpu.vector_load %arg8[%get3A_543] {strides = array<i32>} : memref<3200xf32, #tpu.memory_space<vmem>>, vector<16xf32>,
      %get3A_545 = vector.shape_cast %get3A_544 : vector<16xf32> to vector<16xf32>
      %add3A_546 = arith.addf %scan3A_523, %get3A_545 : vector<16xf32>
      scf.yield %add3A_528, %add3A_534, %add3A_540, %add3A_546 : vector<16xf32>, vector<16xf32>, vector<16xf32>, vector<16xf32>
    }
    %scan3A_236 = arith.constant 50 : i32
    %dma_wait3A_237 = tpu.memref_slice %arg3[%add3A_228] : memref<3276800xi32, #tpu.memory_space<hbm>> -> memref<3200xi32, #tpu.memory_space<hbm>>
    %dma_wait3A_238 = tpu.memref_slice %arg3[%add3A_228] : memref<3276800xi32, #tpu.memory_space<hbm>> -> memref<3200xi32, #tpu.memory_space<hbm>>
    tpu.wait_dma2 semaphore(%arg11 : memref<!tpu.dma_semaphore, #tpu.memory_space<semaphore_mem>>) src(%dma_wait3A_238 : memref<3200xi32, #tpu.memory_space<hbm>>) dst(%arg6 : memref<3200xi32, #tpu.memory_space<vmem>>)
    %dma_start3A_239 = arith.constant 0 : i32
    %dma_start3A_240 = tpu.memref_slice %arg2[%dma_start3A_239] : memref<1015808xf32, #tpu.memory_space<hbm>> -> memref<1015808xf32, #tpu.memory_space<hbm>>
    tpu.enqueue_indirect_dma source(%dma_start3A_240 : memref<1015808xf32, #tpu.memory_space<hbm>>) target(%arg8 : memref<3200xf32, #tpu.memory_space<vmem>>) offsets(%arg6 : memref<3200xi32, #tpu.memory_space<vmem>>) semaphore(%arg13 : memref<!tpu.dma_semaphore, #tpu.memory_space<semaphore_mem>>)
    %dma_wait3A_241 = arith.constant 0 : i32
    %dma_wait3A_242 = tpu.memref_slice %arg2[%dma_wait3A_241] : memref<1015808xf32, #tpu.memory_space<hbm>> -> memref<1015808xf32, #tpu.memory_space<hbm>>
    tpu.wait_indirect_dma semaphore(%arg12 : memref<!tpu.dma_semaphore, #tpu.memory_space<semaphore_mem>>) src(%dma_wait3A_242 : memref<1015808xf32, #tpu.memory_space<hbm>>) dst(%arg7 : memref<3200xf32, #tpu.memory_space<vmem>>)
    %add3A_243 = arith.constant 51200 : i32
    %add3A_244 = arith.addi %mul3A_2, %add3A_243 : i32
    %dma_start3A_245 = tpu.memref_slice %arg3[%add3A_244] : memref<3276800xi32, #tpu.memory_space<hbm>> -> memref<3200xi32, #tpu.memory_space<hbm>>
    %dma_start3A_246 = tpu.memref_slice %arg3[%add3A_244] : memref<3276800xi32, #tpu.memory_space<hbm>> -> memref<3200xi32, #tpu.memory_space<hbm>>
    tpu.enqueue_dma source(%dma_start3A_246 : memref<3200xi32, #tpu.memory_space<hbm>>) target(%arg5 : memref<3200xi32, #tpu.memory_space<vmem>>) target_semaphore(%arg10 : memref<!tpu.dma_semaphore, #tpu.memory_space<semaphore_mem>>)
    %scan3A_247 = arith.constant 0 : i32
    %scan3A_248 = arith.constant 50 : i32
    %scan3A_249 = arith.addi %scan3A_247, %scan3A_248 : i32
    %scan3A_250 = arith.constant 1 : i32
    %scan3A_251:4 = scf.for %scan3A_519 = %scan3A_247 to %scan3A_249 step %scan3A_250 iter_args(%scan3A_520 = %scan3A_235#0, %scan3A_521 = %scan3A_235#1, %scan3A_522 = %scan3A_235#2, %scan3A_523 = %scan3A_235#3) -> (vector<16xf32>, vector<16xf32>, vector<16xf32>, vector<16xf32>)  : i32 {
      %mul3A_524 = arith.constant 64 : i32
      %mul3A_525 = arith.muli %scan3A_519, %mul3A_524 : i32
      %get3A = arith.index_cast %mul3A_525 : i32 to index
      %get3A_526 = tpu.vector_load %arg7[%get3A] {strides = array<i32>} : memref<3200xf32, #tpu.memory_space<vmem>>, vector<16xf32>,
      %get3A_527 = vector.shape_cast %get3A_526 : vector<16xf32> to vector<16xf32>
      %add3A_528 = arith.addf %scan3A_520, %get3A_527 : vector<16xf32>
      %add3A_529 = arith.constant 16 : i32
      %add3A_530 = arith.addi %mul3A_525, %add3A_529 : i32
      %get3A_531 = arith.index_cast %add3A_530 : i32 to index
      %get3A_532 = tpu.vector_load %arg7[%get3A_531] {strides = array<i32>} : memref<3200xf32, #tpu.memory_space<vmem>>, vector<16xf32>,
      %get3A_533 = vector.shape_cast %get3A_532 : vector<16xf32> to vector<16xf32>
      %add3A_534 = arith.addf %scan3A_521, %get3A_533 : vector<16xf32>
      %add3A_535 = arith.constant 32 : i32
      %add3A_536 = arith.addi %mul3A_525, %add3A_535 : i32
      %get3A_537 = arith.index_cast %add3A_536 : i32 to index
      %get3A_538 = tpu.vector_load %arg7[%get3A_537] {strides = array<i32>} : memref<3200xf32, #tpu.memory_space<vmem>>, vector<16xf32>,
      %get3A_539 = vector.shape_cast %get3A_538 : vector<16xf32> to vector<16xf32>
      %add3A_540 = arith.addf %scan3A_522, %get3A_539 : vector<16xf32>
      %add3A_541 = arith.constant 48 : i32
      %add3A_542 = arith.addi %mul3A_525, %add3A_541 : i32
      %get3A_543 = arith.index_cast %add3A_542 : i32 to index
      %get3A_544 = tpu.vector_load %arg7[%get3A_543] {strides = array<i32>} : memref<3200xf32, #tpu.memory_space<vmem>>, vector<16xf32>,
      %get3A_545 = vector.shape_cast %get3A_544 : vector<16xf32> to vector<16xf32>
      %add3A_546 = arith.addf %scan3A_523, %get3A_545 : vector<16xf32>
      scf.yield %add3A_528, %add3A_534, %add3A_540, %add3A_546 : vector<16xf32>, vector<16xf32>, vector<16xf32>, vector<16xf32>
    }
    %scan3A_252 = arith.constant 50 : i32
    %dma_wait3A_253 = tpu.memref_slice %arg3[%add3A_244] : memref<3276800xi32, #tpu.memory_space<hbm>> -> memref<3200xi32, #tpu.memory_space<hbm>>
    %dma_wait3A_254 = tpu.memref_slice %arg3[%add3A_244] : memref<3276800xi32, #tpu.memory_space<hbm>> -> memref<3200xi32, #tpu.memory_space<hbm>>
    tpu.wait_dma2 semaphore(%arg10 : memref<!tpu.dma_semaphore, #tpu.memory_space<semaphore_mem>>) src(%dma_wait3A_254 : memref<3200xi32, #tpu.memory_space<hbm>>) dst(%arg5 : memref<3200xi32, #tpu.memory_space<vmem>>)
    %dma_start3A_255 = arith.constant 0 : i32
    %dma_start3A_256 = tpu.memref_slice %arg2[%dma_start3A_255] : memref<1015808xf32, #tpu.memory_space<hbm>> -> memref<1015808xf32, #tpu.memory_space<hbm>>
    tpu.enqueue_indirect_dma source(%dma_start3A_256 : memref<1015808xf32, #tpu.memory_space<hbm>>) target(%arg7 : memref<3200xf32, #tpu.memory_space<vmem>>) offsets(%arg5 : memref<3200xi32, #tpu.memory_space<vmem>>) semaphore(%arg12 : memref<!tpu.dma_semaphore, #tpu.memory_space<semaphore_mem>>)
    %dma_wait3A_257 = arith.constant 0 : i32
    %dma_wait3A_258 = tpu.memref_slice %arg2[%dma_wait3A_257] : memref<1015808xf32, #tpu.memory_space<hbm>> -> memref<1015808xf32, #tpu.memory_space<hbm>>
    tpu.wait_indirect_dma semaphore(%arg13 : memref<!tpu.dma_semaphore, #tpu.memory_space<semaphore_mem>>) src(%dma_wait3A_258 : memref<1015808xf32, #tpu.memory_space<hbm>>) dst(%arg8 : memref<3200xf32, #tpu.memory_space<vmem>>)
    %add3A_259 = arith.constant 54400 : i32
    %add3A_260 = arith.addi %mul3A_2, %add3A_259 : i32
    %dma_start3A_261 = tpu.memref_slice %arg3[%add3A_260] : memref<3276800xi32, #tpu.memory_space<hbm>> -> memref<3200xi32, #tpu.memory_space<hbm>>
    %dma_start3A_262 = tpu.memref_slice %arg3[%add3A_260] : memref<3276800xi32, #tpu.memory_space<hbm>> -> memref<3200xi32, #tpu.memory_space<hbm>>
    tpu.enqueue_dma source(%dma_start3A_262 : memref<3200xi32, #tpu.memory_space<hbm>>) target(%arg6 : memref<3200xi32, #tpu.memory_space<vmem>>) target_semaphore(%arg11 : memref<!tpu.dma_semaphore, #tpu.memory_space<semaphore_mem>>)
    %scan3A_263 = arith.constant 0 : i32
    %scan3A_264 = arith.constant 50 : i32
    %scan3A_265 = arith.addi %scan3A_263, %scan3A_264 : i32
    %scan3A_266 = arith.constant 1 : i32
    %scan3A_267:4 = scf.for %scan3A_519 = %scan3A_263 to %scan3A_265 step %scan3A_266 iter_args(%scan3A_520 = %scan3A_251#0, %scan3A_521 = %scan3A_251#1, %scan3A_522 = %scan3A_251#2, %scan3A_523 = %scan3A_251#3) -> (vector<16xf32>, vector<16xf32>, vector<16xf32>, vector<16xf32>)  : i32 {
      %mul3A_524 = arith.constant 64 : i32
      %mul3A_525 = arith.muli %scan3A_519, %mul3A_524 : i32
      %get3A = arith.index_cast %mul3A_525 : i32 to index
      %get3A_526 = tpu.vector_load %arg8[%get3A] {strides = array<i32>} : memref<3200xf32, #tpu.memory_space<vmem>>, vector<16xf32>,
      %get3A_527 = vector.shape_cast %get3A_526 : vector<16xf32> to vector<16xf32>
      %add3A_528 = arith.addf %scan3A_520, %get3A_527 : vector<16xf32>
      %add3A_529 = arith.constant 16 : i32
      %add3A_530 = arith.addi %mul3A_525, %add3A_529 : i32
      %get3A_531 = arith.index_cast %add3A_530 : i32 to index
      %get3A_532 = tpu.vector_load %arg8[%get3A_531] {strides = array<i32>} : memref<3200xf32, #tpu.memory_space<vmem>>, vector<16xf32>,
      %get3A_533 = vector.shape_cast %get3A_532 : vector<16xf32> to vector<16xf32>
      %add3A_534 = arith.addf %scan3A_521, %get3A_533 : vector<16xf32>
      %add3A_535 = arith.constant 32 : i32
      %add3A_536 = arith.addi %mul3A_525, %add3A_535 : i32
      %get3A_537 = arith.index_cast %add3A_536 : i32 to index
      %get3A_538 = tpu.vector_load %arg8[%get3A_537] {strides = array<i32>} : memref<3200xf32, #tpu.memory_space<vmem>>, vector<16xf32>,
      %get3A_539 = vector.shape_cast %get3A_538 : vector<16xf32> to vector<16xf32>
      %add3A_540 = arith.addf %scan3A_522, %get3A_539 : vector<16xf32>
      %add3A_541 = arith.constant 48 : i32
      %add3A_542 = arith.addi %mul3A_525, %add3A_541 : i32
      %get3A_543 = arith.index_cast %add3A_542 : i32 to index
      %get3A_544 = tpu.vector_load %arg8[%get3A_543] {strides = array<i32>} : memref<3200xf32, #tpu.memory_space<vmem>>, vector<16xf32>,
      %get3A_545 = vector.shape_cast %get3A_544 : vector<16xf32> to vector<16xf32>
      %add3A_546 = arith.addf %scan3A_523, %get3A_545 : vector<16xf32>
      scf.yield %add3A_528, %add3A_534, %add3A_540, %add3A_546 : vector<16xf32>, vector<16xf32>, vector<16xf32>, vector<16xf32>
    }
    %scan3A_268 = arith.constant 50 : i32
    %dma_wait3A_269 = tpu.memref_slice %arg3[%add3A_260] : memref<3276800xi32, #tpu.memory_space<hbm>> -> memref<3200xi32, #tpu.memory_space<hbm>>
    %dma_wait3A_270 = tpu.memref_slice %arg3[%add3A_260] : memref<3276800xi32, #tpu.memory_space<hbm>> -> memref<3200xi32, #tpu.memory_space<hbm>>
    tpu.wait_dma2 semaphore(%arg11 : memref<!tpu.dma_semaphore, #tpu.memory_space<semaphore_mem>>) src(%dma_wait3A_270 : memref<3200xi32, #tpu.memory_space<hbm>>) dst(%arg6 : memref<3200xi32, #tpu.memory_space<vmem>>)
    %dma_start3A_271 = arith.constant 0 : i32
    %dma_start3A_272 = tpu.memref_slice %arg2[%dma_start3A_271] : memref<1015808xf32, #tpu.memory_space<hbm>> -> memref<1015808xf32, #tpu.memory_space<hbm>>
    tpu.enqueue_indirect_dma source(%dma_start3A_272 : memref<1015808xf32, #tpu.memory_space<hbm>>) target(%arg8 : memref<3200xf32, #tpu.memory_space<vmem>>) offsets(%arg6 : memref<3200xi32, #tpu.memory_space<vmem>>) semaphore(%arg13 : memref<!tpu.dma_semaphore, #tpu.memory_space<semaphore_mem>>)
    %dma_wait3A_273 = arith.constant 0 : i32
    %dma_wait3A_274 = tpu.memref_slice %arg2[%dma_wait3A_273] : memref<1015808xf32, #tpu.memory_space<hbm>> -> memref<1015808xf32, #tpu.memory_space<hbm>>
    tpu.wait_indirect_dma semaphore(%arg12 : memref<!tpu.dma_semaphore, #tpu.memory_space<semaphore_mem>>) src(%dma_wait3A_274 : memref<1015808xf32, #tpu.memory_space<hbm>>) dst(%arg7 : memref<3200xf32, #tpu.memory_space<vmem>>)
    %add3A_275 = arith.constant 57600 : i32
    %add3A_276 = arith.addi %mul3A_2, %add3A_275 : i32
    %dma_start3A_277 = tpu.memref_slice %arg3[%add3A_276] : memref<3276800xi32, #tpu.memory_space<hbm>> -> memref<3200xi32, #tpu.memory_space<hbm>>
    %dma_start3A_278 = tpu.memref_slice %arg3[%add3A_276] : memref<3276800xi32, #tpu.memory_space<hbm>> -> memref<3200xi32, #tpu.memory_space<hbm>>
    tpu.enqueue_dma source(%dma_start3A_278 : memref<3200xi32, #tpu.memory_space<hbm>>) target(%arg5 : memref<3200xi32, #tpu.memory_space<vmem>>) target_semaphore(%arg10 : memref<!tpu.dma_semaphore, #tpu.memory_space<semaphore_mem>>)
    %scan3A_279 = arith.constant 0 : i32
    %scan3A_280 = arith.constant 50 : i32
    %scan3A_281 = arith.addi %scan3A_279, %scan3A_280 : i32
    %scan3A_282 = arith.constant 1 : i32
    %scan3A_283:4 = scf.for %scan3A_519 = %scan3A_279 to %scan3A_281 step %scan3A_282 iter_args(%scan3A_520 = %scan3A_267#0, %scan3A_521 = %scan3A_267#1, %scan3A_522 = %scan3A_267#2, %scan3A_523 = %scan3A_267#3) -> (vector<16xf32>, vector<16xf32>, vector<16xf32>, vector<16xf32>)  : i32 {
      %mul3A_524 = arith.constant 64 : i32
      %mul3A_525 = arith.muli %scan3A_519, %mul3A_524 : i32
      %get3A = arith.index_cast %mul3A_525 : i32 to index
      %get3A_526 = tpu.vector_load %arg7[%get3A] {strides = array<i32>} : memref<3200xf32, #tpu.memory_space<vmem>>, vector<16xf32>,
      %get3A_527 = vector.shape_cast %get3A_526 : vector<16xf32> to vector<16xf32>
      %add3A_528 = arith.addf %scan3A_520, %get3A_527 : vector<16xf32>
      %add3A_529 = arith.constant 16 : i32
      %add3A_530 = arith.addi %mul3A_525, %add3A_529 : i32
      %get3A_531 = arith.index_cast %add3A_530 : i32 to index
      %get3A_532 = tpu.vector_load %arg7[%get3A_531] {strides = array<i32>} : memref<3200xf32, #tpu.memory_space<vmem>>, vector<16xf32>,
      %get3A_533 = vector.shape_cast %get3A_532 : vector<16xf32> to vector<16xf32>
      %add3A_534 = arith.addf %scan3A_521, %get3A_533 : vector<16xf32>
      %add3A_535 = arith.constant 32 : i32
      %add3A_536 = arith.addi %mul3A_525, %add3A_535 : i32
      %get3A_537 = arith.index_cast %add3A_536 : i32 to index
      %get3A_538 = tpu.vector_load %arg7[%get3A_537] {strides = array<i32>} : memref<3200xf32, #tpu.memory_space<vmem>>, vector<16xf32>,
      %get3A_539 = vector.shape_cast %get3A_538 : vector<16xf32> to vector<16xf32>
      %add3A_540 = arith.addf %scan3A_522, %get3A_539 : vector<16xf32>
      %add3A_541 = arith.constant 48 : i32
      %add3A_542 = arith.addi %mul3A_525, %add3A_541 : i32
      %get3A_543 = arith.index_cast %add3A_542 : i32 to index
      %get3A_544 = tpu.vector_load %arg7[%get3A_543] {strides = array<i32>} : memref<3200xf32, #tpu.memory_space<vmem>>, vector<16xf32>,
      %get3A_545 = vector.shape_cast %get3A_544 : vector<16xf32> to vector<16xf32>
      %add3A_546 = arith.addf %scan3A_523, %get3A_545 : vector<16xf32>
      scf.yield %add3A_528, %add3A_534, %add3A_540, %add3A_546 : vector<16xf32>, vector<16xf32>, vector<16xf32>, vector<16xf32>
    }
    %scan3A_284 = arith.constant 50 : i32
    %dma_wait3A_285 = tpu.memref_slice %arg3[%add3A_276] : memref<3276800xi32, #tpu.memory_space<hbm>> -> memref<3200xi32, #tpu.memory_space<hbm>>
    %dma_wait3A_286 = tpu.memref_slice %arg3[%add3A_276] : memref<3276800xi32, #tpu.memory_space<hbm>> -> memref<3200xi32, #tpu.memory_space<hbm>>
    tpu.wait_dma2 semaphore(%arg10 : memref<!tpu.dma_semaphore, #tpu.memory_space<semaphore_mem>>) src(%dma_wait3A_286 : memref<3200xi32, #tpu.memory_space<hbm>>) dst(%arg5 : memref<3200xi32, #tpu.memory_space<vmem>>)
    %dma_start3A_287 = arith.constant 0 : i32
    %dma_start3A_288 = tpu.memref_slice %arg2[%dma_start3A_287] : memref<1015808xf32, #tpu.memory_space<hbm>> -> memref<1015808xf32, #tpu.memory_space<hbm>>
    tpu.enqueue_indirect_dma source(%dma_start3A_288 : memref<1015808xf32, #tpu.memory_space<hbm>>) target(%arg7 : memref<3200xf32, #tpu.memory_space<vmem>>) offsets(%arg5 : memref<3200xi32, #tpu.memory_space<vmem>>) semaphore(%arg12 : memref<!tpu.dma_semaphore, #tpu.memory_space<semaphore_mem>>)
    %dma_wait3A_289 = arith.constant 0 : i32
    %dma_wait3A_290 = tpu.memref_slice %arg2[%dma_wait3A_289] : memref<1015808xf32, #tpu.memory_space<hbm>> -> memref<1015808xf32, #tpu.memory_space<hbm>>
    tpu.wait_indirect_dma semaphore(%arg13 : memref<!tpu.dma_semaphore, #tpu.memory_space<semaphore_mem>>) src(%dma_wait3A_290 : memref<1015808xf32, #tpu.memory_space<hbm>>) dst(%arg8 : memref<3200xf32, #tpu.memory_space<vmem>>)
    %add3A_291 = arith.constant 60800 : i32
    %add3A_292 = arith.addi %mul3A_2, %add3A_291 : i32
    %dma_start3A_293 = tpu.memref_slice %arg3[%add3A_292] : memref<3276800xi32, #tpu.memory_space<hbm>> -> memref<3200xi32, #tpu.memory_space<hbm>>
    %dma_start3A_294 = tpu.memref_slice %arg3[%add3A_292] : memref<3276800xi32, #tpu.memory_space<hbm>> -> memref<3200xi32, #tpu.memory_space<hbm>>
    tpu.enqueue_dma source(%dma_start3A_294 : memref<3200xi32, #tpu.memory_space<hbm>>) target(%arg6 : memref<3200xi32, #tpu.memory_space<vmem>>) target_semaphore(%arg11 : memref<!tpu.dma_semaphore, #tpu.memory_space<semaphore_mem>>)
    %scan3A_295 = arith.constant 0 : i32
    %scan3A_296 = arith.constant 50 : i32
    %scan3A_297 = arith.addi %scan3A_295, %scan3A_296 : i32
    %scan3A_298 = arith.constant 1 : i32
    %scan3A_299:4 = scf.for %scan3A_519 = %scan3A_295 to %scan3A_297 step %scan3A_298 iter_args(%scan3A_520 = %scan3A_283#0, %scan3A_521 = %scan3A_283#1, %scan3A_522 = %scan3A_283#2, %scan3A_523 = %scan3A_283#3) -> (vector<16xf32>, vector<16xf32>, vector<16xf32>, vector<16xf32>)  : i32 {
      %mul3A_524 = arith.constant 64 : i32
      %mul3A_525 = arith.muli %scan3A_519, %mul3A_524 : i32
      %get3A = arith.index_cast %mul3A_525 : i32 to index
      %get3A_526 = tpu.vector_load %arg8[%get3A] {strides = array<i32>} : memref<3200xf32, #tpu.memory_space<vmem>>, vector<16xf32>,
      %get3A_527 = vector.shape_cast %get3A_526 : vector<16xf32> to vector<16xf32>
      %add3A_528 = arith.addf %scan3A_520, %get3A_527 : vector<16xf32>
      %add3A_529 = arith.constant 16 : i32
      %add3A_530 = arith.addi %mul3A_525, %add3A_529 : i32
      %get3A_531 = arith.index_cast %add3A_530 : i32 to index
      %get3A_532 = tpu.vector_load %arg8[%get3A_531] {strides = array<i32>} : memref<3200xf32, #tpu.memory_space<vmem>>, vector<16xf32>,
      %get3A_533 = vector.shape_cast %get3A_532 : vector<16xf32> to vector<16xf32>
      %add3A_534 = arith.addf %scan3A_521, %get3A_533 : vector<16xf32>
      %add3A_535 = arith.constant 32 : i32
      %add3A_536 = arith.addi %mul3A_525, %add3A_535 : i32
      %get3A_537 = arith.index_cast %add3A_536 : i32 to index
      %get3A_538 = tpu.vector_load %arg8[%get3A_537] {strides = array<i32>} : memref<3200xf32, #tpu.memory_space<vmem>>, vector<16xf32>,
      %get3A_539 = vector.shape_cast %get3A_538 : vector<16xf32> to vector<16xf32>
      %add3A_540 = arith.addf %scan3A_522, %get3A_539 : vector<16xf32>
      %add3A_541 = arith.constant 48 : i32
      %add3A_542 = arith.addi %mul3A_525, %add3A_541 : i32
      %get3A_543 = arith.index_cast %add3A_542 : i32 to index
      %get3A_544 = tpu.vector_load %arg8[%get3A_543] {strides = array<i32>} : memref<3200xf32, #tpu.memory_space<vmem>>, vector<16xf32>,
      %get3A_545 = vector.shape_cast %get3A_544 : vector<16xf32> to vector<16xf32>
      %add3A_546 = arith.addf %scan3A_523, %get3A_545 : vector<16xf32>
      scf.yield %add3A_528, %add3A_534, %add3A_540, %add3A_546 : vector<16xf32>, vector<16xf32>, vector<16xf32>, vector<16xf32>
    }
    %scan3A_300 = arith.constant 50 : i32
    %dma_wait3A_301 = tpu.memref_slice %arg3[%add3A_292] : memref<3276800xi32, #tpu.memory_space<hbm>> -> memref<3200xi32, #tpu.memory_space<hbm>>
    %dma_wait3A_302 = tpu.memref_slice %arg3[%add3A_292] : memref<3276800xi32, #tpu.memory_space<hbm>> -> memref<3200xi32, #tpu.memory_space<hbm>>
    tpu.wait_dma2 semaphore(%arg11 : memref<!tpu.dma_semaphore, #tpu.memory_space<semaphore_mem>>) src(%dma_wait3A_302 : memref<3200xi32, #tpu.memory_space<hbm>>) dst(%arg6 : memref<3200xi32, #tpu.memory_space<vmem>>)
    %dma_start3A_303 = arith.constant 0 : i32
    %dma_start3A_304 = tpu.memref_slice %arg2[%dma_start3A_303] : memref<1015808xf32, #tpu.memory_space<hbm>> -> memref<1015808xf32, #tpu.memory_space<hbm>>
    tpu.enqueue_indirect_dma source(%dma_start3A_304 : memref<1015808xf32, #tpu.memory_space<hbm>>) target(%arg8 : memref<3200xf32, #tpu.memory_space<vmem>>) offsets(%arg6 : memref<3200xi32, #tpu.memory_space<vmem>>) semaphore(%arg13 : memref<!tpu.dma_semaphore, #tpu.memory_space<semaphore_mem>>)
    %dma_wait3A_305 = arith.constant 0 : i32
    %dma_wait3A_306 = tpu.memref_slice %arg2[%dma_wait3A_305] : memref<1015808xf32, #tpu.memory_space<hbm>> -> memref<1015808xf32, #tpu.memory_space<hbm>>
    tpu.wait_indirect_dma semaphore(%arg12 : memref<!tpu.dma_semaphore, #tpu.memory_space<semaphore_mem>>) src(%dma_wait3A_306 : memref<1015808xf32, #tpu.memory_space<hbm>>) dst(%arg7 : memref<3200xf32, #tpu.memory_space<vmem>>)
    %add3A_307 = arith.constant 64000 : i32
    %add3A_308 = arith.addi %mul3A_2, %add3A_307 : i32
    %dma_start3A_309 = tpu.memref_slice %arg3[%add3A_308] : memref<3276800xi32, #tpu.memory_space<hbm>> -> memref<3200xi32, #tpu.memory_space<hbm>>
    %dma_start3A_310 = tpu.memref_slice %arg3[%add3A_308] : memref<3276800xi32, #tpu.memory_space<hbm>> -> memref<3200xi32, #tpu.memory_space<hbm>>
    tpu.enqueue_dma source(%dma_start3A_310 : memref<3200xi32, #tpu.memory_space<hbm>>) target(%arg5 : memref<3200xi32, #tpu.memory_space<vmem>>) target_semaphore(%arg10 : memref<!tpu.dma_semaphore, #tpu.memory_space<semaphore_mem>>)
    %scan3A_311 = arith.constant 0 : i32
    %scan3A_312 = arith.constant 50 : i32
    %scan3A_313 = arith.addi %scan3A_311, %scan3A_312 : i32
    %scan3A_314 = arith.constant 1 : i32
    %scan3A_315:4 = scf.for %scan3A_519 = %scan3A_311 to %scan3A_313 step %scan3A_314 iter_args(%scan3A_520 = %scan3A_299#0, %scan3A_521 = %scan3A_299#1, %scan3A_522 = %scan3A_299#2, %scan3A_523 = %scan3A_299#3) -> (vector<16xf32>, vector<16xf32>, vector<16xf32>, vector<16xf32>)  : i32 {
      %mul3A_524 = arith.constant 64 : i32
      %mul3A_525 = arith.muli %scan3A_519, %mul3A_524 : i32
      %get3A = arith.index_cast %mul3A_525 : i32 to index
      %get3A_526 = tpu.vector_load %arg7[%get3A] {strides = array<i32>} : memref<3200xf32, #tpu.memory_space<vmem>>, vector<16xf32>,
      %get3A_527 = vector.shape_cast %get3A_526 : vector<16xf32> to vector<16xf32>
      %add3A_528 = arith.addf %scan3A_520, %get3A_527 : vector<16xf32>
      %add3A_529 = arith.constant 16 : i32
      %add3A_530 = arith.addi %mul3A_525, %add3A_529 : i32
      %get3A_531 = arith.index_cast %add3A_530 : i32 to index
      %get3A_532 = tpu.vector_load %arg7[%get3A_531] {strides = array<i32>} : memref<3200xf32, #tpu.memory_space<vmem>>, vector<16xf32>,
      %get3A_533 = vector.shape_cast %get3A_532 : vector<16xf32> to vector<16xf32>
      %add3A_534 = arith.addf %scan3A_521, %get3A_533 : vector<16xf32>
      %add3A_535 = arith.constant 32 : i32
      %add3A_536 = arith.addi %mul3A_525, %add3A_535 : i32
      %get3A_537 = arith.index_cast %add3A_536 : i32 to index
      %get3A_538 = tpu.vector_load %arg7[%get3A_537] {strides = array<i32>} : memref<3200xf32, #tpu.memory_space<vmem>>, vector<16xf32>,
      %get3A_539 = vector.shape_cast %get3A_538 : vector<16xf32> to vector<16xf32>
      %add3A_540 = arith.addf %scan3A_522, %get3A_539 : vector<16xf32>
      %add3A_541 = arith.constant 48 : i32
      %add3A_542 = arith.addi %mul3A_525, %add3A_541 : i32
      %get3A_543 = arith.index_cast %add3A_542 : i32 to index
      %get3A_544 = tpu.vector_load %arg7[%get3A_543] {strides = array<i32>} : memref<3200xf32, #tpu.memory_space<vmem>>, vector<16xf32>,
      %get3A_545 = vector.shape_cast %get3A_544 : vector<16xf32> to vector<16xf32>
      %add3A_546 = arith.addf %scan3A_523, %get3A_545 : vector<16xf32>
      scf.yield %add3A_528, %add3A_534, %add3A_540, %add3A_546 : vector<16xf32>, vector<16xf32>, vector<16xf32>, vector<16xf32>
    }
    %scan3A_316 = arith.constant 50 : i32
    %dma_wait3A_317 = tpu.memref_slice %arg3[%add3A_308] : memref<3276800xi32, #tpu.memory_space<hbm>> -> memref<3200xi32, #tpu.memory_space<hbm>>
    %dma_wait3A_318 = tpu.memref_slice %arg3[%add3A_308] : memref<3276800xi32, #tpu.memory_space<hbm>> -> memref<3200xi32, #tpu.memory_space<hbm>>
    tpu.wait_dma2 semaphore(%arg10 : memref<!tpu.dma_semaphore, #tpu.memory_space<semaphore_mem>>) src(%dma_wait3A_318 : memref<3200xi32, #tpu.memory_space<hbm>>) dst(%arg5 : memref<3200xi32, #tpu.memory_space<vmem>>)
    %dma_start3A_319 = arith.constant 0 : i32
    %dma_start3A_320 = tpu.memref_slice %arg2[%dma_start3A_319] : memref<1015808xf32, #tpu.memory_space<hbm>> -> memref<1015808xf32, #tpu.memory_space<hbm>>
    tpu.enqueue_indirect_dma source(%dma_start3A_320 : memref<1015808xf32, #tpu.memory_space<hbm>>) target(%arg7 : memref<3200xf32, #tpu.memory_space<vmem>>) offsets(%arg5 : memref<3200xi32, #tpu.memory_space<vmem>>) semaphore(%arg12 : memref<!tpu.dma_semaphore, #tpu.memory_space<semaphore_mem>>)
    %dma_wait3A_321 = arith.constant 0 : i32
    %dma_wait3A_322 = tpu.memref_slice %arg2[%dma_wait3A_321] : memref<1015808xf32, #tpu.memory_space<hbm>> -> memref<1015808xf32, #tpu.memory_space<hbm>>
    tpu.wait_indirect_dma semaphore(%arg13 : memref<!tpu.dma_semaphore, #tpu.memory_space<semaphore_mem>>) src(%dma_wait3A_322 : memref<1015808xf32, #tpu.memory_space<hbm>>) dst(%arg8 : memref<3200xf32, #tpu.memory_space<vmem>>)
    %add3A_323 = arith.constant 67200 : i32
    %add3A_324 = arith.addi %mul3A_2, %add3A_323 : i32
    %dma_start3A_325 = tpu.memref_slice %arg3[%add3A_324] : memref<3276800xi32, #tpu.memory_space<hbm>> -> memref<3200xi32, #tpu.memory_space<hbm>>
    %dma_start3A_326 = tpu.memref_slice %arg3[%add3A_324] : memref<3276800xi32, #tpu.memory_space<hbm>> -> memref<3200xi32, #tpu.memory_space<hbm>>
    tpu.enqueue_dma source(%dma_start3A_326 : memref<3200xi32, #tpu.memory_space<hbm>>) target(%arg6 : memref<3200xi32, #tpu.memory_space<vmem>>) target_semaphore(%arg11 : memref<!tpu.dma_semaphore, #tpu.memory_space<semaphore_mem>>)
    %scan3A_327 = arith.constant 0 : i32
    %scan3A_328 = arith.constant 50 : i32
    %scan3A_329 = arith.addi %scan3A_327, %scan3A_328 : i32
    %scan3A_330 = arith.constant 1 : i32
    %scan3A_331:4 = scf.for %scan3A_519 = %scan3A_327 to %scan3A_329 step %scan3A_330 iter_args(%scan3A_520 = %scan3A_315#0, %scan3A_521 = %scan3A_315#1, %scan3A_522 = %scan3A_315#2, %scan3A_523 = %scan3A_315#3) -> (vector<16xf32>, vector<16xf32>, vector<16xf32>, vector<16xf32>)  : i32 {
      %mul3A_524 = arith.constant 64 : i32
      %mul3A_525 = arith.muli %scan3A_519, %mul3A_524 : i32
      %get3A = arith.index_cast %mul3A_525 : i32 to index
      %get3A_526 = tpu.vector_load %arg8[%get3A] {strides = array<i32>} : memref<3200xf32, #tpu.memory_space<vmem>>, vector<16xf32>,
      %get3A_527 = vector.shape_cast %get3A_526 : vector<16xf32> to vector<16xf32>
      %add3A_528 = arith.addf %scan3A_520, %get3A_527 : vector<16xf32>
      %add3A_529 = arith.constant 16 : i32
      %add3A_530 = arith.addi %mul3A_525, %add3A_529 : i32
      %get3A_531 = arith.index_cast %add3A_530 : i32 to index
      %get3A_532 = tpu.vector_load %arg8[%get3A_531] {strides = array<i32>} : memref<3200xf32, #tpu.memory_space<vmem>>, vector<16xf32>,
      %get3A_533 = vector.shape_cast %get3A_532 : vector<16xf32> to vector<16xf32>
      %add3A_534 = arith.addf %scan3A_521, %get3A_533 : vector<16xf32>
      %add3A_535 = arith.constant 32 : i32
      %add3A_536 = arith.addi %mul3A_525, %add3A_535 : i32
      %get3A_537 = arith.index_cast %add3A_536 : i32 to index
      %get3A_538 = tpu.vector_load %arg8[%get3A_537] {strides = array<i32>} : memref<3200xf32, #tpu.memory_space<vmem>>, vector<16xf32>,
      %get3A_539 = vector.shape_cast %get3A_538 : vector<16xf32> to vector<16xf32>
      %add3A_540 = arith.addf %scan3A_522, %get3A_539 : vector<16xf32>
      %add3A_541 = arith.constant 48 : i32
      %add3A_542 = arith.addi %mul3A_525, %add3A_541 : i32
      %get3A_543 = arith.index_cast %add3A_542 : i32 to index
      %get3A_544 = tpu.vector_load %arg8[%get3A_543] {strides = array<i32>} : memref<3200xf32, #tpu.memory_space<vmem>>, vector<16xf32>,
      %get3A_545 = vector.shape_cast %get3A_544 : vector<16xf32> to vector<16xf32>
      %add3A_546 = arith.addf %scan3A_523, %get3A_545 : vector<16xf32>
      scf.yield %add3A_528, %add3A_534, %add3A_540, %add3A_546 : vector<16xf32>, vector<16xf32>, vector<16xf32>, vector<16xf32>
    }
    %scan3A_332 = arith.constant 50 : i32
    %dma_wait3A_333 = tpu.memref_slice %arg3[%add3A_324] : memref<3276800xi32, #tpu.memory_space<hbm>> -> memref<3200xi32, #tpu.memory_space<hbm>>
    %dma_wait3A_334 = tpu.memref_slice %arg3[%add3A_324] : memref<3276800xi32, #tpu.memory_space<hbm>> -> memref<3200xi32, #tpu.memory_space<hbm>>
    tpu.wait_dma2 semaphore(%arg11 : memref<!tpu.dma_semaphore, #tpu.memory_space<semaphore_mem>>) src(%dma_wait3A_334 : memref<3200xi32, #tpu.memory_space<hbm>>) dst(%arg6 : memref<3200xi32, #tpu.memory_space<vmem>>)
    %dma_start3A_335 = arith.constant 0 : i32
    %dma_start3A_336 = tpu.memref_slice %arg2[%dma_start3A_335] : memref<1015808xf32, #tpu.memory_space<hbm>> -> memref<1015808xf32, #tpu.memory_space<hbm>>
    tpu.enqueue_indirect_dma source(%dma_start3A_336 : memref<1015808xf32, #tpu.memory_space<hbm>>) target(%arg8 : memref<3200xf32, #tpu.memory_space<vmem>>) offsets(%arg6 : memref<3200xi32, #tpu.memory_space<vmem>>) semaphore(%arg13 : memref<!tpu.dma_semaphore, #tpu.memory_space<semaphore_mem>>)
    %dma_wait3A_337 = arith.constant 0 : i32
    %dma_wait3A_338 = tpu.memref_slice %arg2[%dma_wait3A_337] : memref<1015808xf32, #tpu.memory_space<hbm>> -> memref<1015808xf32, #tpu.memory_space<hbm>>
    tpu.wait_indirect_dma semaphore(%arg12 : memref<!tpu.dma_semaphore, #tpu.memory_space<semaphore_mem>>) src(%dma_wait3A_338 : memref<1015808xf32, #tpu.memory_space<hbm>>) dst(%arg7 : memref<3200xf32, #tpu.memory_space<vmem>>)
    %add3A_339 = arith.constant 70400 : i32
    %add3A_340 = arith.addi %mul3A_2, %add3A_339 : i32
    %dma_start3A_341 = tpu.memref_slice %arg3[%add3A_340] : memref<3276800xi32, #tpu.memory_space<hbm>> -> memref<3200xi32, #tpu.memory_space<hbm>>
    %dma_start3A_342 = tpu.memref_slice %arg3[%add3A_340] : memref<3276800xi32, #tpu.memory_space<hbm>> -> memref<3200xi32, #tpu.memory_space<hbm>>
    tpu.enqueue_dma source(%dma_start3A_342 : memref<3200xi32, #tpu.memory_space<hbm>>) target(%arg5 : memref<3200xi32, #tpu.memory_space<vmem>>) target_semaphore(%arg10 : memref<!tpu.dma_semaphore, #tpu.memory_space<semaphore_mem>>)
    %scan3A_343 = arith.constant 0 : i32
    %scan3A_344 = arith.constant 50 : i32
    %scan3A_345 = arith.addi %scan3A_343, %scan3A_344 : i32
    %scan3A_346 = arith.constant 1 : i32
    %scan3A_347:4 = scf.for %scan3A_519 = %scan3A_343 to %scan3A_345 step %scan3A_346 iter_args(%scan3A_520 = %scan3A_331#0, %scan3A_521 = %scan3A_331#1, %scan3A_522 = %scan3A_331#2, %scan3A_523 = %scan3A_331#3) -> (vector<16xf32>, vector<16xf32>, vector<16xf32>, vector<16xf32>)  : i32 {
      %mul3A_524 = arith.constant 64 : i32
      %mul3A_525 = arith.muli %scan3A_519, %mul3A_524 : i32
      %get3A = arith.index_cast %mul3A_525 : i32 to index
      %get3A_526 = tpu.vector_load %arg7[%get3A] {strides = array<i32>} : memref<3200xf32, #tpu.memory_space<vmem>>, vector<16xf32>,
      %get3A_527 = vector.shape_cast %get3A_526 : vector<16xf32> to vector<16xf32>
      %add3A_528 = arith.addf %scan3A_520, %get3A_527 : vector<16xf32>
      %add3A_529 = arith.constant 16 : i32
      %add3A_530 = arith.addi %mul3A_525, %add3A_529 : i32
      %get3A_531 = arith.index_cast %add3A_530 : i32 to index
      %get3A_532 = tpu.vector_load %arg7[%get3A_531] {strides = array<i32>} : memref<3200xf32, #tpu.memory_space<vmem>>, vector<16xf32>,
      %get3A_533 = vector.shape_cast %get3A_532 : vector<16xf32> to vector<16xf32>
      %add3A_534 = arith.addf %scan3A_521, %get3A_533 : vector<16xf32>
      %add3A_535 = arith.constant 32 : i32
      %add3A_536 = arith.addi %mul3A_525, %add3A_535 : i32
      %get3A_537 = arith.index_cast %add3A_536 : i32 to index
      %get3A_538 = tpu.vector_load %arg7[%get3A_537] {strides = array<i32>} : memref<3200xf32, #tpu.memory_space<vmem>>, vector<16xf32>,
      %get3A_539 = vector.shape_cast %get3A_538 : vector<16xf32> to vector<16xf32>
      %add3A_540 = arith.addf %scan3A_522, %get3A_539 : vector<16xf32>
      %add3A_541 = arith.constant 48 : i32
      %add3A_542 = arith.addi %mul3A_525, %add3A_541 : i32
      %get3A_543 = arith.index_cast %add3A_542 : i32 to index
      %get3A_544 = tpu.vector_load %arg7[%get3A_543] {strides = array<i32>} : memref<3200xf32, #tpu.memory_space<vmem>>, vector<16xf32>,
      %get3A_545 = vector.shape_cast %get3A_544 : vector<16xf32> to vector<16xf32>
      %add3A_546 = arith.addf %scan3A_523, %get3A_545 : vector<16xf32>
      scf.yield %add3A_528, %add3A_534, %add3A_540, %add3A_546 : vector<16xf32>, vector<16xf32>, vector<16xf32>, vector<16xf32>
    }
    %scan3A_348 = arith.constant 50 : i32
    %dma_wait3A_349 = tpu.memref_slice %arg3[%add3A_340] : memref<3276800xi32, #tpu.memory_space<hbm>> -> memref<3200xi32, #tpu.memory_space<hbm>>
    %dma_wait3A_350 = tpu.memref_slice %arg3[%add3A_340] : memref<3276800xi32, #tpu.memory_space<hbm>> -> memref<3200xi32, #tpu.memory_space<hbm>>
    tpu.wait_dma2 semaphore(%arg10 : memref<!tpu.dma_semaphore, #tpu.memory_space<semaphore_mem>>) src(%dma_wait3A_350 : memref<3200xi32, #tpu.memory_space<hbm>>) dst(%arg5 : memref<3200xi32, #tpu.memory_space<vmem>>)
    %dma_start3A_351 = arith.constant 0 : i32
    %dma_start3A_352 = tpu.memref_slice %arg2[%dma_start3A_351] : memref<1015808xf32, #tpu.memory_space<hbm>> -> memref<1015808xf32, #tpu.memory_space<hbm>>
    tpu.enqueue_indirect_dma source(%dma_start3A_352 : memref<1015808xf32, #tpu.memory_space<hbm>>) target(%arg7 : memref<3200xf32, #tpu.memory_space<vmem>>) offsets(%arg5 : memref<3200xi32, #tpu.memory_space<vmem>>) semaphore(%arg12 : memref<!tpu.dma_semaphore, #tpu.memory_space<semaphore_mem>>)
    %dma_wait3A_353 = arith.constant 0 : i32
    %dma_wait3A_354 = tpu.memref_slice %arg2[%dma_wait3A_353] : memref<1015808xf32, #tpu.memory_space<hbm>> -> memref<1015808xf32, #tpu.memory_space<hbm>>
    tpu.wait_indirect_dma semaphore(%arg13 : memref<!tpu.dma_semaphore, #tpu.memory_space<semaphore_mem>>) src(%dma_wait3A_354 : memref<1015808xf32, #tpu.memory_space<hbm>>) dst(%arg8 : memref<3200xf32, #tpu.memory_space<vmem>>)
    %add3A_355 = arith.constant 73600 : i32
    %add3A_356 = arith.addi %mul3A_2, %add3A_355 : i32
    %dma_start3A_357 = tpu.memref_slice %arg3[%add3A_356] : memref<3276800xi32, #tpu.memory_space<hbm>> -> memref<3200xi32, #tpu.memory_space<hbm>>
    %dma_start3A_358 = tpu.memref_slice %arg3[%add3A_356] : memref<3276800xi32, #tpu.memory_space<hbm>> -> memref<3200xi32, #tpu.memory_space<hbm>>
    tpu.enqueue_dma source(%dma_start3A_358 : memref<3200xi32, #tpu.memory_space<hbm>>) target(%arg6 : memref<3200xi32, #tpu.memory_space<vmem>>) target_semaphore(%arg11 : memref<!tpu.dma_semaphore, #tpu.memory_space<semaphore_mem>>)
    %scan3A_359 = arith.constant 0 : i32
    %scan3A_360 = arith.constant 50 : i32
    %scan3A_361 = arith.addi %scan3A_359, %scan3A_360 : i32
    %scan3A_362 = arith.constant 1 : i32
    %scan3A_363:4 = scf.for %scan3A_519 = %scan3A_359 to %scan3A_361 step %scan3A_362 iter_args(%scan3A_520 = %scan3A_347#0, %scan3A_521 = %scan3A_347#1, %scan3A_522 = %scan3A_347#2, %scan3A_523 = %scan3A_347#3) -> (vector<16xf32>, vector<16xf32>, vector<16xf32>, vector<16xf32>)  : i32 {
      %mul3A_524 = arith.constant 64 : i32
      %mul3A_525 = arith.muli %scan3A_519, %mul3A_524 : i32
      %get3A = arith.index_cast %mul3A_525 : i32 to index
      %get3A_526 = tpu.vector_load %arg8[%get3A] {strides = array<i32>} : memref<3200xf32, #tpu.memory_space<vmem>>, vector<16xf32>,
      %get3A_527 = vector.shape_cast %get3A_526 : vector<16xf32> to vector<16xf32>
      %add3A_528 = arith.addf %scan3A_520, %get3A_527 : vector<16xf32>
      %add3A_529 = arith.constant 16 : i32
      %add3A_530 = arith.addi %mul3A_525, %add3A_529 : i32
      %get3A_531 = arith.index_cast %add3A_530 : i32 to index
      %get3A_532 = tpu.vector_load %arg8[%get3A_531] {strides = array<i32>} : memref<3200xf32, #tpu.memory_space<vmem>>, vector<16xf32>,
      %get3A_533 = vector.shape_cast %get3A_532 : vector<16xf32> to vector<16xf32>
      %add3A_534 = arith.addf %scan3A_521, %get3A_533 : vector<16xf32>
      %add3A_535 = arith.constant 32 : i32
      %add3A_536 = arith.addi %mul3A_525, %add3A_535 : i32
      %get3A_537 = arith.index_cast %add3A_536 : i32 to index
      %get3A_538 = tpu.vector_load %arg8[%get3A_537] {strides = array<i32>} : memref<3200xf32, #tpu.memory_space<vmem>>, vector<16xf32>,
      %get3A_539 = vector.shape_cast %get3A_538 : vector<16xf32> to vector<16xf32>
      %add3A_540 = arith.addf %scan3A_522, %get3A_539 : vector<16xf32>
      %add3A_541 = arith.constant 48 : i32
      %add3A_542 = arith.addi %mul3A_525, %add3A_541 : i32
      %get3A_543 = arith.index_cast %add3A_542 : i32 to index
      %get3A_544 = tpu.vector_load %arg8[%get3A_543] {strides = array<i32>} : memref<3200xf32, #tpu.memory_space<vmem>>, vector<16xf32>,
      %get3A_545 = vector.shape_cast %get3A_544 : vector<16xf32> to vector<16xf32>
      %add3A_546 = arith.addf %scan3A_523, %get3A_545 : vector<16xf32>
      scf.yield %add3A_528, %add3A_534, %add3A_540, %add3A_546 : vector<16xf32>, vector<16xf32>, vector<16xf32>, vector<16xf32>
    }
    %scan3A_364 = arith.constant 50 : i32
    %dma_wait3A_365 = tpu.memref_slice %arg3[%add3A_356] : memref<3276800xi32, #tpu.memory_space<hbm>> -> memref<3200xi32, #tpu.memory_space<hbm>>
    %dma_wait3A_366 = tpu.memref_slice %arg3[%add3A_356] : memref<3276800xi32, #tpu.memory_space<hbm>> -> memref<3200xi32, #tpu.memory_space<hbm>>
    tpu.wait_dma2 semaphore(%arg11 : memref<!tpu.dma_semaphore, #tpu.memory_space<semaphore_mem>>) src(%dma_wait3A_366 : memref<3200xi32, #tpu.memory_space<hbm>>) dst(%arg6 : memref<3200xi32, #tpu.memory_space<vmem>>)
    %dma_start3A_367 = arith.constant 0 : i32
    %dma_start3A_368 = tpu.memref_slice %arg2[%dma_start3A_367] : memref<1015808xf32, #tpu.memory_space<hbm>> -> memref<1015808xf32, #tpu.memory_space<hbm>>
    tpu.enqueue_indirect_dma source(%dma_start3A_368 : memref<1015808xf32, #tpu.memory_space<hbm>>) target(%arg8 : memref<3200xf32, #tpu.memory_space<vmem>>) offsets(%arg6 : memref<3200xi32, #tpu.memory_space<vmem>>) semaphore(%arg13 : memref<!tpu.dma_semaphore, #tpu.memory_space<semaphore_mem>>)
    %dma_wait3A_369 = arith.constant 0 : i32
    %dma_wait3A_370 = tpu.memref_slice %arg2[%dma_wait3A_369] : memref<1015808xf32, #tpu.memory_space<hbm>> -> memref<1015808xf32, #tpu.memory_space<hbm>>
    tpu.wait_indirect_dma semaphore(%arg12 : memref<!tpu.dma_semaphore, #tpu.memory_space<semaphore_mem>>) src(%dma_wait3A_370 : memref<1015808xf32, #tpu.memory_space<hbm>>) dst(%arg7 : memref<3200xf32, #tpu.memory_space<vmem>>)
    %add3A_371 = arith.constant 76800 : i32
    %add3A_372 = arith.addi %mul3A_2, %add3A_371 : i32
    %dma_start3A_373 = tpu.memref_slice %arg3[%add3A_372] : memref<3276800xi32, #tpu.memory_space<hbm>> -> memref<3200xi32, #tpu.memory_space<hbm>>
    %dma_start3A_374 = tpu.memref_slice %arg3[%add3A_372] : memref<3276800xi32, #tpu.memory_space<hbm>> -> memref<3200xi32, #tpu.memory_space<hbm>>
    tpu.enqueue_dma source(%dma_start3A_374 : memref<3200xi32, #tpu.memory_space<hbm>>) target(%arg5 : memref<3200xi32, #tpu.memory_space<vmem>>) target_semaphore(%arg10 : memref<!tpu.dma_semaphore, #tpu.memory_space<semaphore_mem>>)
    %scan3A_375 = arith.constant 0 : i32
    %scan3A_376 = arith.constant 50 : i32
    %scan3A_377 = arith.addi %scan3A_375, %scan3A_376 : i32
    %scan3A_378 = arith.constant 1 : i32
    %scan3A_379:4 = scf.for %scan3A_519 = %scan3A_375 to %scan3A_377 step %scan3A_378 iter_args(%scan3A_520 = %scan3A_363#0, %scan3A_521 = %scan3A_363#1, %scan3A_522 = %scan3A_363#2, %scan3A_523 = %scan3A_363#3) -> (vector<16xf32>, vector<16xf32>, vector<16xf32>, vector<16xf32>)  : i32 {
      %mul3A_524 = arith.constant 64 : i32
      %mul3A_525 = arith.muli %scan3A_519, %mul3A_524 : i32
      %get3A = arith.index_cast %mul3A_525 : i32 to index
      %get3A_526 = tpu.vector_load %arg7[%get3A] {strides = array<i32>} : memref<3200xf32, #tpu.memory_space<vmem>>, vector<16xf32>,
      %get3A_527 = vector.shape_cast %get3A_526 : vector<16xf32> to vector<16xf32>
      %add3A_528 = arith.addf %scan3A_520, %get3A_527 : vector<16xf32>
      %add3A_529 = arith.constant 16 : i32
      %add3A_530 = arith.addi %mul3A_525, %add3A_529 : i32
      %get3A_531 = arith.index_cast %add3A_530 : i32 to index
      %get3A_532 = tpu.vector_load %arg7[%get3A_531] {strides = array<i32>} : memref<3200xf32, #tpu.memory_space<vmem>>, vector<16xf32>,
      %get3A_533 = vector.shape_cast %get3A_532 : vector<16xf32> to vector<16xf32>
      %add3A_534 = arith.addf %scan3A_521, %get3A_533 : vector<16xf32>
      %add3A_535 = arith.constant 32 : i32
      %add3A_536 = arith.addi %mul3A_525, %add3A_535 : i32
      %get3A_537 = arith.index_cast %add3A_536 : i32 to index
      %get3A_538 = tpu.vector_load %arg7[%get3A_537] {strides = array<i32>} : memref<3200xf32, #tpu.memory_space<vmem>>, vector<16xf32>,
      %get3A_539 = vector.shape_cast %get3A_538 : vector<16xf32> to vector<16xf32>
      %add3A_540 = arith.addf %scan3A_522, %get3A_539 : vector<16xf32>
      %add3A_541 = arith.constant 48 : i32
      %add3A_542 = arith.addi %mul3A_525, %add3A_541 : i32
      %get3A_543 = arith.index_cast %add3A_542 : i32 to index
      %get3A_544 = tpu.vector_load %arg7[%get3A_543] {strides = array<i32>} : memref<3200xf32, #tpu.memory_space<vmem>>, vector<16xf32>,
      %get3A_545 = vector.shape_cast %get3A_544 : vector<16xf32> to vector<16xf32>
      %add3A_546 = arith.addf %scan3A_523, %get3A_545 : vector<16xf32>
      scf.yield %add3A_528, %add3A_534, %add3A_540, %add3A_546 : vector<16xf32>, vector<16xf32>, vector<16xf32>, vector<16xf32>
    }
    %scan3A_380 = arith.constant 50 : i32
    %dma_wait3A_381 = tpu.memref_slice %arg3[%add3A_372] : memref<3276800xi32, #tpu.memory_space<hbm>> -> memref<3200xi32, #tpu.memory_space<hbm>>
    %dma_wait3A_382 = tpu.memref_slice %arg3[%add3A_372] : memref<3276800xi32, #tpu.memory_space<hbm>> -> memref<3200xi32, #tpu.memory_space<hbm>>
    tpu.wait_dma2 semaphore(%arg10 : memref<!tpu.dma_semaphore, #tpu.memory_space<semaphore_mem>>) src(%dma_wait3A_382 : memref<3200xi32, #tpu.memory_space<hbm>>) dst(%arg5 : memref<3200xi32, #tpu.memory_space<vmem>>)
    %dma_start3A_383 = arith.constant 0 : i32
    %dma_start3A_384 = tpu.memref_slice %arg2[%dma_start3A_383] : memref<1015808xf32, #tpu.memory_space<hbm>> -> memref<1015808xf32, #tpu.memory_space<hbm>>
    tpu.enqueue_indirect_dma source(%dma_start3A_384 : memref<1015808xf32, #tpu.memory_space<hbm>>) target(%arg7 : memref<3200xf32, #tpu.memory_space<vmem>>) offsets(%arg5 : memref<3200xi32, #tpu.memory_space<vmem>>) semaphore(%arg12 : memref<!tpu.dma_semaphore, #tpu.memory_space<semaphore_mem>>)
    %dma_wait3A_385 = arith.constant 0 : i32
    %dma_wait3A_386 = tpu.memref_slice %arg2[%dma_wait3A_385] : memref<1015808xf32, #tpu.memory_space<hbm>> -> memref<1015808xf32, #tpu.memory_space<hbm>>
    tpu.wait_indirect_dma semaphore(%arg13 : memref<!tpu.dma_semaphore, #tpu.memory_space<semaphore_mem>>) src(%dma_wait3A_386 : memref<1015808xf32, #tpu.memory_space<hbm>>) dst(%arg8 : memref<3200xf32, #tpu.memory_space<vmem>>)
    %add3A_387 = arith.constant 80000 : i32
    %add3A_388 = arith.addi %mul3A_2, %add3A_387 : i32
    %dma_start3A_389 = tpu.memref_slice %arg3[%add3A_388] : memref<3276800xi32, #tpu.memory_space<hbm>> -> memref<3200xi32, #tpu.memory_space<hbm>>
    %dma_start3A_390 = tpu.memref_slice %arg3[%add3A_388] : memref<3276800xi32, #tpu.memory_space<hbm>> -> memref<3200xi32, #tpu.memory_space<hbm>>
    tpu.enqueue_dma source(%dma_start3A_390 : memref<3200xi32, #tpu.memory_space<hbm>>) target(%arg6 : memref<3200xi32, #tpu.memory_space<vmem>>) target_semaphore(%arg11 : memref<!tpu.dma_semaphore, #tpu.memory_space<semaphore_mem>>)
    %scan3A_391 = arith.constant 0 : i32
    %scan3A_392 = arith.constant 50 : i32
    %scan3A_393 = arith.addi %scan3A_391, %scan3A_392 : i32
    %scan3A_394 = arith.constant 1 : i32
    %scan3A_395:4 = scf.for %scan3A_519 = %scan3A_391 to %scan3A_393 step %scan3A_394 iter_args(%scan3A_520 = %scan3A_379#0, %scan3A_521 = %scan3A_379#1, %scan3A_522 = %scan3A_379#2, %scan3A_523 = %scan3A_379#3) -> (vector<16xf32>, vector<16xf32>, vector<16xf32>, vector<16xf32>)  : i32 {
      %mul3A_524 = arith.constant 64 : i32
      %mul3A_525 = arith.muli %scan3A_519, %mul3A_524 : i32
      %get3A = arith.index_cast %mul3A_525 : i32 to index
      %get3A_526 = tpu.vector_load %arg8[%get3A] {strides = array<i32>} : memref<3200xf32, #tpu.memory_space<vmem>>, vector<16xf32>,
      %get3A_527 = vector.shape_cast %get3A_526 : vector<16xf32> to vector<16xf32>
      %add3A_528 = arith.addf %scan3A_520, %get3A_527 : vector<16xf32>
      %add3A_529 = arith.constant 16 : i32
      %add3A_530 = arith.addi %mul3A_525, %add3A_529 : i32
      %get3A_531 = arith.index_cast %add3A_530 : i32 to index
      %get3A_532 = tpu.vector_load %arg8[%get3A_531] {strides = array<i32>} : memref<3200xf32, #tpu.memory_space<vmem>>, vector<16xf32>,
      %get3A_533 = vector.shape_cast %get3A_532 : vector<16xf32> to vector<16xf32>
      %add3A_534 = arith.addf %scan3A_521, %get3A_533 : vector<16xf32>
      %add3A_535 = arith.constant 32 : i32
      %add3A_536 = arith.addi %mul3A_525, %add3A_535 : i32
      %get3A_537 = arith.index_cast %add3A_536 : i32 to index
      %get3A_538 = tpu.vector_load %arg8[%get3A_537] {strides = array<i32>} : memref<3200xf32, #tpu.memory_space<vmem>>, vector<16xf32>,
      %get3A_539 = vector.shape_cast %get3A_538 : vector<16xf32> to vector<16xf32>
      %add3A_540 = arith.addf %scan3A_522, %get3A_539 : vector<16xf32>
      %add3A_541 = arith.constant 48 : i32
      %add3A_542 = arith.addi %mul3A_525, %add3A_541 : i32
      %get3A_543 = arith.index_cast %add3A_542 : i32 to index
      %get3A_544 = tpu.vector_load %arg8[%get3A_543] {strides = array<i32>} : memref<3200xf32, #tpu.memory_space<vmem>>, vector<16xf32>,
      %get3A_545 = vector.shape_cast %get3A_544 : vector<16xf32> to vector<16xf32>
      %add3A_546 = arith.addf %scan3A_523, %get3A_545 : vector<16xf32>
      scf.yield %add3A_528, %add3A_534, %add3A_540, %add3A_546 : vector<16xf32>, vector<16xf32>, vector<16xf32>, vector<16xf32>
    }
    %scan3A_396 = arith.constant 50 : i32
    %dma_wait3A_397 = tpu.memref_slice %arg3[%add3A_388] : memref<3276800xi32, #tpu.memory_space<hbm>> -> memref<3200xi32, #tpu.memory_space<hbm>>
    %dma_wait3A_398 = tpu.memref_slice %arg3[%add3A_388] : memref<3276800xi32, #tpu.memory_space<hbm>> -> memref<3200xi32, #tpu.memory_space<hbm>>
    tpu.wait_dma2 semaphore(%arg11 : memref<!tpu.dma_semaphore, #tpu.memory_space<semaphore_mem>>) src(%dma_wait3A_398 : memref<3200xi32, #tpu.memory_space<hbm>>) dst(%arg6 : memref<3200xi32, #tpu.memory_space<vmem>>)
    %dma_start3A_399 = arith.constant 0 : i32
    %dma_start3A_400 = tpu.memref_slice %arg2[%dma_start3A_399] : memref<1015808xf32, #tpu.memory_space<hbm>> -> memref<1015808xf32, #tpu.memory_space<hbm>>
    tpu.enqueue_indirect_dma source(%dma_start3A_400 : memref<1015808xf32, #tpu.memory_space<hbm>>) target(%arg8 : memref<3200xf32, #tpu.memory_space<vmem>>) offsets(%arg6 : memref<3200xi32, #tpu.memory_space<vmem>>) semaphore(%arg13 : memref<!tpu.dma_semaphore, #tpu.memory_space<semaphore_mem>>)
    %dma_wait3A_401 = arith.constant 0 : i32
    %dma_wait3A_402 = tpu.memref_slice %arg2[%dma_wait3A_401] : memref<1015808xf32, #tpu.memory_space<hbm>> -> memref<1015808xf32, #tpu.memory_space<hbm>>
    tpu.wait_indirect_dma semaphore(%arg12 : memref<!tpu.dma_semaphore, #tpu.memory_space<semaphore_mem>>) src(%dma_wait3A_402 : memref<1015808xf32, #tpu.memory_space<hbm>>) dst(%arg7 : memref<3200xf32, #tpu.memory_space<vmem>>)
    %add3A_403 = arith.constant 83200 : i32
    %add3A_404 = arith.addi %mul3A_2, %add3A_403 : i32
    %dma_start3A_405 = tpu.memref_slice %arg3[%add3A_404] : memref<3276800xi32, #tpu.memory_space<hbm>> -> memref<3200xi32, #tpu.memory_space<hbm>>
    %dma_start3A_406 = tpu.memref_slice %arg3[%add3A_404] : memref<3276800xi32, #tpu.memory_space<hbm>> -> memref<3200xi32, #tpu.memory_space<hbm>>
    tpu.enqueue_dma source(%dma_start3A_406 : memref<3200xi32, #tpu.memory_space<hbm>>) target(%arg5 : memref<3200xi32, #tpu.memory_space<vmem>>) target_semaphore(%arg10 : memref<!tpu.dma_semaphore, #tpu.memory_space<semaphore_mem>>)
    %scan3A_407 = arith.constant 0 : i32
    %scan3A_408 = arith.constant 50 : i32
    %scan3A_409 = arith.addi %scan3A_407, %scan3A_408 : i32
    %scan3A_410 = arith.constant 1 : i32
    %scan3A_411:4 = scf.for %scan3A_519 = %scan3A_407 to %scan3A_409 step %scan3A_410 iter_args(%scan3A_520 = %scan3A_395#0, %scan3A_521 = %scan3A_395#1, %scan3A_522 = %scan3A_395#2, %scan3A_523 = %scan3A_395#3) -> (vector<16xf32>, vector<16xf32>, vector<16xf32>, vector<16xf32>)  : i32 {
      %mul3A_524 = arith.constant 64 : i32
      %mul3A_525 = arith.muli %scan3A_519, %mul3A_524 : i32
      %get3A = arith.index_cast %mul3A_525 : i32 to index
      %get3A_526 = tpu.vector_load %arg7[%get3A] {strides = array<i32>} : memref<3200xf32, #tpu.memory_space<vmem>>, vector<16xf32>,
      %get3A_527 = vector.shape_cast %get3A_526 : vector<16xf32> to vector<16xf32>
      %add3A_528 = arith.addf %scan3A_520, %get3A_527 : vector<16xf32>
      %add3A_529 = arith.constant 16 : i32
      %add3A_530 = arith.addi %mul3A_525, %add3A_529 : i32
      %get3A_531 = arith.index_cast %add3A_530 : i32 to index
      %get3A_532 = tpu.vector_load %arg7[%get3A_531] {strides = array<i32>} : memref<3200xf32, #tpu.memory_space<vmem>>, vector<16xf32>,
      %get3A_533 = vector.shape_cast %get3A_532 : vector<16xf32> to vector<16xf32>
      %add3A_534 = arith.addf %scan3A_521, %get3A_533 : vector<16xf32>
      %add3A_535 = arith.constant 32 : i32
      %add3A_536 = arith.addi %mul3A_525, %add3A_535 : i32
      %get3A_537 = arith.index_cast %add3A_536 : i32 to index
      %get3A_538 = tpu.vector_load %arg7[%get3A_537] {strides = array<i32>} : memref<3200xf32, #tpu.memory_space<vmem>>, vector<16xf32>,
      %get3A_539 = vector.shape_cast %get3A_538 : vector<16xf32> to vector<16xf32>
      %add3A_540 = arith.addf %scan3A_522, %get3A_539 : vector<16xf32>
      %add3A_541 = arith.constant 48 : i32
      %add3A_542 = arith.addi %mul3A_525, %add3A_541 : i32
      %get3A_543 = arith.index_cast %add3A_542 : i32 to index
      %get3A_544 = tpu.vector_load %arg7[%get3A_543] {strides = array<i32>} : memref<3200xf32, #tpu.memory_space<vmem>>, vector<16xf32>,
      %get3A_545 = vector.shape_cast %get3A_544 : vector<16xf32> to vector<16xf32>
      %add3A_546 = arith.addf %scan3A_523, %get3A_545 : vector<16xf32>
      scf.yield %add3A_528, %add3A_534, %add3A_540, %add3A_546 : vector<16xf32>, vector<16xf32>, vector<16xf32>, vector<16xf32>
    }
    %scan3A_412 = arith.constant 50 : i32
    %dma_wait3A_413 = tpu.memref_slice %arg3[%add3A_404] : memref<3276800xi32, #tpu.memory_space<hbm>> -> memref<3200xi32, #tpu.memory_space<hbm>>
    %dma_wait3A_414 = tpu.memref_slice %arg3[%add3A_404] : memref<3276800xi32, #tpu.memory_space<hbm>> -> memref<3200xi32, #tpu.memory_space<hbm>>
    tpu.wait_dma2 semaphore(%arg10 : memref<!tpu.dma_semaphore, #tpu.memory_space<semaphore_mem>>) src(%dma_wait3A_414 : memref<3200xi32, #tpu.memory_space<hbm>>) dst(%arg5 : memref<3200xi32, #tpu.memory_space<vmem>>)
    %dma_start3A_415 = arith.constant 0 : i32
    %dma_start3A_416 = tpu.memref_slice %arg2[%dma_start3A_415] : memref<1015808xf32, #tpu.memory_space<hbm>> -> memref<1015808xf32, #tpu.memory_space<hbm>>
    tpu.enqueue_indirect_dma source(%dma_start3A_416 : memref<1015808xf32, #tpu.memory_space<hbm>>) target(%arg7 : memref<3200xf32, #tpu.memory_space<vmem>>) offsets(%arg5 : memref<3200xi32, #tpu.memory_space<vmem>>) semaphore(%arg12 : memref<!tpu.dma_semaphore, #tpu.memory_space<semaphore_mem>>)
    %dma_wait3A_417 = arith.constant 0 : i32
    %dma_wait3A_418 = tpu.memref_slice %arg2[%dma_wait3A_417] : memref<1015808xf32, #tpu.memory_space<hbm>> -> memref<1015808xf32, #tpu.memory_space<hbm>>
    tpu.wait_indirect_dma semaphore(%arg13 : memref<!tpu.dma_semaphore, #tpu.memory_space<semaphore_mem>>) src(%dma_wait3A_418 : memref<1015808xf32, #tpu.memory_space<hbm>>) dst(%arg8 : memref<3200xf32, #tpu.memory_space<vmem>>)
    %add3A_419 = arith.constant 86400 : i32
    %add3A_420 = arith.addi %mul3A_2, %add3A_419 : i32
    %dma_start3A_421 = tpu.memref_slice %arg3[%add3A_420] : memref<3276800xi32, #tpu.memory_space<hbm>> -> memref<3200xi32, #tpu.memory_space<hbm>>
    %dma_start3A_422 = tpu.memref_slice %arg3[%add3A_420] : memref<3276800xi32, #tpu.memory_space<hbm>> -> memref<3200xi32, #tpu.memory_space<hbm>>
    tpu.enqueue_dma source(%dma_start3A_422 : memref<3200xi32, #tpu.memory_space<hbm>>) target(%arg6 : memref<3200xi32, #tpu.memory_space<vmem>>) target_semaphore(%arg11 : memref<!tpu.dma_semaphore, #tpu.memory_space<semaphore_mem>>)
    %scan3A_423 = arith.constant 0 : i32
    %scan3A_424 = arith.constant 50 : i32
    %scan3A_425 = arith.addi %scan3A_423, %scan3A_424 : i32
    %scan3A_426 = arith.constant 1 : i32
    %scan3A_427:4 = scf.for %scan3A_519 = %scan3A_423 to %scan3A_425 step %scan3A_426 iter_args(%scan3A_520 = %scan3A_411#0, %scan3A_521 = %scan3A_411#1, %scan3A_522 = %scan3A_411#2, %scan3A_523 = %scan3A_411#3) -> (vector<16xf32>, vector<16xf32>, vector<16xf32>, vector<16xf32>)  : i32 {
      %mul3A_524 = arith.constant 64 : i32
      %mul3A_525 = arith.muli %scan3A_519, %mul3A_524 : i32
      %get3A = arith.index_cast %mul3A_525 : i32 to index
      %get3A_526 = tpu.vector_load %arg8[%get3A] {strides = array<i32>} : memref<3200xf32, #tpu.memory_space<vmem>>, vector<16xf32>,
      %get3A_527 = vector.shape_cast %get3A_526 : vector<16xf32> to vector<16xf32>
      %add3A_528 = arith.addf %scan3A_520, %get3A_527 : vector<16xf32>
      %add3A_529 = arith.constant 16 : i32
      %add3A_530 = arith.addi %mul3A_525, %add3A_529 : i32
      %get3A_531 = arith.index_cast %add3A_530 : i32 to index
      %get3A_532 = tpu.vector_load %arg8[%get3A_531] {strides = array<i32>} : memref<3200xf32, #tpu.memory_space<vmem>>, vector<16xf32>,
      %get3A_533 = vector.shape_cast %get3A_532 : vector<16xf32> to vector<16xf32>
      %add3A_534 = arith.addf %scan3A_521, %get3A_533 : vector<16xf32>
      %add3A_535 = arith.constant 32 : i32
      %add3A_536 = arith.addi %mul3A_525, %add3A_535 : i32
      %get3A_537 = arith.index_cast %add3A_536 : i32 to index
      %get3A_538 = tpu.vector_load %arg8[%get3A_537] {strides = array<i32>} : memref<3200xf32, #tpu.memory_space<vmem>>, vector<16xf32>,
      %get3A_539 = vector.shape_cast %get3A_538 : vector<16xf32> to vector<16xf32>
      %add3A_540 = arith.addf %scan3A_522, %get3A_539 : vector<16xf32>
      %add3A_541 = arith.constant 48 : i32
      %add3A_542 = arith.addi %mul3A_525, %add3A_541 : i32
      %get3A_543 = arith.index_cast %add3A_542 : i32 to index
      %get3A_544 = tpu.vector_load %arg8[%get3A_543] {strides = array<i32>} : memref<3200xf32, #tpu.memory_space<vmem>>, vector<16xf32>,
      %get3A_545 = vector.shape_cast %get3A_544 : vector<16xf32> to vector<16xf32>
      %add3A_546 = arith.addf %scan3A_523, %get3A_545 : vector<16xf32>
      scf.yield %add3A_528, %add3A_534, %add3A_540, %add3A_546 : vector<16xf32>, vector<16xf32>, vector<16xf32>, vector<16xf32>
    }
    %scan3A_428 = arith.constant 50 : i32
    %dma_wait3A_429 = tpu.memref_slice %arg3[%add3A_420] : memref<3276800xi32, #tpu.memory_space<hbm>> -> memref<3200xi32, #tpu.memory_space<hbm>>
    %dma_wait3A_430 = tpu.memref_slice %arg3[%add3A_420] : memref<3276800xi32, #tpu.memory_space<hbm>> -> memref<3200xi32, #tpu.memory_space<hbm>>
    tpu.wait_dma2 semaphore(%arg11 : memref<!tpu.dma_semaphore, #tpu.memory_space<semaphore_mem>>) src(%dma_wait3A_430 : memref<3200xi32, #tpu.memory_space<hbm>>) dst(%arg6 : memref<3200xi32, #tpu.memory_space<vmem>>)
    %dma_start3A_431 = arith.constant 0 : i32
    %dma_start3A_432 = tpu.memref_slice %arg2[%dma_start3A_431] : memref<1015808xf32, #tpu.memory_space<hbm>> -> memref<1015808xf32, #tpu.memory_space<hbm>>
    tpu.enqueue_indirect_dma source(%dma_start3A_432 : memref<1015808xf32, #tpu.memory_space<hbm>>) target(%arg8 : memref<3200xf32, #tpu.memory_space<vmem>>) offsets(%arg6 : memref<3200xi32, #tpu.memory_space<vmem>>) semaphore(%arg13 : memref<!tpu.dma_semaphore, #tpu.memory_space<semaphore_mem>>)
    %dma_wait3A_433 = arith.constant 0 : i32
    %dma_wait3A_434 = tpu.memref_slice %arg2[%dma_wait3A_433] : memref<1015808xf32, #tpu.memory_space<hbm>> -> memref<1015808xf32, #tpu.memory_space<hbm>>
    tpu.wait_indirect_dma semaphore(%arg12 : memref<!tpu.dma_semaphore, #tpu.memory_space<semaphore_mem>>) src(%dma_wait3A_434 : memref<1015808xf32, #tpu.memory_space<hbm>>) dst(%arg7 : memref<3200xf32, #tpu.memory_space<vmem>>)
    %add3A_435 = arith.constant 89600 : i32
    %add3A_436 = arith.addi %mul3A_2, %add3A_435 : i32
    %dma_start3A_437 = tpu.memref_slice %arg3[%add3A_436] : memref<3276800xi32, #tpu.memory_space<hbm>> -> memref<3200xi32, #tpu.memory_space<hbm>>
    %dma_start3A_438 = tpu.memref_slice %arg3[%add3A_436] : memref<3276800xi32, #tpu.memory_space<hbm>> -> memref<3200xi32, #tpu.memory_space<hbm>>
    tpu.enqueue_dma source(%dma_start3A_438 : memref<3200xi32, #tpu.memory_space<hbm>>) target(%arg5 : memref<3200xi32, #tpu.memory_space<vmem>>) target_semaphore(%arg10 : memref<!tpu.dma_semaphore, #tpu.memory_space<semaphore_mem>>)
    %scan3A_439 = arith.constant 0 : i32
    %scan3A_440 = arith.constant 50 : i32
    %scan3A_441 = arith.addi %scan3A_439, %scan3A_440 : i32
    %scan3A_442 = arith.constant 1 : i32
    %scan3A_443:4 = scf.for %scan3A_519 = %scan3A_439 to %scan3A_441 step %scan3A_442 iter_args(%scan3A_520 = %scan3A_427#0, %scan3A_521 = %scan3A_427#1, %scan3A_522 = %scan3A_427#2, %scan3A_523 = %scan3A_427#3) -> (vector<16xf32>, vector<16xf32>, vector<16xf32>, vector<16xf32>)  : i32 {
      %mul3A_524 = arith.constant 64 : i32
      %mul3A_525 = arith.muli %scan3A_519, %mul3A_524 : i32
      %get3A = arith.index_cast %mul3A_525 : i32 to index
      %get3A_526 = tpu.vector_load %arg7[%get3A] {strides = array<i32>} : memref<3200xf32, #tpu.memory_space<vmem>>, vector<16xf32>,
      %get3A_527 = vector.shape_cast %get3A_526 : vector<16xf32> to vector<16xf32>
      %add3A_528 = arith.addf %scan3A_520, %get3A_527 : vector<16xf32>
      %add3A_529 = arith.constant 16 : i32
      %add3A_530 = arith.addi %mul3A_525, %add3A_529 : i32
      %get3A_531 = arith.index_cast %add3A_530 : i32 to index
      %get3A_532 = tpu.vector_load %arg7[%get3A_531] {strides = array<i32>} : memref<3200xf32, #tpu.memory_space<vmem>>, vector<16xf32>,
      %get3A_533 = vector.shape_cast %get3A_532 : vector<16xf32> to vector<16xf32>
      %add3A_534 = arith.addf %scan3A_521, %get3A_533 : vector<16xf32>
      %add3A_535 = arith.constant 32 : i32
      %add3A_536 = arith.addi %mul3A_525, %add3A_535 : i32
      %get3A_537 = arith.index_cast %add3A_536 : i32 to index
      %get3A_538 = tpu.vector_load %arg7[%get3A_537] {strides = array<i32>} : memref<3200xf32, #tpu.memory_space<vmem>>, vector<16xf32>,
      %get3A_539 = vector.shape_cast %get3A_538 : vector<16xf32> to vector<16xf32>
      %add3A_540 = arith.addf %scan3A_522, %get3A_539 : vector<16xf32>
      %add3A_541 = arith.constant 48 : i32
      %add3A_542 = arith.addi %mul3A_525, %add3A_541 : i32
      %get3A_543 = arith.index_cast %add3A_542 : i32 to index
      %get3A_544 = tpu.vector_load %arg7[%get3A_543] {strides = array<i32>} : memref<3200xf32, #tpu.memory_space<vmem>>, vector<16xf32>,
      %get3A_545 = vector.shape_cast %get3A_544 : vector<16xf32> to vector<16xf32>
      %add3A_546 = arith.addf %scan3A_523, %get3A_545 : vector<16xf32>
      scf.yield %add3A_528, %add3A_534, %add3A_540, %add3A_546 : vector<16xf32>, vector<16xf32>, vector<16xf32>, vector<16xf32>
    }
    %scan3A_444 = arith.constant 50 : i32
    %dma_wait3A_445 = tpu.memref_slice %arg3[%add3A_436] : memref<3276800xi32, #tpu.memory_space<hbm>> -> memref<3200xi32, #tpu.memory_space<hbm>>
    %dma_wait3A_446 = tpu.memref_slice %arg3[%add3A_436] : memref<3276800xi32, #tpu.memory_space<hbm>> -> memref<3200xi32, #tpu.memory_space<hbm>>
    tpu.wait_dma2 semaphore(%arg10 : memref<!tpu.dma_semaphore, #tpu.memory_space<semaphore_mem>>) src(%dma_wait3A_446 : memref<3200xi32, #tpu.memory_space<hbm>>) dst(%arg5 : memref<3200xi32, #tpu.memory_space<vmem>>)
    %dma_start3A_447 = arith.constant 0 : i32
    %dma_start3A_448 = tpu.memref_slice %arg2[%dma_start3A_447] : memref<1015808xf32, #tpu.memory_space<hbm>> -> memref<1015808xf32, #tpu.memory_space<hbm>>
    tpu.enqueue_indirect_dma source(%dma_start3A_448 : memref<1015808xf32, #tpu.memory_space<hbm>>) target(%arg7 : memref<3200xf32, #tpu.memory_space<vmem>>) offsets(%arg5 : memref<3200xi32, #tpu.memory_space<vmem>>) semaphore(%arg12 : memref<!tpu.dma_semaphore, #tpu.memory_space<semaphore_mem>>)
    %dma_wait3A_449 = arith.constant 0 : i32
    %dma_wait3A_450 = tpu.memref_slice %arg2[%dma_wait3A_449] : memref<1015808xf32, #tpu.memory_space<hbm>> -> memref<1015808xf32, #tpu.memory_space<hbm>>
    tpu.wait_indirect_dma semaphore(%arg13 : memref<!tpu.dma_semaphore, #tpu.memory_space<semaphore_mem>>) src(%dma_wait3A_450 : memref<1015808xf32, #tpu.memory_space<hbm>>) dst(%arg8 : memref<3200xf32, #tpu.memory_space<vmem>>)
    %add3A_451 = arith.constant 92800 : i32
    %add3A_452 = arith.addi %mul3A_2, %add3A_451 : i32
    %dma_start3A_453 = tpu.memref_slice %arg3[%add3A_452] : memref<3276800xi32, #tpu.memory_space<hbm>> -> memref<3200xi32, #tpu.memory_space<hbm>>
    %dma_start3A_454 = tpu.memref_slice %arg3[%add3A_452] : memref<3276800xi32, #tpu.memory_space<hbm>> -> memref<3200xi32, #tpu.memory_space<hbm>>
    tpu.enqueue_dma source(%dma_start3A_454 : memref<3200xi32, #tpu.memory_space<hbm>>) target(%arg6 : memref<3200xi32, #tpu.memory_space<vmem>>) target_semaphore(%arg11 : memref<!tpu.dma_semaphore, #tpu.memory_space<semaphore_mem>>)
    %scan3A_455 = arith.constant 0 : i32
    %scan3A_456 = arith.constant 50 : i32
    %scan3A_457 = arith.addi %scan3A_455, %scan3A_456 : i32
    %scan3A_458 = arith.constant 1 : i32
    %scan3A_459:4 = scf.for %scan3A_519 = %scan3A_455 to %scan3A_457 step %scan3A_458 iter_args(%scan3A_520 = %scan3A_443#0, %scan3A_521 = %scan3A_443#1, %scan3A_522 = %scan3A_443#2, %scan3A_523 = %scan3A_443#3) -> (vector<16xf32>, vector<16xf32>, vector<16xf32>, vector<16xf32>)  : i32 {
      %mul3A_524 = arith.constant 64 : i32
      %mul3A_525 = arith.muli %scan3A_519, %mul3A_524 : i32
      %get3A = arith.index_cast %mul3A_525 : i32 to index
      %get3A_526 = tpu.vector_load %arg8[%get3A] {strides = array<i32>} : memref<3200xf32, #tpu.memory_space<vmem>>, vector<16xf32>,
      %get3A_527 = vector.shape_cast %get3A_526 : vector<16xf32> to vector<16xf32>
      %add3A_528 = arith.addf %scan3A_520, %get3A_527 : vector<16xf32>
      %add3A_529 = arith.constant 16 : i32
      %add3A_530 = arith.addi %mul3A_525, %add3A_529 : i32
      %get3A_531 = arith.index_cast %add3A_530 : i32 to index
      %get3A_532 = tpu.vector_load %arg8[%get3A_531] {strides = array<i32>} : memref<3200xf32, #tpu.memory_space<vmem>>, vector<16xf32>,
      %get3A_533 = vector.shape_cast %get3A_532 : vector<16xf32> to vector<16xf32>
      %add3A_534 = arith.addf %scan3A_521, %get3A_533 : vector<16xf32>
      %add3A_535 = arith.constant 32 : i32
      %add3A_536 = arith.addi %mul3A_525, %add3A_535 : i32
      %get3A_537 = arith.index_cast %add3A_536 : i32 to index
      %get3A_538 = tpu.vector_load %arg8[%get3A_537] {strides = array<i32>} : memref<3200xf32, #tpu.memory_space<vmem>>, vector<16xf32>,
      %get3A_539 = vector.shape_cast %get3A_538 : vector<16xf32> to vector<16xf32>
      %add3A_540 = arith.addf %scan3A_522, %get3A_539 : vector<16xf32>
      %add3A_541 = arith.constant 48 : i32
      %add3A_542 = arith.addi %mul3A_525, %add3A_541 : i32
      %get3A_543 = arith.index_cast %add3A_542 : i32 to index
      %get3A_544 = tpu.vector_load %arg8[%get3A_543] {strides = array<i32>} : memref<3200xf32, #tpu.memory_space<vmem>>, vector<16xf32>,
      %get3A_545 = vector.shape_cast %get3A_544 : vector<16xf32> to vector<16xf32>
      %add3A_546 = arith.addf %scan3A_523, %get3A_545 : vector<16xf32>
      scf.yield %add3A_528, %add3A_534, %add3A_540, %add3A_546 : vector<16xf32>, vector<16xf32>, vector<16xf32>, vector<16xf32>
    }
    %scan3A_460 = arith.constant 50 : i32
    %dma_wait3A_461 = tpu.memref_slice %arg3[%add3A_452] : memref<3276800xi32, #tpu.memory_space<hbm>> -> memref<3200xi32, #tpu.memory_space<hbm>>
    %dma_wait3A_462 = tpu.memref_slice %arg3[%add3A_452] : memref<3276800xi32, #tpu.memory_space<hbm>> -> memref<3200xi32, #tpu.memory_space<hbm>>
    tpu.wait_dma2 semaphore(%arg11 : memref<!tpu.dma_semaphore, #tpu.memory_space<semaphore_mem>>) src(%dma_wait3A_462 : memref<3200xi32, #tpu.memory_space<hbm>>) dst(%arg6 : memref<3200xi32, #tpu.memory_space<vmem>>)
    %dma_start3A_463 = arith.constant 0 : i32
    %dma_start3A_464 = tpu.memref_slice %arg2[%dma_start3A_463] : memref<1015808xf32, #tpu.memory_space<hbm>> -> memref<1015808xf32, #tpu.memory_space<hbm>>
    tpu.enqueue_indirect_dma source(%dma_start3A_464 : memref<1015808xf32, #tpu.memory_space<hbm>>) target(%arg8 : memref<3200xf32, #tpu.memory_space<vmem>>) offsets(%arg6 : memref<3200xi32, #tpu.memory_space<vmem>>) semaphore(%arg13 : memref<!tpu.dma_semaphore, #tpu.memory_space<semaphore_mem>>)
    %dma_wait3A_465 = arith.constant 0 : i32
    %dma_wait3A_466 = tpu.memref_slice %arg2[%dma_wait3A_465] : memref<1015808xf32, #tpu.memory_space<hbm>> -> memref<1015808xf32, #tpu.memory_space<hbm>>
    tpu.wait_indirect_dma semaphore(%arg12 : memref<!tpu.dma_semaphore, #tpu.memory_space<semaphore_mem>>) src(%dma_wait3A_466 : memref<1015808xf32, #tpu.memory_space<hbm>>) dst(%arg7 : memref<3200xf32, #tpu.memory_space<vmem>>)
    %add3A_467 = arith.constant 96000 : i32
    %add3A_468 = arith.addi %mul3A_2, %add3A_467 : i32
    %dma_start3A_469 = tpu.memref_slice %arg3[%add3A_468] : memref<3276800xi32, #tpu.memory_space<hbm>> -> memref<3200xi32, #tpu.memory_space<hbm>>
    %dma_start3A_470 = tpu.memref_slice %arg3[%add3A_468] : memref<3276800xi32, #tpu.memory_space<hbm>> -> memref<3200xi32, #tpu.memory_space<hbm>>
    tpu.enqueue_dma source(%dma_start3A_470 : memref<3200xi32, #tpu.memory_space<hbm>>) target(%arg5 : memref<3200xi32, #tpu.memory_space<vmem>>) target_semaphore(%arg10 : memref<!tpu.dma_semaphore, #tpu.memory_space<semaphore_mem>>)
    %scan3A_471 = arith.constant 0 : i32
    %scan3A_472 = arith.constant 50 : i32
    %scan3A_473 = arith.addi %scan3A_471, %scan3A_472 : i32
    %scan3A_474 = arith.constant 1 : i32
    %scan3A_475:4 = scf.for %scan3A_519 = %scan3A_471 to %scan3A_473 step %scan3A_474 iter_args(%scan3A_520 = %scan3A_459#0, %scan3A_521 = %scan3A_459#1, %scan3A_522 = %scan3A_459#2, %scan3A_523 = %scan3A_459#3) -> (vector<16xf32>, vector<16xf32>, vector<16xf32>, vector<16xf32>)  : i32 {
      %mul3A_524 = arith.constant 64 : i32
      %mul3A_525 = arith.muli %scan3A_519, %mul3A_524 : i32
      %get3A = arith.index_cast %mul3A_525 : i32 to index
      %get3A_526 = tpu.vector_load %arg7[%get3A] {strides = array<i32>} : memref<3200xf32, #tpu.memory_space<vmem>>, vector<16xf32>,
      %get3A_527 = vector.shape_cast %get3A_526 : vector<16xf32> to vector<16xf32>
      %add3A_528 = arith.addf %scan3A_520, %get3A_527 : vector<16xf32>
      %add3A_529 = arith.constant 16 : i32
      %add3A_530 = arith.addi %mul3A_525, %add3A_529 : i32
      %get3A_531 = arith.index_cast %add3A_530 : i32 to index
      %get3A_532 = tpu.vector_load %arg7[%get3A_531] {strides = array<i32>} : memref<3200xf32, #tpu.memory_space<vmem>>, vector<16xf32>,
      %get3A_533 = vector.shape_cast %get3A_532 : vector<16xf32> to vector<16xf32>
      %add3A_534 = arith.addf %scan3A_521, %get3A_533 : vector<16xf32>
      %add3A_535 = arith.constant 32 : i32
      %add3A_536 = arith.addi %mul3A_525, %add3A_535 : i32
      %get3A_537 = arith.index_cast %add3A_536 : i32 to index
      %get3A_538 = tpu.vector_load %arg7[%get3A_537] {strides = array<i32>} : memref<3200xf32, #tpu.memory_space<vmem>>, vector<16xf32>,
      %get3A_539 = vector.shape_cast %get3A_538 : vector<16xf32> to vector<16xf32>
      %add3A_540 = arith.addf %scan3A_522, %get3A_539 : vector<16xf32>
      %add3A_541 = arith.constant 48 : i32
      %add3A_542 = arith.addi %mul3A_525, %add3A_541 : i32
      %get3A_543 = arith.index_cast %add3A_542 : i32 to index
      %get3A_544 = tpu.vector_load %arg7[%get3A_543] {strides = array<i32>} : memref<3200xf32, #tpu.memory_space<vmem>>, vector<16xf32>,
      %get3A_545 = vector.shape_cast %get3A_544 : vector<16xf32> to vector<16xf32>
      %add3A_546 = arith.addf %scan3A_523, %get3A_545 : vector<16xf32>
      scf.yield %add3A_528, %add3A_534, %add3A_540, %add3A_546 : vector<16xf32>, vector<16xf32>, vector<16xf32>, vector<16xf32>
    }
    %scan3A_476 = arith.constant 50 : i32
    %dma_wait3A_477 = tpu.memref_slice %arg3[%add3A_468] : memref<3276800xi32, #tpu.memory_space<hbm>> -> memref<3200xi32, #tpu.memory_space<hbm>>
    %dma_wait3A_478 = tpu.memref_slice %arg3[%add3A_468] : memref<3276800xi32, #tpu.memory_space<hbm>> -> memref<3200xi32, #tpu.memory_space<hbm>>
    tpu.wait_dma2 semaphore(%arg10 : memref<!tpu.dma_semaphore, #tpu.memory_space<semaphore_mem>>) src(%dma_wait3A_478 : memref<3200xi32, #tpu.memory_space<hbm>>) dst(%arg5 : memref<3200xi32, #tpu.memory_space<vmem>>)
    %dma_start3A_479 = arith.constant 0 : i32
    %dma_start3A_480 = tpu.memref_slice %arg2[%dma_start3A_479] : memref<1015808xf32, #tpu.memory_space<hbm>> -> memref<1015808xf32, #tpu.memory_space<hbm>>
    tpu.enqueue_indirect_dma source(%dma_start3A_480 : memref<1015808xf32, #tpu.memory_space<hbm>>) target(%arg7 : memref<3200xf32, #tpu.memory_space<vmem>>) offsets(%arg5 : memref<3200xi32, #tpu.memory_space<vmem>>) semaphore(%arg12 : memref<!tpu.dma_semaphore, #tpu.memory_space<semaphore_mem>>)
    %dma_wait3A_481 = arith.constant 0 : i32
    %dma_wait3A_482 = tpu.memref_slice %arg2[%dma_wait3A_481] : memref<1015808xf32, #tpu.memory_space<hbm>> -> memref<1015808xf32, #tpu.memory_space<hbm>>
    tpu.wait_indirect_dma semaphore(%arg13 : memref<!tpu.dma_semaphore, #tpu.memory_space<semaphore_mem>>) src(%dma_wait3A_482 : memref<1015808xf32, #tpu.memory_space<hbm>>) dst(%arg8 : memref<3200xf32, #tpu.memory_space<vmem>>)
    %add3A_483 = arith.constant 99200 : i32
    %add3A_484 = arith.addi %mul3A_2, %add3A_483 : i32
    %dma_start3A_485 = tpu.memref_slice %arg3[%add3A_484] : memref<3276800xi32, #tpu.memory_space<hbm>> -> memref<3200xi32, #tpu.memory_space<hbm>>
    %dma_start3A_486 = tpu.memref_slice %arg3[%add3A_484] : memref<3276800xi32, #tpu.memory_space<hbm>> -> memref<3200xi32, #tpu.memory_space<hbm>>
    tpu.enqueue_dma source(%dma_start3A_486 : memref<3200xi32, #tpu.memory_space<hbm>>) target(%arg6 : memref<3200xi32, #tpu.memory_space<vmem>>) target_semaphore(%arg11 : memref<!tpu.dma_semaphore, #tpu.memory_space<semaphore_mem>>)
    %scan3A_487 = arith.constant 0 : i32
    %scan3A_488 = arith.constant 50 : i32
    %scan3A_489 = arith.addi %scan3A_487, %scan3A_488 : i32
    %scan3A_490 = arith.constant 1 : i32
    %scan3A_491:4 = scf.for %scan3A_519 = %scan3A_487 to %scan3A_489 step %scan3A_490 iter_args(%scan3A_520 = %scan3A_475#0, %scan3A_521 = %scan3A_475#1, %scan3A_522 = %scan3A_475#2, %scan3A_523 = %scan3A_475#3) -> (vector<16xf32>, vector<16xf32>, vector<16xf32>, vector<16xf32>)  : i32 {
      %mul3A_524 = arith.constant 64 : i32
      %mul3A_525 = arith.muli %scan3A_519, %mul3A_524 : i32
      %get3A = arith.index_cast %mul3A_525 : i32 to index
      %get3A_526 = tpu.vector_load %arg8[%get3A] {strides = array<i32>} : memref<3200xf32, #tpu.memory_space<vmem>>, vector<16xf32>,
      %get3A_527 = vector.shape_cast %get3A_526 : vector<16xf32> to vector<16xf32>
      %add3A_528 = arith.addf %scan3A_520, %get3A_527 : vector<16xf32>
      %add3A_529 = arith.constant 16 : i32
      %add3A_530 = arith.addi %mul3A_525, %add3A_529 : i32
      %get3A_531 = arith.index_cast %add3A_530 : i32 to index
      %get3A_532 = tpu.vector_load %arg8[%get3A_531] {strides = array<i32>} : memref<3200xf32, #tpu.memory_space<vmem>>, vector<16xf32>,
      %get3A_533 = vector.shape_cast %get3A_532 : vector<16xf32> to vector<16xf32>
      %add3A_534 = arith.addf %scan3A_521, %get3A_533 : vector<16xf32>
      %add3A_535 = arith.constant 32 : i32
      %add3A_536 = arith.addi %mul3A_525, %add3A_535 : i32
      %get3A_537 = arith.index_cast %add3A_536 : i32 to index
      %get3A_538 = tpu.vector_load %arg8[%get3A_537] {strides = array<i32>} : memref<3200xf32, #tpu.memory_space<vmem>>, vector<16xf32>,
      %get3A_539 = vector.shape_cast %get3A_538 : vector<16xf32> to vector<16xf32>
      %add3A_540 = arith.addf %scan3A_522, %get3A_539 : vector<16xf32>
      %add3A_541 = arith.constant 48 : i32
      %add3A_542 = arith.addi %mul3A_525, %add3A_541 : i32
      %get3A_543 = arith.index_cast %add3A_542 : i32 to index
      %get3A_544 = tpu.vector_load %arg8[%get3A_543] {strides = array<i32>} : memref<3200xf32, #tpu.memory_space<vmem>>, vector<16xf32>,
      %get3A_545 = vector.shape_cast %get3A_544 : vector<16xf32> to vector<16xf32>
      %add3A_546 = arith.addf %scan3A_523, %get3A_545 : vector<16xf32>
      scf.yield %add3A_528, %add3A_534, %add3A_540, %add3A_546 : vector<16xf32>, vector<16xf32>, vector<16xf32>, vector<16xf32>
    }
    %scan3A_492 = arith.constant 50 : i32
    %dma_wait3A_493 = tpu.memref_slice %arg3[%add3A_484] : memref<3276800xi32, #tpu.memory_space<hbm>> -> memref<3200xi32, #tpu.memory_space<hbm>>
    %dma_wait3A_494 = tpu.memref_slice %arg3[%add3A_484] : memref<3276800xi32, #tpu.memory_space<hbm>> -> memref<3200xi32, #tpu.memory_space<hbm>>
    tpu.wait_dma2 semaphore(%arg11 : memref<!tpu.dma_semaphore, #tpu.memory_space<semaphore_mem>>) src(%dma_wait3A_494 : memref<3200xi32, #tpu.memory_space<hbm>>) dst(%arg6 : memref<3200xi32, #tpu.memory_space<vmem>>)
    %dma_start3A_495 = arith.constant 0 : i32
    %dma_start3A_496 = tpu.memref_slice %arg2[%dma_start3A_495] : memref<1015808xf32, #tpu.memory_space<hbm>> -> memref<1015808xf32, #tpu.memory_space<hbm>>
    tpu.enqueue_indirect_dma source(%dma_start3A_496 : memref<1015808xf32, #tpu.memory_space<hbm>>) target(%arg8 : memref<3200xf32, #tpu.memory_space<vmem>>) offsets(%arg6 : memref<3200xi32, #tpu.memory_space<vmem>>) semaphore(%arg13 : memref<!tpu.dma_semaphore, #tpu.memory_space<semaphore_mem>>)
    %dma_wait3A_497 = arith.constant 0 : i32
    %dma_wait3A_498 = tpu.memref_slice %arg2[%dma_wait3A_497] : memref<1015808xf32, #tpu.memory_space<hbm>> -> memref<1015808xf32, #tpu.memory_space<hbm>>
    tpu.wait_indirect_dma semaphore(%arg12 : memref<!tpu.dma_semaphore, #tpu.memory_space<semaphore_mem>>) src(%dma_wait3A_498 : memref<1015808xf32, #tpu.memory_space<hbm>>) dst(%arg7 : memref<3200xf32, #tpu.memory_space<vmem>>)
    %scan3A_499 = arith.constant 0 : i32
    %scan3A_500 = arith.constant 50 : i32
    %scan3A_501 = arith.addi %scan3A_499, %scan3A_500 : i32
    %scan3A_502 = arith.constant 1 : i32
    %scan3A_503:4 = scf.for %scan3A_519 = %scan3A_499 to %scan3A_501 step %scan3A_502 iter_args(%scan3A_520 = %scan3A_491#0, %scan3A_521 = %scan3A_491#1, %scan3A_522 = %scan3A_491#2, %scan3A_523 = %scan3A_491#3) -> (vector<16xf32>, vector<16xf32>, vector<16xf32>, vector<16xf32>)  : i32 {
      %mul3A_524 = arith.constant 64 : i32
      %mul3A_525 = arith.muli %scan3A_519, %mul3A_524 : i32
      %get3A = arith.index_cast %mul3A_525 : i32 to index
      %get3A_526 = tpu.vector_load %arg7[%get3A] {strides = array<i32>} : memref<3200xf32, #tpu.memory_space<vmem>>, vector<16xf32>,
      %get3A_527 = vector.shape_cast %get3A_526 : vector<16xf32> to vector<16xf32>
      %add3A_528 = arith.addf %scan3A_520, %get3A_527 : vector<16xf32>
      %add3A_529 = arith.constant 16 : i32
      %add3A_530 = arith.addi %mul3A_525, %add3A_529 : i32
      %get3A_531 = arith.index_cast %add3A_530 : i32 to index
      %get3A_532 = tpu.vector_load %arg7[%get3A_531] {strides = array<i32>} : memref<3200xf32, #tpu.memory_space<vmem>>, vector<16xf32>,
      %get3A_533 = vector.shape_cast %get3A_532 : vector<16xf32> to vector<16xf32>
      %add3A_534 = arith.addf %scan3A_521, %get3A_533 : vector<16xf32>
      %add3A_535 = arith.constant 32 : i32
      %add3A_536 = arith.addi %mul3A_525, %add3A_535 : i32
      %get3A_537 = arith.index_cast %add3A_536 : i32 to index
      %get3A_538 = tpu.vector_load %arg7[%get3A_537] {strides = array<i32>} : memref<3200xf32, #tpu.memory_space<vmem>>, vector<16xf32>,
      %get3A_539 = vector.shape_cast %get3A_538 : vector<16xf32> to vector<16xf32>
      %add3A_540 = arith.addf %scan3A_522, %get3A_539 : vector<16xf32>
      %add3A_541 = arith.constant 48 : i32
      %add3A_542 = arith.addi %mul3A_525, %add3A_541 : i32
      %get3A_543 = arith.index_cast %add3A_542 : i32 to index
      %get3A_544 = tpu.vector_load %arg7[%get3A_543] {strides = array<i32>} : memref<3200xf32, #tpu.memory_space<vmem>>, vector<16xf32>,
      %get3A_545 = vector.shape_cast %get3A_544 : vector<16xf32> to vector<16xf32>
      %add3A_546 = arith.addf %scan3A_523, %get3A_545 : vector<16xf32>
      scf.yield %add3A_528, %add3A_534, %add3A_540, %add3A_546 : vector<16xf32>, vector<16xf32>, vector<16xf32>, vector<16xf32>
    }
    %scan3A_504 = arith.constant 50 : i32
    %dma_wait3A_505 = arith.constant 0 : i32
    %dma_wait3A_506 = tpu.memref_slice %arg2[%dma_wait3A_505] : memref<1015808xf32, #tpu.memory_space<hbm>> -> memref<1015808xf32, #tpu.memory_space<hbm>>
    tpu.wait_indirect_dma semaphore(%arg13 : memref<!tpu.dma_semaphore, #tpu.memory_space<semaphore_mem>>) src(%dma_wait3A_506 : memref<1015808xf32, #tpu.memory_space<hbm>>) dst(%arg8 : memref<3200xf32, #tpu.memory_space<vmem>>)
    %scan3A_507 = arith.constant 0 : i32
    %scan3A_508 = arith.constant 50 : i32
    %scan3A_509 = arith.addi %scan3A_507, %scan3A_508 : i32
    %scan3A_510 = arith.constant 1 : i32
    %scan3A_511:4 = scf.for %scan3A_519 = %scan3A_507 to %scan3A_509 step %scan3A_510 iter_args(%scan3A_520 = %scan3A_503#0, %scan3A_521 = %scan3A_503#1, %scan3A_522 = %scan3A_503#2, %scan3A_523 = %scan3A_503#3) -> (vector<16xf32>, vector<16xf32>, vector<16xf32>, vector<16xf32>)  : i32 {
      %mul3A_524 = arith.constant 64 : i32
      %mul3A_525 = arith.muli %scan3A_519, %mul3A_524 : i32
      %get3A = arith.index_cast %mul3A_525 : i32 to index
      %get3A_526 = tpu.vector_load %arg8[%get3A] {strides = array<i32>} : memref<3200xf32, #tpu.memory_space<vmem>>, vector<16xf32>,
      %get3A_527 = vector.shape_cast %get3A_526 : vector<16xf32> to vector<16xf32>
      %add3A_528 = arith.addf %scan3A_520, %get3A_527 : vector<16xf32>
      %add3A_529 = arith.constant 16 : i32
      %add3A_530 = arith.addi %mul3A_525, %add3A_529 : i32
      %get3A_531 = arith.index_cast %add3A_530 : i32 to index
      %get3A_532 = tpu.vector_load %arg8[%get3A_531] {strides = array<i32>} : memref<3200xf32, #tpu.memory_space<vmem>>, vector<16xf32>,
      %get3A_533 = vector.shape_cast %get3A_532 : vector<16xf32> to vector<16xf32>
      %add3A_534 = arith.addf %scan3A_521, %get3A_533 : vector<16xf32>
      %add3A_535 = arith.constant 32 : i32
      %add3A_536 = arith.addi %mul3A_525, %add3A_535 : i32
      %get3A_537 = arith.index_cast %add3A_536 : i32 to index
      %get3A_538 = tpu.vector_load %arg8[%get3A_537] {strides = array<i32>} : memref<3200xf32, #tpu.memory_space<vmem>>, vector<16xf32>,
      %get3A_539 = vector.shape_cast %get3A_538 : vector<16xf32> to vector<16xf32>
      %add3A_540 = arith.addf %scan3A_522, %get3A_539 : vector<16xf32>
      %add3A_541 = arith.constant 48 : i32
      %add3A_542 = arith.addi %mul3A_525, %add3A_541 : i32
      %get3A_543 = arith.index_cast %add3A_542 : i32 to index
      %get3A_544 = tpu.vector_load %arg8[%get3A_543] {strides = array<i32>} : memref<3200xf32, #tpu.memory_space<vmem>>, vector<16xf32>,
      %get3A_545 = vector.shape_cast %get3A_544 : vector<16xf32> to vector<16xf32>
      %add3A_546 = arith.addf %scan3A_523, %get3A_545 : vector<16xf32>
      scf.yield %add3A_528, %add3A_534, %add3A_540, %add3A_546 : vector<16xf32>, vector<16xf32>, vector<16xf32>, vector<16xf32>
    }
    %scan3A_512 = arith.constant 50 : i32
    %add3A_513 = arith.addf %scan3A_511#0, %scan3A_511#1 : vector<16xf32>
    %add3A_514 = arith.addf %add3A_513, %scan3A_511#2 : vector<16xf32>
    %add3A_515 = arith.addf %add3A_514, %scan3A_511#3 : vector<16xf32>
    %swap3A = arith.constant 0 : index
    %swap3A_516 = tpu.vector_load %arg9[%swap3A] {strides = array<i32>} : memref<16xf32, #tpu.memory_space<vmem>>, vector<16xf32>,
    %swap3A_517 = vector.shape_cast %swap3A_516 : vector<16xf32> to vector<16xf32>
    %swap3A_518 = vector.shape_cast %add3A_515 : vector<16xf32> to vector<16xf32>
    tpu.vector_store %arg9[%swap3A], %swap3A_518 {strides = array<i32>} : memref<16xf32, #tpu.memory_space<vmem>>, vector<16xf32>,
    "tpu.region"() ({
      %run_scoped3A = tpu.sem_alloc : memref<!tpu.dma_semaphore, #tpu.memory_space<semaphore_mem>>
      %dma_start3A_519 = arith.constant 0 : i32
      %dma_start3A_520 = tpu.memref_slice %arg4[%add3A, %dma_start3A_519] : memref<32x16xf32, #tpu.memory_space<hbm>> -> memref<1x16xf32, #tpu.memory_space<hbm>>
      %dma_start3A_521 = tpu.memref_squeeze %dma_start3A_520 : memref<1x16xf32, #tpu.memory_space<hbm>> -> memref<16xf32, #tpu.memory_space<hbm>>
      %dma_start3A_522 = arith.constant 0 : i32
      %dma_start3A_523 = tpu.memref_slice %arg4[%add3A, %dma_start3A_522] : memref<32x16xf32, #tpu.memory_space<hbm>> -> memref<1x16xf32, #tpu.memory_space<hbm>>
      %dma_start3A_524 = tpu.memref_squeeze %dma_start3A_523 : memref<1x16xf32, #tpu.memory_space<hbm>> -> memref<16xf32, #tpu.memory_space<hbm>>
      tpu.enqueue_dma source(%arg9 : memref<16xf32, #tpu.memory_space<vmem>>) target(%dma_start3A_524 : memref<16xf32, #tpu.memory_space<hbm>>) target_semaphore(%run_scoped3A : memref<!tpu.dma_semaphore, #tpu.memory_space<semaphore_mem>>)
      %dma_wait3A_525 = arith.constant 0 : i32
      %dma_wait3A_526 = tpu.memref_slice %arg4[%add3A, %dma_wait3A_525] : memref<32x16xf32, #tpu.memory_space<hbm>> -> memref<1x16xf32, #tpu.memory_space<hbm>>
      %dma_wait3A_527 = tpu.memref_squeeze %dma_wait3A_526 : memref<1x16xf32, #tpu.memory_space<hbm>> -> memref<16xf32, #tpu.memory_space<hbm>>
      %dma_wait3A_528 = arith.constant 0 : i32
      %dma_wait3A_529 = tpu.memref_slice %arg4[%add3A, %dma_wait3A_528] : memref<32x16xf32, #tpu.memory_space<hbm>> -> memref<1x16xf32, #tpu.memory_space<hbm>>
      %dma_wait3A_530 = tpu.memref_squeeze %dma_wait3A_529 : memref<1x16xf32, #tpu.memory_space<hbm>> -> memref<16xf32, #tpu.memory_space<hbm>>
      tpu.wait_dma2 semaphore(%run_scoped3A : memref<!tpu.dma_semaphore, #tpu.memory_space<semaphore_mem>>) src(%arg9 : memref<16xf32, #tpu.memory_space<vmem>>) dst(%dma_wait3A_530 : memref<16xf32, #tpu.memory_space<hbm>>)
      tpu.yield
    }) : () -> ()
    return
  }
}

module attributes {stable_mosaic.version = 14 : i64} {
  func.func @_tc_body(%arg0: i32, %arg1: memref<63488xf32, #tpu.memory_space<vmem>>, %arg2: memref<496x128xf32, #tpu.memory_space<vmem>>, %arg3: memref<200x1024xi32, #tpu.memory_space<vmem>>, %arg4: memref<63488xf32, #tpu.memory_space<vmem>>, %arg5: memref<204800xi32, #tpu.memory_space<vmem>>, %arg6: memref<1x1xf32, #tpu.memory_space<vmem>>, %arg7: memref<2xf32, #tpu.memory_space<smem>>) attributes {dimension_semantics = [#tpu.dimension_semantics<arbitrary>], iteration_bounds = array<i64: 16>, scalar_prefetch = 0 : i64, scratch_operands = 1 : i64, tpu.core_type = #tpu.core_type<tc>, window_params = [{transform_indices = @transform_0, window_bounds = array<i64: 63488>}, {transform_indices = @transform_1, window_bounds = array<i64: 496, 128>}, {transform_indices = @transform_2, window_bounds = array<i64: 200, 1024>}, {transform_indices = @transform_3, window_bounds = array<i64: 63488>}, {transform_indices = @transform_4, window_bounds = array<i64: 204800>}, {pipeline_mode = #tpu.pipeline_mode<synchronous>, transform_indices = @transform_5, window_bounds = array<i64: 1, 1>}]} {
    %get3A = arith.constant 0 : index
    %get3A_0 = arith.constant 0 : index
    %get3A_1 = vector.load %arg3[%get3A, %get3A_0] : memref<200x1024xi32, #tpu.memory_space<vmem>>, vector<200x1024xi32>
    %reshape3A = vector.shape_cast %get3A_1 : vector<200x1024xi32> to vector<204800xi32>
    %swap3A = arith.constant 0 : index
    %swap3A_2 = vector.load %arg5[%swap3A] : memref<204800xi32, #tpu.memory_space<vmem>>, vector<204800xi32>
    tpu.vector_store %arg5[%swap3A], %reshape3A {strides = array<i32>} : memref<204800xi32, #tpu.memory_space<vmem>>, vector<204800xi32>,
    %eq3A = arith.constant 0 : i32
    %eq3A_3 = arith.cmpi eq, %arg0, %eq3A : i32
    %convert_element_type3A = arith.extui %eq3A_3 : i1 to i32
    %cond3A = arith.constant 0 : i32
    %cond3A_4 = arith.cmpi ne, %convert_element_type3A, %cond3A : i32
    scf.if %cond3A_4 {
      %swap3A_118 = arith.constant 0.000000e+00 : f32
      %swap3A_119 = arith.constant 0 : index
      %swap3A_120 = memref.load %arg7[%swap3A_119] : memref<2xf32, #tpu.memory_space<smem>>
      memref.store %swap3A_118, %arg7[%swap3A_119] : memref<2xf32, #tpu.memory_space<smem>>
      %swap3A_121 = arith.constant 0.000000e+00 : f32
      %swap3A_122 = arith.constant 1 : index
      %swap3A_123 = memref.load %arg7[%swap3A_122] : memref<2xf32, #tpu.memory_space<smem>>
      memref.store %swap3A_121, %arg7[%swap3A_122] : memref<2xf32, #tpu.memory_space<smem>>
    } else {
    }
    %get3A_5 = arith.constant 0 : index
    %get3A_6 = vector.load %arg1[%get3A_5] : memref<63488xf32, #tpu.memory_space<vmem>>, vector<63488xf32>
    %reshape3A_7 = vector.shape_cast %get3A_6 : vector<63488xf32> to vector<496x128xf32>
    %iota3A = tpu.iota {dimensions = array<i32: 0>} : vector<496x128xi32>
    %iota3A_8 = tpu.iota {dimensions = array<i32: 1>} : vector<496x128xi32>
    %mul3A = arith.constant 496 : i32
    %mul3A_9 = arith.muli %arg0, %mul3A : i32
    %add3A = vector.broadcast %mul3A_9 : i32 to vector<496x128xi32>
    %add3A_10 = arith.addi %add3A, %iota3A : vector<496x128xi32>
    %mul3A_11 = arith.constant 128 : i32
    %mul3A_12 = vector.broadcast %mul3A_11 : i32 to vector<496x128xi32>
    %mul3A_13 = arith.muli %add3A_10, %mul3A_12 : vector<496x128xi32>
    %add3A_14 = arith.addi %mul3A_13, %iota3A_8 : vector<496x128xi32>
    %lt3A = arith.constant 999999 : i32
    %lt3A_15 = vector.broadcast %lt3A : i32 to vector<496x128xi32>
    %lt3A_16 = arith.cmpi slt, %add3A_14, %lt3A_15 : vector<496x128xi32>
    %jit3A = arith.constant 0 : i32
    %broadcast_in_dim3A = vector.broadcast %jit3A : i32 to vector<496x128xi32>
    %select_n3A = arith.select %lt3A_16, %add3A_14, %broadcast_in_dim3A : vector<496x128xi1>, vector<496x128xi32>
    %get3A_17 = arith.constant 0 : index
    %get3A_18 = arith.constant 0 : index
    %get3A_19 = vector.load %arg2[%get3A_17, %get3A_18] : memref<496x128xf32, #tpu.memory_space<vmem>>, vector<496x128xf32>
    %sub3A = arith.subf %reshape3A_7, %get3A_19 : vector<496x128xf32>
    %abs3A = math.absf %sub3A : vector<496x128xf32>
    %neg3A = arith.constant 0.000000e+00 : f32
    %neg3A_20 = vector.broadcast %neg3A : f32 to vector<496x128xf32>
    %neg3A_21 = arith.subf %neg3A_20, %abs3A : vector<496x128xf32>
    %exp3A = math.exp %neg3A_21 : vector<496x128xf32>
    %log1p3A = math.log1p %exp3A : vector<496x128xf32>
    %min3A = arith.constant 0.000000e+00 : f32
    %min3A_22 = vector.broadcast %min3A : f32 to vector<496x128xf32>
    %min3A_23 = arith.minimumf %sub3A, %min3A_22 : vector<496x128xf32>
    %sub3A_24 = arith.subf %min3A_23, %log1p3A : vector<496x128xf32>
    %neg3A_25 = arith.constant 0.000000e+00 : f32
    %neg3A_26 = vector.broadcast %neg3A_25 : f32 to vector<496x128xf32>
    %neg3A_27 = arith.subf %neg3A_26, %sub3A : vector<496x128xf32>
    %min3A_28 = arith.constant 0.000000e+00 : f32
    %min3A_29 = vector.broadcast %min3A_28 : f32 to vector<496x128xf32>
    %min3A_30 = arith.minimumf %neg3A_27, %min3A_29 : vector<496x128xf32>
    %sub3A_31 = arith.subf %min3A_30, %log1p3A : vector<496x128xf32>
    %jit3A_32 = arith.constant 0.000000e+00 : f32
    %broadcast_in_dim3A_33 = vector.broadcast %jit3A_32 : f32 to vector<496x128xf32>
    %select_n3A_34 = arith.select %lt3A_16, %sub3A_31, %broadcast_in_dim3A_33 : vector<496x128xi1>, vector<496x128xf32>
    %jit3A_35 = arith.constant 0.000000e+00 : f32
    %broadcast_in_dim3A_36 = vector.broadcast %jit3A_35 : f32 to vector<496x128xf32>
    %select_n3A_37 = arith.select %lt3A_16, %sub3A_24, %broadcast_in_dim3A_36 : vector<496x128xi1>, vector<496x128xf32>
    %iota3A_38 = tpu.iota {dimensions = array<i32: 0>} : vector<128x128xi32>
    %iota3A_39 = tpu.iota {dimensions = array<i32: 1>} : vector<128x128xi32>
    %lt3A_40 = arith.cmpi slt, %iota3A_38, %iota3A_39 : vector<128x128xi32>
    %convert_element_type3A_41 = arith.extui %lt3A_40 : vector<128x128xi1> to vector<128x128xi32>
    %convert_element_type3A_42 = arith.sitofp %convert_element_type3A_41 : vector<128x128xi32> to vector<128x128xf32>
    %convert_element_type3A_43 = arith.truncf %convert_element_type3A_42 : vector<128x128xf32> to vector<128x128xbf16>
    %convert_element_type3A_44 = arith.truncf %select_n3A_34 : vector<496x128xf32> to vector<496x128xbf16>
    %convert_element_type3A_45 = arith.extf %convert_element_type3A_44 : vector<496x128xbf16> to vector<496x128xf32>
    %sub3A_46 = arith.subf %select_n3A_34, %convert_element_type3A_45 : vector<496x128xf32>
    %convert_element_type3A_47 = arith.truncf %sub3A_46 : vector<496x128xf32> to vector<496x128xbf16>
    %dot_general3A = arith.constant dense<0.000000e+00> : vector<496x128xf32>
    %dot_general3A_48 = tpu.matmul %convert_element_type3A_44, %convert_element_type3A_43, %dot_general3A {dimension_numbers = #tpu.dot_dimension_numbers<[1], [0], [0], [1], [0, 0, 1, 1], [], []>, transpose_lhs_hint = false} : vector<496x128xbf16>, vector<128x128xbf16>, vector<496x128xf32> -> vector<496x128xf32>
    %dot_general3A_49 = arith.constant dense<0.000000e+00> : vector<496x128xf32>
    %dot_general3A_50 = tpu.matmul %convert_element_type3A_47, %convert_element_type3A_43, %dot_general3A_49 {dimension_numbers = #tpu.dot_dimension_numbers<[1], [0], [0], [1], [0, 0, 1, 1], [], []>, transpose_lhs_hint = false} : vector<496x128xbf16>, vector<128x128xbf16>, vector<496x128xf32> -> vector<496x128xf32>
    %add3A_51 = arith.addf %dot_general3A_48, %dot_general3A_50 : vector<496x128xf32>
    %slice3A = vector.extract_strided_slice %add3A_51 {offsets = [0, 127], sizes = [496, 1], strides = [1, 1]} : vector<496x128xf32> to vector<496x1xf32>
    %slice3A_52 = vector.extract_strided_slice %select_n3A_34 {offsets = [0, 127], sizes = [496, 1], strides = [1, 1]} : vector<496x128xf32> to vector<496x1xf32>
    %add3A_53 = arith.addf %slice3A, %slice3A_52 : vector<496x1xf32>
    %iota3A_54 = tpu.iota {dimensions = array<i32: 0>} : vector<496x496xi32>
    %iota3A_55 = tpu.iota {dimensions = array<i32: 1>} : vector<496x496xi32>
    %lt3A_56 = arith.cmpi slt, %iota3A_55, %iota3A_54 : vector<496x496xi32>
    %convert_element_type3A_57 = arith.extui %lt3A_56 : vector<496x496xi1> to vector<496x496xi32>
    %convert_element_type3A_58 = arith.sitofp %convert_element_type3A_57 : vector<496x496xi32> to vector<496x496xf32>
    %convert_element_type3A_59 = arith.truncf %convert_element_type3A_58 : vector<496x496xf32> to vector<496x496xbf16>
    %convert_element_type3A_60 = arith.truncf %add3A_53 : vector<496x1xf32> to vector<496x1xbf16>
    %convert_element_type3A_61 = arith.extf %convert_element_type3A_60 : vector<496x1xbf16> to vector<496x1xf32>
    %sub3A_62 = arith.subf %add3A_53, %convert_element_type3A_61 : vector<496x1xf32>
    %convert_element_type3A_63 = arith.truncf %sub3A_62 : vector<496x1xf32> to vector<496x1xbf16>
    %dot_general3A_64 = arith.constant dense<0.000000e+00> : vector<496x1xf32>
    %dot_general3A_65 = tpu.matmul %convert_element_type3A_59, %convert_element_type3A_60, %dot_general3A_64 {dimension_numbers = #tpu.dot_dimension_numbers<[1], [0], [0], [1], [0, 0, 1, 1], [], []>, transpose_lhs_hint = false} : vector<496x496xbf16>, vector<496x1xbf16>, vector<496x1xf32> -> vector<496x1xf32>
    %dot_general3A_66 = arith.constant dense<0.000000e+00> : vector<496x1xf32>
    %dot_general3A_67 = tpu.matmul %convert_element_type3A_59, %convert_element_type3A_63, %dot_general3A_66 {dimension_numbers = #tpu.dot_dimension_numbers<[1], [0], [0], [1], [0, 0, 1, 1], [], []>, transpose_lhs_hint = false} : vector<496x496xbf16>, vector<496x1xbf16>, vector<496x1xf32> -> vector<496x1xf32>
    %add3A_68 = arith.addf %dot_general3A_65, %dot_general3A_67 : vector<496x1xf32>
    %broadcast_in_dim3A_69 = vector.shape_cast %add3A_68 : vector<496x1xf32> to vector<496x1xf32>
    %broadcast_in_dim3A_70 = vector.broadcast %broadcast_in_dim3A_69 : vector<496x1xf32> to vector<496x128xf32>
    %get3A_71 = arith.constant 0 : index
    %get3A_72 = memref.load %arg7[%get3A_71] : memref<2xf32, #tpu.memory_space<smem>>
    %add3A_73 = vector.broadcast %get3A_72 : f32 to vector<496x128xf32>
    %add3A_74 = arith.addf %add3A_73, %add3A_51 : vector<496x128xf32>
    %add3A_75 = arith.addf %add3A_74, %broadcast_in_dim3A_70 : vector<496x128xf32>
    %add3A_76 = arith.addf %select_n3A_37, %add3A_75 : vector<496x128xf32>
    %reshape3A_77 = vector.shape_cast %add3A_76 : vector<496x128xf32> to vector<63488xf32>
    %swap3A_78 = arith.constant 0 : index
    %swap3A_79 = vector.load %arg4[%swap3A_78] : memref<63488xf32, #tpu.memory_space<vmem>>, vector<63488xf32>
    tpu.vector_store %arg4[%swap3A_78], %reshape3A_77 {strides = array<i32>} : memref<63488xf32, #tpu.memory_space<vmem>>, vector<63488xf32>,
    %sub3A_80 = arith.constant 999998 : i32
    %sub3A_81 = vector.broadcast %sub3A_80 : i32 to vector<496x128xi32>
    %sub3A_82 = arith.subi %sub3A_81, %select_n3A : vector<496x128xi32>
    %convert_element_type3A_83 = arith.sitofp %sub3A_82 : vector<496x128xi32> to vector<496x128xf32>
    %neg3A_84 = arith.constant 0.000000e+00 : f32
    %neg3A_85 = vector.broadcast %neg3A_84 : f32 to vector<496x128xf32>
    %neg3A_86 = arith.subf %neg3A_85, %sub3A : vector<496x128xf32>
    %mul3A_87 = arith.constant 2.000000e+00 : f32
    %mul3A_88 = vector.broadcast %mul3A_87 : f32 to vector<496x128xf32>
    %mul3A_89 = arith.mulf %mul3A_88, %sub3A_24 : vector<496x128xf32>
    %add3A_90 = arith.addf %neg3A_86, %mul3A_89 : vector<496x128xf32>
    %jit3A_91 = arith.constant 0.000000e+00 : f32
    %broadcast_in_dim3A_92 = vector.broadcast %jit3A_91 : f32 to vector<496x128xf32>
    %select_n3A_93 = arith.select %lt3A_16, %add3A_90, %broadcast_in_dim3A_92 : vector<496x128xi1>, vector<496x128xf32>
    %mul3A_94 = arith.mulf %convert_element_type3A_83, %select_n3A_34 : vector<496x128xf32>
    %add3A_95 = arith.addf %select_n3A_93, %mul3A_94 : vector<496x128xf32>
    %get3A_96 = arith.constant 1 : index
    %get3A_97 = memref.load %arg7[%get3A_96] : memref<2xf32, #tpu.memory_space<smem>>
    %reduce_sum3A = vector.shape_cast %add3A_95 : vector<496x128xf32> to vector<1x496x128xf32>
    %reduce_sum3A_98 = arith.constant dense<0.000000e+00> : vector<1xf32>
    %reduce_sum3A_99 = vector.multi_reduction <add>, %reduce_sum3A, %reduce_sum3A_98 [1, 2] : vector<1x496x128xf32> to vector<1xf32>
    %reduce_sum3A_100 = vector.shape_cast %reduce_sum3A_99 : vector<1xf32> to vector<1x1x1xf32>
    %reduce_sum3A_101 = vector.extract %reduce_sum3A_100[0, 0, 0] : f32 from vector<1x1x1xf32>
    %add3A_102 = arith.addf %get3A_97, %reduce_sum3A_101 : f32
    %swap3A_103 = arith.constant 1 : index
    %swap3A_104 = memref.load %arg7[%swap3A_103] : memref<2xf32, #tpu.memory_space<smem>>
    memref.store %add3A_102, %arg7[%swap3A_103] : memref<2xf32, #tpu.memory_space<smem>>
    %reduce_sum3A_105 = vector.shape_cast %select_n3A_34 : vector<496x128xf32> to vector<1x496x128xf32>
    %reduce_sum3A_106 = arith.constant dense<0.000000e+00> : vector<1xf32>
    %reduce_sum3A_107 = vector.multi_reduction <add>, %reduce_sum3A_105, %reduce_sum3A_106 [1, 2] : vector<1x496x128xf32> to vector<1xf32>
    %reduce_sum3A_108 = vector.shape_cast %reduce_sum3A_107 : vector<1xf32> to vector<1x1x1xf32>
    %reduce_sum3A_109 = vector.extract %reduce_sum3A_108[0, 0, 0] : f32 from vector<1x1x1xf32>
    %add3A_110 = arith.addf %get3A_72, %reduce_sum3A_109 : f32
    %swap3A_111 = arith.constant 0 : index
    %swap3A_112 = memref.load %arg7[%swap3A_111] : memref<2xf32, #tpu.memory_space<smem>>
    memref.store %add3A_110, %arg7[%swap3A_111] : memref<2xf32, #tpu.memory_space<smem>>
    %eq3A_113 = arith.constant 15 : i32
    %eq3A_114 = arith.cmpi eq, %arg0, %eq3A_113 : i32
    %convert_element_type3A_115 = arith.extui %eq3A_114 : i1 to i32
    %cond3A_116 = arith.constant 0 : i32
    %cond3A_117 = arith.cmpi ne, %convert_element_type3A_115, %cond3A_116 : i32
    scf.if %cond3A_117 {
      %get3A_118 = arith.constant 1 : index
      %get3A_119 = memref.load %arg7[%get3A_118] : memref<2xf32, #tpu.memory_space<smem>>
      %broadcast_in_dim3A_120 = vector.broadcast %get3A_119 : f32 to vector<1x1xf32>
      %swap3A_121 = arith.constant 0 : index
      %swap3A_122 = arith.constant 0 : index
      %swap3A_123 = vector.load %arg6[%swap3A_121, %swap3A_122] : memref<1x1xf32, #tpu.memory_space<vmem>>, vector<1x1xf32>
      tpu.vector_store %arg6[%swap3A_121, %swap3A_122], %broadcast_in_dim3A_120 {strides = array<i32>} : memref<1x1xf32, #tpu.memory_space<vmem>>, vector<1x1xf32>,
    } else {
    }
    return
  }
  func.func @transform_0(%arg0: i32) -> i32 {
    %c0_i32 = arith.constant 0 : i32
    return %arg0 : i32
  }
  func.func @transform_1(%arg0: i32) -> (i32, i32) {
    %c0_i32 = arith.constant 0 : i32
    %c0_i32_0 = arith.constant 0 : i32
    return %arg0, %c0_i32 : i32, i32
  }
  func.func @transform_2(%arg0: i32) -> (i32, i32) {
    %c0_i32 = arith.constant 0 : i32
    %c0_i32_0 = arith.constant 0 : i32
    return %c0_i32, %arg0 : i32, i32
  }
  func.func @transform_3(%arg0: i32) -> i32 {
    %c0_i32 = arith.constant 0 : i32
    return %arg0 : i32
  }
  func.func @transform_4(%arg0: i32) -> i32 {
    %c0_i32 = arith.constant 0 : i32
    return %arg0 : i32
  }
  func.func @transform_5(%arg0: i32) -> (i32, i32) {
    %c0_i32 = arith.constant 0 : i32
    %c0_i32_0 = arith.constant 0 : i32
    %c0_i32_1 = arith.constant 0 : i32
    return %c0_i32, %c0_i32_0 : i32, i32
  }
}

</mosaic_0001>

<sc_bundles>
// kernel: kernel.4.cloned.1.call-start
scs
__scs_entry_jumppad:
0x0: {  	(pc) =	sbr.rel $0x88, $3  }
0x1: {  	(tag) =	ssettag $0x0;
	lr =	simm.s32 $0x1  }
0x2: {  	[smem:$0x3F9F] =	sst lr;
	_ =	strace $0xD0000000  }
0x3: {  	_ = 	snop  }
0x4: {  	_ = 	snop  }
0x5: {  	_ = 	snop  }
0x6: {  	_ = 	snop  }
0x7: {  	_ = 	snop  }
__scs_overlays_trampoline_lowered:
0x8: {  	[smem:$0x3FAE] =	sst s0  }
0x9: {  	[smem:$0x3FAF] =	sst s1  }
0xa: {  	[smem:$0x3FB0] =	sst s2  }
0xb: {  	[smem:$0x3FB1] =	sst s3  }
0xc: {  	[smem:$0x3FB2] =	sst s4  }
0xd: {  	[smem:$0x3FB3] =	sst s5  }
0xe: {  	[smem:$0x3FB4] =	sst s6  }
0xf: {  	[smem:$0x3FB5] =	sst s7  }
0x10: {  	[smem:$0x3FB6] =	sst s8  }
0x11: {  	[smem:$0x3FB7] =	sst s9;
	s0 =	simm.s32 @!p0 $0x0  }
0x12: {  	s1 =	sld [smem:$0x3F9D];
	s0 =	simm.s32 @p0 $0x1  }
0x13: {  	[smem:$0x3FB8] =	sst s0;
	s0 =	simm.s32 @!p1 $0x0  }
0x14: {  	s2 =	sld [smem:$0x3F9C];
	s0 =	simm.s32 @p1 $0x1  }
0x15: {  	[smem:$0x3FB9] =	sst s0;
	s0 =	simm.s32 @!p2 $0x0  }
0x16: {  	s3 =	sld [smem:$0x3FDB];
	s0 =	simm.s32 @p2 $0x1  }
0x17: {  	s4 =	simm.s32 $0x1BF5;
	[smem:$0x3FBB] =	sst s0  }
0x18: {  	s0 =	sld [smem:$0x3F9E];
	_ =	swait.ge [sflag:s4], $0x0  }
0x19: {  	s7 =	sld [smem:$0x3F9F]  }
0x1a: {  	s8 =	sadd.s32 $0xFFFFE003, lr  }
0x1b: {  	s9 =	sadd.s32 $0xFFFFFEF7, lr;
	s5 =	simm.s32 $0xFFFFFFFF;
	p2 =	slt.u32 s8, $0xFFFFF086  }
0x1c: {  	p1 =	slt.u32 s9, $0xF7A;
	s5 =	simm.s32 @!p2 $0x0  }
0x1d: {  	s5 =	simm.s32 @p1 $0x1;
	p0 =	seq.s32 s7, s2  }
0x1e: {  	s7 =	smul.u32 @!p0 $0xF7A, s2;
	p2 =	seq.s32 @!p0 s5, $0x0  }
0x1f: {  	s9 =	smul.u32 $0xF7A, s1;
	s8 =	simm.s32 @!p0 $0x1BF5;
	p2 =	por !p2, p0  }
0x20: {  	[sflag:s8] =	ssyncset.s32 @!p0 $0xFFFFF086;
	s6 =	sadd.s32 @!p0 s3, s7;
	s7 =	simm.s32 @!p0 $0x108  }
0x21: {  	s3 =	sadd.s32 s3, s9;
	s6 =	sadd.s32 @!p0 $0x88, s6;
	s7 =	simm.s32 @p2 $0x1082  }
0x22: {  	[simem:s7], [sflag:s8] =	dma.local @!p0 [hbm:s6], $0xF7A  }
0x23: {  	s9 =	sor.u32 $0xD0000000, s2;
	s6 =	simm.s32 $0x108;
	_ =	swait.ge @!p0 [sflag:s8], $0x0  }
0x24: {  	s3 =	sadd.s32 $0x88, s3;
	s6 =	simm.s32 @!p1 $0x1082;
	[sflag:s4] =	ssyncset.s32 $0xFFFFF086  }
0x25: {  	[simem:s6], [sflag:s4] =	dma.local [hbm:s3], $0xF7A  }
0x26: {  	[smem:$0x3F9F] =	sst s1;
	(tag) =	ssettag s2;
	_ =	strace s9  }
0x27: {  	s1 =	sld [smem:$0x3FAF]  }
0x28: {  	s2 =	sld [smem:$0x3FB0]  }
0x29: {  	s4 =	sld [smem:$0x3FB2]  }
0x2a: {  	p0 =	seq.s32 s5, $0x0;
	s5 =	sld [smem:$0x3FB3]  }
0x2b: {  	s6 =	sld [smem:$0x3FB4]  }
0x2c: {  	s7 =	sld [smem:$0x3FB5]  }
0x2d: {  	s3 =	simm.s32 $0x108;
	s8 =	sld [smem:$0x3FB6]  }
0x2e: {  	s3 =	simm.s32 @!p0 $0x1082;
	s9 =	sld [smem:$0x3FB7]  }
0x2f: {  	lr =	sadd.s32 s0, s3;
	s0 =	sld [smem:$0x3FAE]  }
0x30: {  	s3 =	sld [smem:$0x3FB1]  }
0x31: {  	[smem:$0x3FBA] =	sst s10  }
0x32: {  	s10 =	sld [smem:$0x3FB8];
	_ =	sdelay $0x3  }
0x33: {  	p0 =	seq.s32 s10, $0x1;
	s10 =	sld [smem:$0x3FBA];
	_ =	sdelay $0x3  }
0x34: {  	[smem:$0x3FBA] =	sst s10  }
0x35: {  	s10 =	sld [smem:$0x3FB9];
	_ =	sdelay $0x3  }
0x36: {  	p1 =	seq.s32 s10, $0x1;
	s10 =	sld [smem:$0x3FBA];
	_ =	sdelay $0x3  }
0x37: {  	[smem:$0x3FBA] =	sst s10  }
0x38: {  	s10 =	sld [smem:$0x3FBB]  }
0x39: {  	_ = 	snop;
	(pc) =	sbr.ind lr, $3  }
0x3a: {  	_ = 	snop  }
0x3b: {  	_ = 	snop  }
0x3c: {  	p2 =	seq.s32 s10, $0x1;
	s10 =	sld [smem:$0x3FBA]  }
0x3d: {  	_ =	shalt  }
0x3e: {  	_ =	shalt  }
0x3f: {  	_ =	shalt  }
0x40: {  	_ =	shalt  }
0x41: {  	_ =	shalt  }
0x42: {  	_ =	shalt  }
0x43: {  	_ =	shalt  }
0x44: {  	_ =	shalt  }
0x45: {  	_ =	shalt  }
0x46: {  	_ =	shalt  }
0x47: {  	_ =	shalt  }
0x48: {  	_ =	shalt  }
0x49: {  	_ =	shalt  }
0x4a: {  	_ =	shalt  }
0x4b: {  	_ =	shalt  }
0x4c: {  	_ =	shalt  }
0x4d: {  	_ =	shalt  }
0x4e: {  	_ =	shalt  }
0x4f: {  	_ =	shalt  }
0x50: {  	_ =	shalt  }
0x51: {  	_ =	shalt  }
0x52: {  	_ =	shalt  }
0x53: {  	_ =	shalt  }
0x54: {  	_ =	shalt  }
0x55: {  	_ =	shalt  }
0x56: {  	_ =	shalt  }
0x57: {  	_ =	shalt  }
0x58: {  	_ =	shalt  }
0x59: {  	_ =	shalt  }
0x5a: {  	_ =	shalt  }
0x5b: {  	_ =	shalt  }
0x5c: {  	_ =	shalt  }
0x5d: {  	_ =	shalt  }
0x5e: {  	_ =	shalt  }
0x5f: {  	_ =	shalt  }
0x60: {  	_ =	shalt  }
0x61: {  	_ =	shalt  }
0x62: {  	_ =	shalt  }
0x63: {  	_ =	shalt  }
0x64: {  	_ =	shalt  }
0x65: {  	_ =	shalt  }
0x66: {  	_ =	shalt  }
0x67: {  	_ =	shalt  }
0x68: {  	_ =	shalt  }
0x69: {  	_ =	shalt  }
0x6a: {  	_ =	shalt  }
0x6b: {  	_ =	shalt  }
0x6c: {  	_ =	shalt  }
0x6d: {  	_ =	shalt  }
0x6e: {  	_ =	shalt  }
0x6f: {  	_ =	shalt  }
0x70: {  	_ =	shalt  }
0x71: {  	_ =	shalt  }
0x72: {  	_ =	shalt  }
0x73: {  	_ =	shalt  }
0x74: {  	_ =	shalt  }
0x75: {  	_ =	shalt  }
0x76: {  	_ =	shalt  }
0x77: {  	_ =	shalt  }
0x78: {  	_ =	shalt  }
0x79: {  	_ =	shalt  }
0x7a: {  	_ =	shalt  }
0x7b: {  	_ =	shalt  }
0x7c: {  	_ =	shalt  }
0x7d: {  	_ =	shalt  }
0x7e: {  	_ =	shalt  }
0x7f: {  	_ =	shalt  }
0x80: {  	_ =	shalt  }
0x81: {  	_ =	shalt  }
0x82: {  	_ =	shalt  }
0x83: {  	_ =	shalt  }
0x84: {  	_ =	shalt  }
0x85: {  	_ =	shalt  }
0x86: {  	_ =	shalt  }
0x87: {  	_ =	shalt  }
.Lfunc_end0:
.L_simem_size_0:
called_computation_lowered:
.L_overlay_start_0:
0x88: {  	s2 =	sld [smem:$0x3FD9]  }
0x89: {  	s3 =	sld [smem:$0x3FFE];
	_ =	sdelay $0x1  }
0x8a: {  	s1 =	srdreg.scid  }
0x8b: {  	s0 =	sand.u32 $0x1, s1  }
0x8c: {  	s16 =	sshll.u32 s0, $0xA;
	s2 =	sadd.s32 s3, s2  }
0x8d: {  	s2 =	sadd.s32 s2, s16  }
0x8e: {  	[smem:$0x3FC6] =	sst s2  }
0x8f: {  	_ = 	snop  }
0x90: {  	(tm) =	ssettm $0x1  }
0x91: {  	s17 =	sld [smem:$0x3FFB];
	_ =	sdelay $0x3  }
0x92: {  	_ =	strace s17  }
0x93: {  	s2 =	sld [smem:$0x3FFC];
	_ =	sdelay $0x3  }
0x94: {  	_ =	strace s2  }
0x95: {  	s2 =	sld [smem:$0x3FFD];
	_ =	sdelay $0x3  }
0x96: {  	_ =	strace s2  }
0x97: {  	_ =	strace $0x8FFFFFFF  }
0x98: {  	s18 =	sld [smem:$0x3FDB];
	_ =	sdelay $0x1  }
0x99: {  	s19 =	simm.s32 $_scs_section_size  }
0x9a: {  	s4 =	simm.s32 $_size__tile_overlayer_lowered;
	s5 =	simm.s32 $_tile_overlayer_lowered  }
0x9b: {  	s22 =	simm.s32 $0x1BFF;
	s21 =	sshll.u32 s5, $0x1;
	s2 =	sadd.s32 s19, s18  }
0x9c: {  	s6 =	simm.s32 $0x0;
	s20 =	sshll.u32 s4, $0x1;
	s4 =	sadd.s32 s21, s2  }
0x9d: {  	[timem:s6], [sflag:s22] =	dma.local [hbm:s4], s20  }
0x9e: {  	_ =	swait.ge [sflag:s22], s20  }
0x9f: {  	s3 =	ssub.s32 $0x0, s20;
	[sflag:s22] =	ssyncset.done $0x0  }
0xa0: {  	[sflag:s22] =	ssyncadd.s32 s3;
	_ =	sdelay $0x1  }
0xa1: {  	s23 =	simm.s32 $0x1B8B  }
0xa2: {  	_ =	swait.ge [sflag:s23], $0x1  }
0xa3: {  	[sflag:s23] =	ssyncset.done $0x0  }
0xa4: {  	s25 =	simm.s32 $0x1B8E;
	s24 =	sld [smem:$0x3FFE];
	[sflag:s23] =	ssyncadd.s32 $0xFFFFFFFF  }
0xa5: {  	s26 =	simm.s32 $execute0_lowered;
	[smem:$0x3FD2] =	sst s25  }
0xa6: {  	s4 =	sshll.u32 s26, $0x1;
	_ =	strace $0x80000046;
	[dreg:$0x1] =	wrdreg $0xFFFFFFFF  }
0xa7: {  	s28 =	simm.s32 $_size_execute0_lowered;
	s2 =	sadd.s32 s2, s4;
	[dreg:$0x0] =	wrdreg $0x0  }
0xa8: {  	s4 =	sshll.u32 s28, $0x1;
	[dreg:$0x2] =	wrdreg s2  }
0xa9: {  	[dreg:$0x3] =	wrdreg s4  }
0xaa: {  	[dreg:$0x4] =	wrdreg $0xC0  }
0xab: {  	_ =	task [dreg:s6], $0x5FFFF  }
0xac: {  	[dreg:$0x1] =	wrdreg $0xFFFFFFFF  }
0xad: {  	[dreg:$0x0] =	wrdreg $0x60  }
0xae: {  	[dreg:$0x2] =	wrdreg s24  }
0xaf: {  	[dreg:$0x3] =	wrdreg $0x9  }
0xb0: {  	_ =	task.clear_ibuf [dreg:s6], $0x4FFFF;
	_ =	strace $0x90000046  }
0xb1: {  	s29 =	simm.s32 $0x9;
	_ =	strace $0x80000048  }
0xb2: {  	_ =	swait.ge [sflag:s29], $0x1  }
0xb3: {  	[sflag:s29] =	ssyncadd.s32 $0xFFFFFFFF  }
0xb4: {  	_ =	strace $0x90000048  }
0xb5: {  	_ =	sfence  }
0xb6: {  	s30 =	sld [smem:$0x0];
	_ =	sdelay $0x2  }
0xb7: {  	s31 =	sshll.u32 s1, $0xD;
	s1 =	sshrl.u32 s1, $0x2  }
0xb8: {  	s3 =	sand.u32 $0x4000, s31;
	s1 =	sadd.s32 s1, s30  }
0xb9: {  	s0 =	sor.u32 s3, s0;
	s1 =	sshll.u32 s1, $0x11  }
0xba: {  	s0 =	sor.u32 s1, s0  }
0xbb: {  	s0 =	sadd.s32 $0x8F2B, s0  }
0xbc: {  	[sflag:s0] =	ssyncadd.remote.s32 $0x1  }
0xbd: {  	_ =	sfence.sel $0xFFFF  }
0xbe: {  	[dreg:$0x0] =	wrdreg $0xFFFFFFFF;
	(pc) =	sbr.abs _section_cstart, $3  }
0xbf: {  	[dreg:$0x1] =	wrdreg $0xFFFFFFFF  }
0xc0: {  	_ =	task.clear_ibuf [dreg:s6], $0x2FFFF;
	_ =	strace $0x9FFFFFFF  }
0xc1: {  	(tm) =	ssettm $0x7FFFFFFF  }
tec
execute0_lowered:
.L_overlay_start_1:
0x0: {  	(tag) =	ssettag $0x1  }
0x1: {  	s0 =	srdreg.scid;
	s2 =	stileid.u32  }
0x2: {  	s0 =	sand.u32 $0x1, s0;
	s3 =	sshll.u32 s2, $0x1  }
0x3: {  	s4 =	sor.u32 s0, s3  }
0x4: {  	s5 =	smul.u32 $0x19000, s4;
	_ =	sdelay $0x1  }
0x5: {  	s1 =	rddreg [dreg:$0x0];
	s5 =	sshrl.u32 s5, $0x3  }
0x6: {  	s9 =	simm.s32 $0x1;
	s2 =	simm.s32 $0x0;
	s6 =	sadd.s32 s5, s1  }
0x7: {  	[smem:$0x7FF] =	sst s2;
	s3 =	sadd.s32 $0x64800, s1;
	s11 =	sadd.s32 $0x800, s6  }
0x8: {  	_ =	strace $0x80000047;
	s12 =	sadd.s32 $0x990, s6;
	[dreg:$0x2] =	wrdreg s11  }
0x9: {  	s0 =	ssub.s32 $0x2, s0;
	s13 =	sadd.s32 $0xB20, s6;
	[dreg:$0x3] =	wrdreg s12  }
0xa: {  	s4 =	sshll.u32 s4, $0x4;
	s14 =	sadd.s32 $0xCB0, s6;
	[dreg:$0x4] =	wrdreg s13  }
0xb: {  	s10 =	sshrl.u32 s0, $0x1;
	s15 =	sadd.s32 $0xE40, s6;
	[dreg:$0x5] =	wrdreg s14  }
0xc: {  	s7 =	sadd.s32 s4, s1;
	s16 =	sadd.s32 $0xFD0, s6;
	[dreg:$0x6] =	wrdreg s15  }
0xd: {  	s8 =	ssub.s32 s0, s10;
	s17 =	sadd.s32 $0x1160, s6;
	[dreg:$0x7] =	wrdreg s16  }
0xe: {  	s10 =	simm.s32 $0xC80;
	s18 =	sadd.s32 $0x12F0, s6;
	[dreg:$0x8] =	wrdreg s17  }
0xf: {  	s7 =	sadd.s32 $0x83800, s7;
	s19 =	sadd.s32 $0x1480, s6;
	[dreg:$0x9] =	wrdreg s18  }
0x10: {  	s8 =	smax.u32 s8, $0x1;
	s20 =	sadd.s32 $0x1610, s6;
	[dreg:$0xa] =	wrdreg s19  }
0x11: {  	s21 =	sadd.s32 $0x17A0, s6;
	s22 =	sadd.s32 $0x1930, s6;
	[dreg:$0xb] =	wrdreg s20  }
0x12: {  	s23 =	sadd.s32 $0x1AC0, s6;
	s24 =	sadd.s32 $0x1C50, s6;
	[dreg:$0xc] =	wrdreg s21  }
0x13: {  	s25 =	sadd.s32 $0x1DE0, s6;
	s26 =	sadd.s32 $0x1F70, s6;
	[dreg:$0xd] =	wrdreg s22  }
0x14: {  	s28 =	sadd.s32 $0x2BF0, s6;
	s29 =	sadd.s32 $0x2D80, s6;
	[dreg:$0xe] =	wrdreg s23  }
0x15: {  	s30 =	sadd.s32 $0x2F10, s6;
	s31 =	sadd.s32 $0x30A0, s6;
	[dreg:$0xf] =	wrdreg s24  }
0x16: {  	s1 =	sadd.s32 $0x3230, s6;
	s0 =	sadd.s32 $0x33C0, s6;
	[dreg:$0x10] =	wrdreg s25  }
0x17: {  	s4 =	sadd.s32 $0x3550, s6;
	s5 =	sadd.s32 $0x36E0, s6;
	[dreg:$0x11] =	wrdreg s26  }
0x18: {  	s20 =	sadd.s32 $0x2100, s6;
	s21 =	sadd.s32 $0x2290, s6;
	s22 =	sadd.s32 $0x2420, s6  }
0x19: {  	s23 =	sadd.s32 $0x25B0, s6;
	s24 =	sadd.s32 $0x2740, s6;
	s25 =	sadd.s32 $0x28D0, s6  }
0x1a: {  	s26 =	sadd.s32 $0x2A60, s6;
	s6 =	sadd.s32 $0x3870, s6;
	s11 =	simm.s32 $0x1900  }
0x1b: {  	s12 =	simm.s32 $0x2;
	s13 =	simm.s32 $0x2580;
	s14 =	simm.s32 $0x3  }
0x1c: {  	s15 =	simm.s32 $0x4;
	s16 =	simm.s32 $0x5;
	s17 =	simm.s32 $0x0  }
.LBB2_1:
0x1d: {  	s18 =	rddreg [dreg:$0x2]  }
0x1e: {  	[tilespmem:s2], [sflag:$0x1] =	stream.linear.gather [hbm4b:s18+s2], $0xC80, $0x38;
	[tilespmem:$0x3280] =	vst v63  }
0x1f: {  	_ =	swait.ge [sflag:s9], $0xC80  }
0x20: {  	[sflag:s9] =	ssyncset.done $0x0  }
0x21: {  	[sflag:s9] =	ssyncadd.s32 $0xFFFFF380  }
0x22: {  	[tilespmem:s11], [sflag:$0x3] =	stream.indirect.gather [hbm4b:s3+s10], $0x1, s2, s10, $0xb8;
	[tilespmem:$0x3280] =	vst v63  }
0x23: {  	s19 =	rddreg [dreg:$0x3]  }
0x24: {  	[tilespmem:s10], [sflag:$0x2] =	stream.linear.gather [hbm4b:s19+s2], $0xC80, $0x38;
	[tilespmem:$0x3280] =	vst v63  }
0x25: {  	_ =	swait.ge [sflag:s12], $0xC80  }
0x26: {  	[sflag:s12] =	ssyncset.done $0x0  }
0x27: {  	[sflag:s12] =	ssyncadd.s32 $0xFFFFF380  }
0x28: {  	[tilespmem:s13], [sflag:$0x4] =	stream.indirect.gather [hbm4b:s3+s10], $0x1, s10, s10, $0xb8;
	[tilespmem:$0x3280] =	vst v63  }
0x29: {  	_ =	swait.ge [sflag:s14], $0xC80  }
0x2a: {  	[sflag:s14] =	ssyncset.done $0x0  }
0x2b: {  	s19 =	rddreg [dreg:$0x4];
	[sflag:s14] =	ssyncadd.s32 $0xFFFFF380  }
0x2c: {  	[tilespmem:s2], [sflag:$0x1] =	stream.linear.gather [hbm4b:s19+s2], $0xC80, $0x38;
	[tilespmem:$0x3280] =	vst v63  }
0x2d: {  	s19 =	simm.s32 $0x0  }
0x2e: {  	v1 =	vld [tilespmem:s19+$0x1930]  }
0x2f: {  	v2 =	vld [tilespmem:s19+$0x1900]  }
0x30: {  	v0 =	vimm.f32 $0.0e+00;
	v3 =	vld [tilespmem:s19+$0x1910]  }
0x31: {  	v8 =	vimm.f32 $0.0e+00;
	v7 =	vimm.f32 $0.0e+00;
	v9 =	vimm.f32 $0.0e+00;
	s18 =	simm.s32 $0x100;
	v6 =	vld [tilespmem:s19+$0x1920]  }
.LBB2_2:
0x32: {  	p0 =	sne.s32 s18, $0x3100  }
.Ltmp0:
0x33: {  	s19 =	sshra.s32 s18, $0x2;
	s18 =	sadd.s32 $0x100, s18;
	v0 =	vadd.f32 v1, v0;
	(pc) =	sbr.rel @p0 .LBB2_2-.Ltmp0, $4  }
0x34: {  	v1 =	vld [tilespmem:s19+$0x1930];
	v8 =	vadd.f32 v2, v8  }
0x35: {  	v2 =	vld [tilespmem:s19+$0x1900];
	v7 =	vadd.f32 v3, v7  }
0x36: {  	v3 =	vld [tilespmem:s19+$0x1910];
	v9 =	vadd.f32 v6, v9  }
0x37: {  	v6 =	vld [tilespmem:s19+$0x1920]  }
0x38: {  	_ =	swait.ge [sflag:s9], $0xC80  }
0x39: {  	[sflag:s9] =	ssyncset.done $0x0  }
0x3a: {  	s18 =	simm.s32 $0x0;
	[sflag:s9] =	ssyncadd.s32 $0xFFFFF380  }
0x3b: {  	[tilespmem:s11], [sflag:$0x3] =	stream.indirect.gather [hbm4b:s3+s10], $0x1, s18, s10, $0xb8;
	[tilespmem:$0x3280] =	vst v63  }
0x3c: {  	_ =	swait.ge [sflag:s15], $0xC80  }
0x3d: {  	[sflag:s15] =	ssyncset.done $0x0  }
0x3e: {  	s19 =	rddreg [dreg:$0x5];
	[sflag:s15] =	ssyncadd.s32 $0xFFFFF380  }
0x3f: {  	[tilespmem:s10], [sflag:$0x2] =	stream.linear.gather [hbm4b:s19+s18], $0xC80, $0x38;
	[tilespmem:$0x3280] =	vst v63  }
0x40: {  	s19 =	simm.s32 $0x0  }
0x41: {  	v4 =	vld [tilespmem:s19+$0x25B0]  }
0x42: {  	v5 =	vld [tilespmem:s19+$0x2580]  }
0x43: {  	v0 =	vadd.f32 v1, v0;
	v1 =	vadd.f32 v2, v8;
	v8 =	vld [tilespmem:s19+$0x2590]  }
0x44: {  	v2 =	vadd.f32 v3, v7;
	v3 =	vadd.f32 v6, v9;
	s18 =	simm.s32 $0x100;
	v10 =	vld [tilespmem:s19+$0x25A0]  }
.LBB2_4:
0x45: {  	p0 =	sne.s32 s18, $0x3100  }
.Ltmp1:
0x46: {  	s19 =	sshra.s32 s18, $0x2;
	s18 =	sadd.s32 $0x100, s18;
	v0 =	vadd.f32 v4, v0;
	(pc) =	sbr.rel @p0 .LBB2_4-.Ltmp1, $4  }
0x47: {  	v4 =	vld [tilespmem:s19+$0x25B0];
	v1 =	vadd.f32 v5, v1  }
0x48: {  	v5 =	vld [tilespmem:s19+$0x2580];
	v2 =	vadd.f32 v8, v2  }
0x49: {  	v8 =	vld [tilespmem:s19+$0x2590];
	v3 =	vadd.f32 v10, v3  }
0x4a: {  	v10 =	vld [tilespmem:s19+$0x25A0]  }
0x4b: {  	_ =	swait.ge [sflag:s12], $0xC80  }
0x4c: {  	[sflag:s12] =	ssyncset.done $0x0  }
0x4d: {  	[sflag:s12] =	ssyncadd.s32 $0xFFFFF380  }
0x4e: {  	[tilespmem:s13], [sflag:$0x4] =	stream.indirect.gather [hbm4b:s3+s10], $0x1, s10, s10, $0xb8;
	[tilespmem:$0x3280] =	vst v63  }
0x4f: {  	_ =	swait.ge [sflag:s14], $0xC80  }
0x50: {  	[sflag:s14] =	ssyncset.done $0x0  }
0x51: {  	s18 =	simm.s32 $0x0;
	s19 =	rddreg [dreg:$0x6];
	[sflag:s14] =	ssyncadd.s32 $0xFFFFF380  }
0x52: {  	[tilespmem:s18], [sflag:$0x1] =	stream.linear.gather [hbm4b:s19+s18], $0xC80, $0x38;
	[tilespmem:$0x3280] =	vst v63  }
0x53: {  	s19 =	simm.s32 $0x0  }
0x54: {  	v6 =	vld [tilespmem:s19+$0x1930]  }
0x55: {  	v7 =	vld [tilespmem:s19+$0x1900]  }
0x56: {  	v0 =	vadd.f32 v4, v0;
	v1 =	vadd.f32 v5, v1;
	v9 =	vld [tilespmem:s19+$0x1910]  }
0x57: {  	v2 =	vadd.f32 v8, v2;
	v3 =	vadd.f32 v10, v3;
	s18 =	simm.s32 $0x100;
	v10 =	vld [tilespmem:s19+$0x1920]  }
.LBB2_6:
0x58: {  	p0 =	sne.s32 s18, $0x3100  }
.Ltmp2:
0x59: {  	s19 =	sshra.s32 s18, $0x2;
	s18 =	sadd.s32 $0x100, s18;
	v0 =	vadd.f32 v6, v0;
	(pc) =	sbr.rel @p0 .LBB2_6-.Ltmp2, $4  }
0x5a: {  	v6 =	vld [tilespmem:s19+$0x1930];
	v1 =	vadd.f32 v7, v1  }
0x5b: {  	v7 =	vld [tilespmem:s19+$0x1900];
	v2 =	vadd.f32 v9, v2  }
0x5c: {  	v9 =	vld [tilespmem:s19+$0x1910];
	v3 =	vadd.f32 v10, v3  }
0x5d: {  	v10 =	vld [tilespmem:s19+$0x1920]  }
0x5e: {  	_ =	swait.ge [sflag:s9], $0xC80  }
0x5f: {  	[sflag:s9] =	ssyncset.done $0x0  }
0x60: {  	s18 =	simm.s32 $0x0;
	[sflag:s9] =	ssyncadd.s32 $0xFFFFF380  }
0x61: {  	[tilespmem:s11], [sflag:$0x3] =	stream.indirect.gather [hbm4b:s3+s10], $0x1, s18, s10, $0xb8;
	[tilespmem:$0x3280] =	vst v63  }
0x62: {  	_ =	swait.ge [sflag:s15], $0xC80  }
0x63: {  	[sflag:s15] =	ssyncset.done $0x0  }
0x64: {  	s19 =	rddreg [dreg:$0x7];
	[sflag:s15] =	ssyncadd.s32 $0xFFFFF380  }
0x65: {  	[tilespmem:s10], [sflag:$0x2] =	stream.linear.gather [hbm4b:s19+s18], $0xC80, $0x38;
	[tilespmem:$0x3280] =	vst v63  }
0x66: {  	s19 =	simm.s32 $0x0  }
0x67: {  	v4 =	vld [tilespmem:s19+$0x25B0]  }
0x68: {  	v5 =	vld [tilespmem:s19+$0x2580]  }
0x69: {  	v0 =	vadd.f32 v6, v0;
	v1 =	vadd.f32 v7, v1;
	v8 =	vld [tilespmem:s19+$0x2590]  }
0x6a: {  	v2 =	vadd.f32 v9, v2;
	v3 =	vadd.f32 v10, v3;
	s18 =	simm.s32 $0x100;
	v10 =	vld [tilespmem:s19+$0x25A0]  }
.LBB2_8:
0x6b: {  	p0 =	sne.s32 s18, $0x3100  }
.Ltmp3:
0x6c: {  	s19 =	sshra.s32 s18, $0x2;
	s18 =	sadd.s32 $0x100, s18;
	v0 =	vadd.f32 v4, v0;
	(pc) =	sbr.rel @p0 .LBB2_8-.Ltmp3, $4  }
0x6d: {  	v4 =	vld [tilespmem:s19+$0x25B0];
	v1 =	vadd.f32 v5, v1  }
0x6e: {  	v5 =	vld [tilespmem:s19+$0x2580];
	v2 =	vadd.f32 v8, v2  }
0x6f: {  	v8 =	vld [tilespmem:s19+$0x2590];
	v3 =	vadd.f32 v10, v3  }
0x70: {  	v10 =	vld [tilespmem:s19+$0x25A0]  }
0x71: {  	_ =	swait.ge [sflag:s12], $0xC80  }
0x72: {  	[sflag:s12] =	ssyncset.done $0x0  }
0x73: {  	[sflag:s12] =	ssyncadd.s32 $0xFFFFF380  }
0x74: {  	[tilespmem:s13], [sflag:$0x4] =	stream.indirect.gather [hbm4b:s3+s10], $0x1, s10, s10, $0xb8;
	[tilespmem:$0x3280] =	vst v63  }
0x75: {  	_ =	swait.ge [sflag:s14], $0xC80  }
0x76: {  	[sflag:s14] =	ssyncset.done $0x0  }
0x77: {  	s18 =	simm.s32 $0x0;
	s19 =	rddreg [dreg:$0x8];
	[sflag:s14] =	ssyncadd.s32 $0xFFFFF380  }
0x78: {  	[tilespmem:s18], [sflag:$0x1] =	stream.linear.gather [hbm4b:s19+s18], $0xC80, $0x38;
	[tilespmem:$0x3280] =	vst v63  }
0x79: {  	s19 =	simm.s32 $0x0  }
0x7a: {  	v6 =	vld [tilespmem:s19+$0x1930]  }
0x7b: {  	v7 =	vld [tilespmem:s19+$0x1900]  }
0x7c: {  	v0 =	vadd.f32 v4, v0;
	v1 =	vadd.f32 v5, v1;
	v9 =	vld [tilespmem:s19+$0x1910]  }
0x7d: {  	v2 =	vadd.f32 v8, v2;
	v3 =	vadd.f32 v10, v3;
	s18 =	simm.s32 $0x100;
	v10 =	vld [tilespmem:s19+$0x1920]  }
.LBB2_10:
0x7e: {  	p0 =	sne.s32 s18, $0x3100  }
.Ltmp4:
0x7f: {  	s19 =	sshra.s32 s18, $0x2;
	s18 =	sadd.s32 $0x100, s18;
	v0 =	vadd.f32 v6, v0;
	(pc) =	sbr.rel @p0 .LBB2_10-.Ltmp4, $4  }
0x80: {  	v6 =	vld [tilespmem:s19+$0x1930];
	v1 =	vadd.f32 v7, v1  }
0x81: {  	v7 =	vld [tilespmem:s19+$0x1900];
	v2 =	vadd.f32 v9, v2  }
0x82: {  	v9 =	vld [tilespmem:s19+$0x1910];
	v3 =	vadd.f32 v10, v3  }
0x83: {  	v10 =	vld [tilespmem:s19+$0x1920]  }
0x84: {  	_ =	swait.ge [sflag:s9], $0xC80  }
0x85: {  	[sflag:s9] =	ssyncset.done $0x0  }
0x86: {  	s18 =	simm.s32 $0x0;
	[sflag:s9] =	ssyncadd.s32 $0xFFFFF380  }
0x87: {  	[tilespmem:s11], [sflag:$0x3] =	stream.indirect.gather [hbm4b:s3+s10], $0x1, s18, s10, $0xb8;
	[tilespmem:$0x3280] =	vst v63  }
0x88: {  	_ =	swait.ge [sflag:s15], $0xC80  }
0x89: {  	[sflag:s15] =	ssyncset.done $0x0  }
0x8a: {  	s19 =	rddreg [dreg:$0x9];
	[sflag:s15] =	ssyncadd.s32 $0xFFFFF380  }
0x8b: {  	[tilespmem:s10], [sflag:$0x2] =	stream.linear.gather [hbm4b:s19+s18], $0xC80, $0x38;
	[tilespmem:$0x3280] =	vst v63  }
0x8c: {  	s19 =	simm.s32 $0x0  }
0x8d: {  	v4 =	vld [tilespmem:s19+$0x25B0]  }
0x8e: {  	v5 =	vld [tilespmem:s19+$0x2580]  }
0x8f: {  	v0 =	vadd.f32 v6, v0;
	v1 =	vadd.f32 v7, v1;
	v8 =	vld [tilespmem:s19+$0x2590]  }
0x90: {  	v2 =	vadd.f32 v9, v2;
	v3 =	vadd.f32 v10, v3;
	s18 =	simm.s32 $0x100;
	v10 =	vld [tilespmem:s19+$0x25A0]  }
.LBB2_12:
0x91: {  	p0 =	sne.s32 s18, $0x3100  }
.Ltmp5:
0x92: {  	s19 =	sshra.s32 s18, $0x2;
	s18 =	sadd.s32 $0x100, s18;
	v0 =	vadd.f32 v4, v0;
	(pc) =	sbr.rel @p0 .LBB2_12-.Ltmp5, $4  }
0x93: {  	v4 =	vld [tilespmem:s19+$0x25B0];
	v1 =	vadd.f32 v5, v1  }
0x94: {  	v5 =	vld [tilespmem:s19+$0x2580];
	v2 =	vadd.f32 v8, v2  }
0x95: {  	v8 =	vld [tilespmem:s19+$0x2590];
	v3 =	vadd.f32 v10, v3  }
0x96: {  	v10 =	vld [tilespmem:s19+$0x25A0]  }
0x97: {  	_ =	swait.ge [sflag:s12], $0xC80  }
0x98: {  	[sflag:s12] =	ssyncset.done $0x0  }
0x99: {  	[sflag:s12] =	ssyncadd.s32 $0xFFFFF380  }
0x9a: {  	[tilespmem:s13], [sflag:$0x4] =	stream.indirect.gather [hbm4b:s3+s10], $0x1, s10, s10, $0xb8;
	[tilespmem:$0x3280] =	vst v63  }
0x9b: {  	_ =	swait.ge [sflag:s14], $0xC80  }
0x9c: {  	[sflag:s14] =	ssyncset.done $0x0  }
0x9d: {  	s18 =	simm.s32 $0x0;
	s19 =	rddreg [dreg:$0xa];
	[sflag:s14] =	ssyncadd.s32 $0xFFFFF380  }
0x9e: {  	[tilespmem:s18], [sflag:$0x1] =	stream.linear.gather [hbm4b:s19+s18], $0xC80, $0x38;
	[tilespmem:$0x3280] =	vst v63  }
0x9f: {  	s19 =	simm.s32 $0x0  }
0xa0: {  	v6 =	vld [tilespmem:s19+$0x1930]  }
0xa1: {  	v7 =	vld [tilespmem:s19+$0x1900]  }
0xa2: {  	v0 =	vadd.f32 v4, v0;
	v1 =	vadd.f32 v5, v1;
	v9 =	vld [tilespmem:s19+$0x1910]  }
0xa3: {  	v2 =	vadd.f32 v8, v2;
	v3 =	vadd.f32 v10, v3;
	s18 =	simm.s32 $0x100;
	v10 =	vld [tilespmem:s19+$0x1920]  }
.LBB2_14:
0xa4: {  	p0 =	sne.s32 s18, $0x3100  }
.Ltmp6:
0xa5: {  	s19 =	sshra.s32 s18, $0x2;
	s18 =	sadd.s32 $0x100, s18;
	v0 =	vadd.f32 v6, v0;
	(pc) =	sbr.rel @p0 .LBB2_14-.Ltmp6, $4  }
0xa6: {  	v6 =	vld [tilespmem:s19+$0x1930];
	v1 =	vadd.f32 v7, v1  }
0xa7: {  	v7 =	vld [tilespmem:s19+$0x1900];
	v2 =	vadd.f32 v9, v2  }
0xa8: {  	v9 =	vld [tilespmem:s19+$0x1910];
	v3 =	vadd.f32 v10, v3  }
0xa9: {  	v10 =	vld [tilespmem:s19+$0x1920]  }
0xaa: {  	_ =	swait.ge [sflag:s9], $0xC80  }
0xab: {  	[sflag:s9] =	ssyncset.done $0x0  }
0xac: {  	s18 =	simm.s32 $0x0;
	[sflag:s9] =	ssyncadd.s32 $0xFFFFF380  }
0xad: {  	[tilespmem:s11], [sflag:$0x3] =	stream.indirect.gather [hbm4b:s3+s10], $0x1, s18, s10, $0xb8;
	[tilespmem:$0x3280] =	vst v63  }
0xae: {  	_ =	swait.ge [sflag:s15], $0xC80  }
0xaf: {  	[sflag:s15] =	ssyncset.done $0x0  }
0xb0: {  	s19 =	rddreg [dreg:$0xb];
	[sflag:s15] =	ssyncadd.s32 $0xFFFFF380  }
0xb1: {  	[tilespmem:s10], [sflag:$0x2] =	stream.linear.gather [hbm4b:s19+s18], $0xC80, $0x38;
	[tilespmem:$0x3280] =	vst v63  }
0xb2: {  	s19 =	simm.s32 $0x0  }
0xb3: {  	v4 =	vld [tilespmem:s19+$0x25B0]  }
0xb4: {  	v5 =	vld [tilespmem:s19+$0x2580]  }
0xb5: {  	v0 =	vadd.f32 v6, v0;
	v1 =	vadd.f32 v7, v1;
	v8 =	vld [tilespmem:s19+$0x2590]  }
0xb6: {  	v2 =	vadd.f32 v9, v2;
	v3 =	vadd.f32 v10, v3;
	s18 =	simm.s32 $0x100;
	v10 =	vld [tilespmem:s19+$0x25A0]  }
.LBB2_16:
0xb7: {  	p0 =	sne.s32 s18, $0x3100  }
.Ltmp7:
0xb8: {  	s19 =	sshra.s32 s18, $0x2;
	s18 =	sadd.s32 $0x100, s18;
	v0 =	vadd.f32 v4, v0;
	(pc) =	sbr.rel @p0 .LBB2_16-.Ltmp7, $4  }
0xb9: {  	v4 =	vld [tilespmem:s19+$0x25B0];
	v1 =	vadd.f32 v5, v1  }
0xba: {  	v5 =	vld [tilespmem:s19+$0x2580];
	v2 =	vadd.f32 v8, v2  }
0xbb: {  	v8 =	vld [tilespmem:s19+$0x2590];
	v3 =	vadd.f32 v10, v3  }
0xbc: {  	v10 =	vld [tilespmem:s19+$0x25A0]  }
0xbd: {  	_ =	swait.ge [sflag:s12], $0xC80  }
0xbe: {  	[sflag:s12] =	ssyncset.done $0x0  }
0xbf: {  	[sflag:s12] =	ssyncadd.s32 $0xFFFFF380  }
0xc0: {  	[tilespmem:s13], [sflag:$0x4] =	stream.indirect.gather [hbm4b:s3+s10], $0x1, s10, s10, $0xb8;
	[tilespmem:$0x3280] =	vst v63  }
0xc1: {  	_ =	swait.ge [sflag:s14], $0xC80  }
0xc2: {  	[sflag:s14] =	ssyncset.done $0x0  }
0xc3: {  	s18 =	simm.s32 $0x0;
	s19 =	rddreg [dreg:$0xc];
	[sflag:s14] =	ssyncadd.s32 $0xFFFFF380  }
0xc4: {  	[tilespmem:s18], [sflag:$0x1] =	stream.linear.gather [hbm4b:s19+s18], $0xC80, $0x38;
	[tilespmem:$0x3280] =	vst v63  }
0xc5: {  	s19 =	simm.s32 $0x0  }
0xc6: {  	v6 =	vld [tilespmem:s19+$0x1930]  }
0xc7: {  	v7 =	vld [tilespmem:s19+$0x1900]  }
0xc8: {  	v0 =	vadd.f32 v4, v0;
	v1 =	vadd.f32 v5, v1;
	v9 =	vld [tilespmem:s19+$0x1910]  }
0xc9: {  	v2 =	vadd.f32 v8, v2;
	v3 =	vadd.f32 v10, v3;
	s18 =	simm.s32 $0x100;
	v10 =	vld [tilespmem:s19+$0x1920]  }
.LBB2_18:
0xca: {  	p0 =	sne.s32 s18, $0x3100  }
.Ltmp8:
0xcb: {  	s19 =	sshra.s32 s18, $0x2;
	s18 =	sadd.s32 $0x100, s18;
	v0 =	vadd.f32 v6, v0;
	(pc) =	sbr.rel @p0 .LBB2_18-.Ltmp8, $4  }
0xcc: {  	v6 =	vld [tilespmem:s19+$0x1930];
	v1 =	vadd.f32 v7, v1  }
0xcd: {  	v7 =	vld [tilespmem:s19+$0x1900];
	v2 =	vadd.f32 v9, v2  }
0xce: {  	v9 =	vld [tilespmem:s19+$0x1910];
	v3 =	vadd.f32 v10, v3  }
0xcf: {  	v10 =	vld [tilespmem:s19+$0x1920]  }
0xd0: {  	_ =	swait.ge [sflag:s9], $0xC80  }
0xd1: {  	[sflag:s9] =	ssyncset.done $0x0  }
0xd2: {  	s18 =	simm.s32 $0x0;
	[sflag:s9] =	ssyncadd.s32 $0xFFFFF380  }
0xd3: {  	[tilespmem:s11], [sflag:$0x3] =	stream.indirect.gather [hbm4b:s3+s10], $0x1, s18, s10, $0xb8;
	[tilespmem:$0x3280] =	vst v63  }
0xd4: {  	_ =	swait.ge [sflag:s15], $0xC80  }
0xd5: {  	[sflag:s15] =	ssyncset.done $0x0  }
0xd6: {  	s19 =	rddreg [dreg:$0xd];
	[sflag:s15] =	ssyncadd.s32 $0xFFFFF380  }
0xd7: {  	[tilespmem:s10], [sflag:$0x2] =	stream.linear.gather [hbm4b:s19+s18], $0xC80, $0x38;
	[tilespmem:$0x3280] =	vst v63  }
0xd8: {  	s19 =	simm.s32 $0x0  }
0xd9: {  	v4 =	vld [tilespmem:s19+$0x25B0]  }
0xda: {  	v5 =	vld [tilespmem:s19+$0x2580]  }
0xdb: {  	v0 =	vadd.f32 v6, v0;
	v1 =	vadd.f32 v7, v1;
	v8 =	vld [tilespmem:s19+$0x2590]  }
0xdc: {  	v2 =	vadd.f32 v9, v2;
	v3 =	vadd.f32 v10, v3;
	s18 =	simm.s32 $0x100;
	v10 =	vld [tilespmem:s19+$0x25A0]  }
.LBB2_20:
0xdd: {  	p0 =	sne.s32 s18, $0x3100  }
.Ltmp9:
0xde: {  	s19 =	sshra.s32 s18, $0x2;
	s18 =	sadd.s32 $0x100, s18;
	v0 =	vadd.f32 v4, v0;
	(pc) =	sbr.rel @p0 .LBB2_20-.Ltmp9, $4  }
0xdf: {  	v4 =	vld [tilespmem:s19+$0x25B0];
	v1 =	vadd.f32 v5, v1  }
0xe0: {  	v5 =	vld [tilespmem:s19+$0x2580];
	v2 =	vadd.f32 v8, v2  }
0xe1: {  	v8 =	vld [tilespmem:s19+$0x2590];
	v3 =	vadd.f32 v10, v3  }
0xe2: {  	v10 =	vld [tilespmem:s19+$0x25A0]  }
0xe3: {  	_ =	swait.ge [sflag:s12], $0xC80  }
0xe4: {  	[sflag:s12] =	ssyncset.done $0x0  }
0xe5: {  	[sflag:s12] =	ssyncadd.s32 $0xFFFFF380  }
0xe6: {  	[tilespmem:s13], [sflag:$0x4] =	stream.indirect.gather [hbm4b:s3+s10], $0x1, s10, s10, $0xb8;
	[tilespmem:$0x3280] =	vst v63  }
0xe7: {  	_ =	swait.ge [sflag:s14], $0xC80  }
0xe8: {  	[sflag:s14] =	ssyncset.done $0x0  }
0xe9: {  	s18 =	simm.s32 $0x0;
	s19 =	rddreg [dreg:$0xe];
	[sflag:s14] =	ssyncadd.s32 $0xFFFFF380  }
0xea: {  	[tilespmem:s18], [sflag:$0x1] =	stream.linear.gather [hbm4b:s19+s18], $0xC80, $0x38;
	[tilespmem:$0x3280] =	vst v63  }
0xeb: {  	s19 =	simm.s32 $0x0  }
0xec: {  	v6 =	vld [tilespmem:s19+$0x1930]  }
0xed: {  	v7 =	vld [tilespmem:s19+$0x1900]  }
0xee: {  	v0 =	vadd.f32 v4, v0;
	v1 =	vadd.f32 v5, v1;
	v9 =	vld [tilespmem:s19+$0x1910]  }
0xef: {  	v2 =	vadd.f32 v8, v2;
	v3 =	vadd.f32 v10, v3;
	s18 =	simm.s32 $0x100;
	v10 =	vld [tilespmem:s19+$0x1920]  }
.LBB2_22:
0xf0: {  	p0 =	sne.s32 s18, $0x3100  }
.Ltmp10:
0xf1: {  	s19 =	sshra.s32 s18, $0x2;
	s18 =	sadd.s32 $0x100, s18;
	v0 =	vadd.f32 v6, v0;
	(pc) =	sbr.rel @p0 .LBB2_22-.Ltmp10, $4  }
0xf2: {  	v6 =	vld [tilespmem:s19+$0x1930];
	v1 =	vadd.f32 v7, v1  }
0xf3: {  	v7 =	vld [tilespmem:s19+$0x1900];
	v2 =	vadd.f32 v9, v2  }
0xf4: {  	v9 =	vld [tilespmem:s19+$0x1910];
	v3 =	vadd.f32 v10, v3  }
0xf5: {  	v10 =	vld [tilespmem:s19+$0x1920]  }
0xf6: {  	_ =	swait.ge [sflag:s9], $0xC80  }
0xf7: {  	[sflag:s9] =	ssyncset.done $0x0  }
0xf8: {  	s18 =	simm.s32 $0x0;
	[sflag:s9] =	ssyncadd.s32 $0xFFFFF380  }
0xf9: {  	[tilespmem:s11], [sflag:$0x3] =	stream.indirect.gather [hbm4b:s3+s10], $0x1, s18, s10, $0xb8;
	[tilespmem:$0x3280] =	vst v63  }
0xfa: {  	_ =	swait.ge [sflag:s15], $0xC80  }
0xfb: {  	[sflag:s15] =	ssyncset.done $0x0  }
0xfc: {  	s19 =	rddreg [dreg:$0xf];
	[sflag:s15] =	ssyncadd.s32 $0xFFFFF380  }
0xfd: {  	[tilespmem:s10], [sflag:$0x2] =	stream.linear.gather [hbm4b:s19+s18], $0xC80, $0x38;
	[tilespmem:$0x3280] =	vst v63  }
0xfe: {  	s19 =	simm.s32 $0x0  }
0xff: {  	v4 =	vld [tilespmem:s19+$0x25B0]  }
0x100: {  	v5 =	vld [tilespmem:s19+$0x2580]  }
0x101: {  	v0 =	vadd.f32 v6, v0;
	v1 =	vadd.f32 v7, v1;
	v8 =	vld [tilespmem:s19+$0x2590]  }
0x102: {  	v2 =	vadd.f32 v9, v2;
	v3 =	vadd.f32 v10, v3;
	s18 =	simm.s32 $0x100;
	v10 =	vld [tilespmem:s19+$0x25A0]  }
.LBB2_24:
0x103: {  	p0 =	sne.s32 s18, $0x3100  }
.Ltmp11:
0x104: {  	s19 =	sshra.s32 s18, $0x2;
	s18 =	sadd.s32 $0x100, s18;
	v0 =	vadd.f32 v4, v0;
	(pc) =	sbr.rel @p0 .LBB2_24-.Ltmp11, $4  }
0x105: {  	v4 =	vld [tilespmem:s19+$0x25B0];
	v1 =	vadd.f32 v5, v1  }
0x106: {  	v5 =	vld [tilespmem:s19+$0x2580];
	v2 =	vadd.f32 v8, v2  }
0x107: {  	v8 =	vld [tilespmem:s19+$0x2590];
	v3 =	vadd.f32 v10, v3  }
0x108: {  	v10 =	vld [tilespmem:s19+$0x25A0]  }
0x109: {  	_ =	swait.ge [sflag:s12], $0xC80  }
0x10a: {  	[sflag:s12] =	ssyncset.done $0x0  }
0x10b: {  	[sflag:s12] =	ssyncadd.s32 $0xFFFFF380  }
0x10c: {  	[tilespmem:s13], [sflag:$0x4] =	stream.indirect.gather [hbm4b:s3+s10], $0x1, s10, s10, $0xb8;
	[tilespmem:$0x3280] =	vst v63  }
0x10d: {  	_ =	swait.ge [sflag:s14], $0xC80  }
0x10e: {  	[sflag:s14] =	ssyncset.done $0x0  }
0x10f: {  	s18 =	simm.s32 $0x0;
	s19 =	rddreg [dreg:$0x10];
	[sflag:s14] =	ssyncadd.s32 $0xFFFFF380  }
0x110: {  	[tilespmem:s18], [sflag:$0x1] =	stream.linear.gather [hbm4b:s19+s18], $0xC80, $0x38;
	[tilespmem:$0x3280] =	vst v63  }
0x111: {  	s19 =	simm.s32 $0x0  }
0x112: {  	v6 =	vld [tilespmem:s19+$0x1930]  }
0x113: {  	v7 =	vld [tilespmem:s19+$0x1900]  }
0x114: {  	v0 =	vadd.f32 v4, v0;
	v1 =	vadd.f32 v5, v1;
	v9 =	vld [tilespmem:s19+$0x1910]  }
0x115: {  	v2 =	vadd.f32 v8, v2;
	v3 =	vadd.f32 v10, v3;
	s18 =	simm.s32 $0x100;
	v10 =	vld [tilespmem:s19+$0x1920]  }
.LBB2_26:
0x116: {  	p0 =	sne.s32 s18, $0x3100  }
.Ltmp12:
0x117: {  	s19 =	sshra.s32 s18, $0x2;
	s18 =	sadd.s32 $0x100, s18;
	v0 =	vadd.f32 v6, v0;
	(pc) =	sbr.rel @p0 .LBB2_26-.Ltmp12, $4  }
0x118: {  	v6 =	vld [tilespmem:s19+$0x1930];
	v1 =	vadd.f32 v7, v1  }
0x119: {  	v7 =	vld [tilespmem:s19+$0x1900];
	v2 =	vadd.f32 v9, v2  }
0x11a: {  	v9 =	vld [tilespmem:s19+$0x1910];
	v3 =	vadd.f32 v10, v3  }
0x11b: {  	v10 =	vld [tilespmem:s19+$0x1920]  }
0x11c: {  	_ =	swait.ge [sflag:s9], $0xC80  }
0x11d: {  	[sflag:s9] =	ssyncset.done $0x0  }
0x11e: {  	s18 =	simm.s32 $0x0;
	[sflag:s9] =	ssyncadd.s32 $0xFFFFF380  }
0x11f: {  	[tilespmem:s11], [sflag:$0x3] =	stream.indirect.gather [hbm4b:s3+s10], $0x1, s18, s10, $0xb8;
	[tilespmem:$0x3280] =	vst v63  }
0x120: {  	_ =	swait.ge [sflag:s15], $0xC80  }
0x121: {  	[sflag:s15] =	ssyncset.done $0x0  }
0x122: {  	s19 =	rddreg [dreg:$0x11];
	[sflag:s15] =	ssyncadd.s32 $0xFFFFF380  }
0x123: {  	[tilespmem:s10], [sflag:$0x2] =	stream.linear.gather [hbm4b:s19+s18], $0xC80, $0x38;
	[tilespmem:$0x3280] =	vst v63  }
0x124: {  	s19 =	simm.s32 $0x0  }
0x125: {  	v4 =	vld [tilespmem:s19+$0x25B0]  }
0x126: {  	v5 =	vld [tilespmem:s19+$0x2580]  }
0x127: {  	v0 =	vadd.f32 v6, v0;
	v1 =	vadd.f32 v7, v1;
	v8 =	vld [tilespmem:s19+$0x2590]  }
0x128: {  	v2 =	vadd.f32 v9, v2;
	v3 =	vadd.f32 v10, v3;
	s18 =	simm.s32 $0x100;
	v10 =	vld [tilespmem:s19+$0x25A0]  }
.LBB2_28:
0x129: {  	p0 =	sne.s32 s18, $0x3100  }
.Ltmp13:
0x12a: {  	s19 =	sshra.s32 s18, $0x2;
	s18 =	sadd.s32 $0x100, s18;
	v0 =	vadd.f32 v4, v0;
	(pc) =	sbr.rel @p0 .LBB2_28-.Ltmp13, $4  }
0x12b: {  	v4 =	vld [tilespmem:s19+$0x25B0];
	v1 =	vadd.f32 v5, v1  }
0x12c: {  	v5 =	vld [tilespmem:s19+$0x2580];
	v2 =	vadd.f32 v8, v2  }
0x12d: {  	v8 =	vld [tilespmem:s19+$0x2590];
	v3 =	vadd.f32 v10, v3  }
0x12e: {  	v10 =	vld [tilespmem:s19+$0x25A0]  }
0x12f: {  	_ =	swait.ge [sflag:s12], $0xC80  }
0x130: {  	[sflag:s12] =	ssyncset.done $0x0  }
0x131: {  	[sflag:s12] =	ssyncadd.s32 $0xFFFFF380  }
0x132: {  	[tilespmem:s13], [sflag:$0x4] =	stream.indirect.gather [hbm4b:s3+s10], $0x1, s10, s10, $0xb8;
	[tilespmem:$0x3280] =	vst v63  }
0x133: {  	_ =	swait.ge [sflag:s14], $0xC80  }
0x134: {  	[sflag:s14] =	ssyncset.done $0x0  }
0x135: {  	s18 =	simm.s32 $0x0;
	s19 =	simm.s32 $0x0;
	[sflag:s14] =	ssyncadd.s32 $0xFFFFF380  }
0x136: {  	[tilespmem:s18], [sflag:$0x1] =	stream.linear.gather [hbm4b:s20+s18], $0xC80, $0x38;
	[tilespmem:$0x3280] =	vst v63  }
0x137: {  	v6 =	vld [tilespmem:s19+$0x1930]  }
0x138: {  	v7 =	vld [tilespmem:s19+$0x1900]  }
0x139: {  	v0 =	vadd.f32 v4, v0;
	v1 =	vadd.f32 v5, v1;
	v9 =	vld [tilespmem:s19+$0x1910]  }
0x13a: {  	v2 =	vadd.f32 v8, v2;
	v3 =	vadd.f32 v10, v3;
	s18 =	simm.s32 $0x100;
	v10 =	vld [tilespmem:s19+$0x1920]  }
.LBB2_30:
0x13b: {  	p0 =	sne.s32 s18, $0x3100  }
.Ltmp14:
0x13c: {  	s19 =	sshra.s32 s18, $0x2;
	s18 =	sadd.s32 $0x100, s18;
	v0 =	vadd.f32 v6, v0;
	(pc) =	sbr.rel @p0 .LBB2_30-.Ltmp14, $4  }
0x13d: {  	v6 =	vld [tilespmem:s19+$0x1930];
	v1 =	vadd.f32 v7, v1  }
0x13e: {  	v7 =	vld [tilespmem:s19+$0x1900];
	v2 =	vadd.f32 v9, v2  }
0x13f: {  	v9 =	vld [tilespmem:s19+$0x1910];
	v3 =	vadd.f32 v10, v3  }
0x140: {  	v10 =	vld [tilespmem:s19+$0x1920]  }
0x141: {  	_ =	swait.ge [sflag:s9], $0xC80  }
0x142: {  	[sflag:s9] =	ssyncset.done $0x0  }
0x143: {  	s18 =	simm.s32 $0x0;
	[sflag:s9] =	ssyncadd.s32 $0xFFFFF380  }
0x144: {  	[tilespmem:s11], [sflag:$0x3] =	stream.indirect.gather [hbm4b:s3+s10], $0x1, s18, s10, $0xb8;
	[tilespmem:$0x3280] =	vst v63  }
0x145: {  	_ =	swait.ge [sflag:s15], $0xC80  }
0x146: {  	[sflag:s15] =	ssyncset.done $0x0  }
0x147: {  	s19 =	simm.s32 $0x0;
	[sflag:s15] =	ssyncadd.s32 $0xFFFFF380  }
0x148: {  	[tilespmem:s10], [sflag:$0x2] =	stream.linear.gather [hbm4b:s21+s18], $0xC80, $0x38;
	[tilespmem:$0x3280] =	vst v63  }
0x149: {  	v4 =	vld [tilespmem:s19+$0x25B0]  }
0x14a: {  	v5 =	vld [tilespmem:s19+$0x2580]  }
0x14b: {  	v0 =	vadd.f32 v6, v0;
	v1 =	vadd.f32 v7, v1;
	v8 =	vld [tilespmem:s19+$0x2590]  }
0x14c: {  	v2 =	vadd.f32 v9, v2;
	v3 =	vadd.f32 v10, v3;
	s18 =	simm.s32 $0x100;
	v10 =	vld [tilespmem:s19+$0x25A0]  }
.LBB2_32:
0x14d: {  	p0 =	sne.s32 s18, $0x3100  }
.Ltmp15:
0x14e: {  	s19 =	sshra.s32 s18, $0x2;
	s18 =	sadd.s32 $0x100, s18;
	v0 =	vadd.f32 v4, v0;
	(pc) =	sbr.rel @p0 .LBB2_32-.Ltmp15, $4  }
0x14f: {  	v4 =	vld [tilespmem:s19+$0x25B0];
	v1 =	vadd.f32 v5, v1  }
0x150: {  	v5 =	vld [tilespmem:s19+$0x2580];
	v2 =	vadd.f32 v8, v2  }
0x151: {  	v8 =	vld [tilespmem:s19+$0x2590];
	v3 =	vadd.f32 v10, v3  }
0x152: {  	v10 =	vld [tilespmem:s19+$0x25A0]  }
0x153: {  	_ =	swait.ge [sflag:s12], $0xC80  }
0x154: {  	[sflag:s12] =	ssyncset.done $0x0  }
0x155: {  	[sflag:s12] =	ssyncadd.s32 $0xFFFFF380  }
0x156: {  	[tilespmem:s13], [sflag:$0x4] =	stream.indirect.gather [hbm4b:s3+s10], $0x1, s10, s10, $0xb8;
	[tilespmem:$0x3280] =	vst v63  }
0x157: {  	_ =	swait.ge [sflag:s14], $0xC80  }
0x158: {  	[sflag:s14] =	ssyncset.done $0x0  }
0x159: {  	s18 =	simm.s32 $0x0;
	s19 =	simm.s32 $0x0;
	[sflag:s14] =	ssyncadd.s32 $0xFFFFF380  }
0x15a: {  	[tilespmem:s18], [sflag:$0x1] =	stream.linear.gather [hbm4b:s22+s18], $0xC80, $0x38;
	[tilespmem:$0x3280] =	vst v63  }
0x15b: {  	v6 =	vld [tilespmem:s19+$0x1930]  }
0x15c: {  	v7 =	vld [tilespmem:s19+$0x1900]  }
0x15d: {  	v0 =	vadd.f32 v4, v0;
	v1 =	vadd.f32 v5, v1;
	v9 =	vld [tilespmem:s19+$0x1910]  }
0x15e: {  	v2 =	vadd.f32 v8, v2;
	v3 =	vadd.f32 v10, v3;
	s18 =	simm.s32 $0x100;
	v10 =	vld [tilespmem:s19+$0x1920]  }
.LBB2_34:
0x15f: {  	p0 =	sne.s32 s18, $0x3100  }
.Ltmp16:
0x160: {  	s19 =	sshra.s32 s18, $0x2;
	s18 =	sadd.s32 $0x100, s18;
	v0 =	vadd.f32 v6, v0;
	(pc) =	sbr.rel @p0 .LBB2_34-.Ltmp16, $4  }
0x161: {  	v6 =	vld [tilespmem:s19+$0x1930];
	v1 =	vadd.f32 v7, v1  }
0x162: {  	v7 =	vld [tilespmem:s19+$0x1900];
	v2 =	vadd.f32 v9, v2  }
0x163: {  	v9 =	vld [tilespmem:s19+$0x1910];
	v3 =	vadd.f32 v10, v3  }
0x164: {  	v10 =	vld [tilespmem:s19+$0x1920]  }
0x165: {  	_ =	swait.ge [sflag:s9], $0xC80  }
0x166: {  	[sflag:s9] =	ssyncset.done $0x0  }
0x167: {  	s18 =	simm.s32 $0x0;
	[sflag:s9] =	ssyncadd.s32 $0xFFFFF380  }
0x168: {  	[tilespmem:s11], [sflag:$0x3] =	stream.indirect.gather [hbm4b:s3+s10], $0x1, s18, s10, $0xb8;
	[tilespmem:$0x3280] =	vst v63  }
0x169: {  	_ =	swait.ge [sflag:s15], $0xC80  }
0x16a: {  	[sflag:s15] =	ssyncset.done $0x0  }
0x16b: {  	s19 =	simm.s32 $0x0;
	[sflag:s15] =	ssyncadd.s32 $0xFFFFF380  }
0x16c: {  	[tilespmem:s10], [sflag:$0x2] =	stream.linear.gather [hbm4b:s23+s18], $0xC80, $0x38;
	[tilespmem:$0x3280] =	vst v63  }
0x16d: {  	v4 =	vld [tilespmem:s19+$0x25B0]  }
0x16e: {  	v5 =	vld [tilespmem:s19+$0x2580]  }
0x16f: {  	v0 =	vadd.f32 v6, v0;
	v1 =	vadd.f32 v7, v1;
	v8 =	vld [tilespmem:s19+$0x2590]  }
0x170: {  	v2 =	vadd.f32 v9, v2;
	v3 =	vadd.f32 v10, v3;
	s18 =	simm.s32 $0x100;
	v10 =	vld [tilespmem:s19+$0x25A0]  }
.LBB2_36:
0x171: {  	p0 =	sne.s32 s18, $0x3100  }
.Ltmp17:
0x172: {  	s19 =	sshra.s32 s18, $0x2;
	s18 =	sadd.s32 $0x100, s18;
	v0 =	vadd.f32 v4, v0;
	(pc) =	sbr.rel @p0 .LBB2_36-.Ltmp17, $4  }
0x173: {  	v4 =	vld [tilespmem:s19+$0x25B0];
	v1 =	vadd.f32 v5, v1  }
0x174: {  	v5 =	vld [tilespmem:s19+$0x2580];
	v2 =	vadd.f32 v8, v2  }
0x175: {  	v8 =	vld [tilespmem:s19+$0x2590];
	v3 =	vadd.f32 v10, v3  }
0x176: {  	v10 =	vld [tilespmem:s19+$0x25A0]  }
0x177: {  	_ =	swait.ge [sflag:s12], $0xC80  }
0x178: {  	[sflag:s12] =	ssyncset.done $0x0  }
0x179: {  	[sflag:s12] =	ssyncadd.s32 $0xFFFFF380  }
0x17a: {  	[tilespmem:s13], [sflag:$0x4] =	stream.indirect.gather [hbm4b:s3+s10], $0x1, s10, s10, $0xb8;
	[tilespmem:$0x3280] =	vst v63  }
0x17b: {  	_ =	swait.ge [sflag:s14], $0xC80  }
0x17c: {  	[sflag:s14] =	ssyncset.done $0x0  }
0x17d: {  	s18 =	simm.s32 $0x0;
	s19 =	simm.s32 $0x0;
	[sflag:s14] =	ssyncadd.s32 $0xFFFFF380  }
0x17e: {  	[tilespmem:s18], [sflag:$0x1] =	stream.linear.gather [hbm4b:s24+s18], $0xC80, $0x38;
	[tilespmem:$0x3280] =	vst v63  }
0x17f: {  	v6 =	vld [tilespmem:s19+$0x1930]  }
0x180: {  	v7 =	vld [tilespmem:s19+$0x1900]  }
0x181: {  	v0 =	vadd.f32 v4, v0;
	v1 =	vadd.f32 v5, v1;
	v9 =	vld [tilespmem:s19+$0x1910]  }
0x182: {  	v2 =	vadd.f32 v8, v2;
	v3 =	vadd.f32 v10, v3;
	s18 =	simm.s32 $0x100;
	v10 =	vld [tilespmem:s19+$0x1920]  }
.LBB2_38:
0x183: {  	p0 =	sne.s32 s18, $0x3100  }
.Ltmp18:
0x184: {  	s19 =	sshra.s32 s18, $0x2;
	s18 =	sadd.s32 $0x100, s18;
	v0 =	vadd.f32 v6, v0;
	(pc) =	sbr.rel @p0 .LBB2_38-.Ltmp18, $4  }
0x185: {  	v6 =	vld [tilespmem:s19+$0x1930];
	v1 =	vadd.f32 v7, v1  }
0x186: {  	v7 =	vld [tilespmem:s19+$0x1900];
	v2 =	vadd.f32 v9, v2  }
0x187: {  	v9 =	vld [tilespmem:s19+$0x1910];
	v3 =	vadd.f32 v10, v3  }
0x188: {  	v10 =	vld [tilespmem:s19+$0x1920]  }
0x189: {  	_ =	swait.ge [sflag:s9], $0xC80  }
0x18a: {  	[sflag:s9] =	ssyncset.done $0x0  }
0x18b: {  	s18 =	simm.s32 $0x0;
	[sflag:s9] =	ssyncadd.s32 $0xFFFFF380  }
0x18c: {  	[tilespmem:s11], [sflag:$0x3] =	stream.indirect.gather [hbm4b:s3+s10], $0x1, s18, s10, $0xb8;
	[tilespmem:$0x3280] =	vst v63  }
0x18d: {  	_ =	swait.ge [sflag:s15], $0xC80  }
0x18e: {  	[sflag:s15] =	ssyncset.done $0x0  }
0x18f: {  	s19 =	simm.s32 $0x0;
	[sflag:s15] =	ssyncadd.s32 $0xFFFFF380  }
0x190: {  	[tilespmem:s10], [sflag:$0x2] =	stream.linear.gather [hbm4b:s25+s18], $0xC80, $0x38;
	[tilespmem:$0x3280] =	vst v63  }
0x191: {  	v4 =	vld [tilespmem:s19+$0x25B0]  }
0x192: {  	v5 =	vld [tilespmem:s19+$0x2580]  }
0x193: {  	v0 =	vadd.f32 v6, v0;
	v1 =	vadd.f32 v7, v1;
	v8 =	vld [tilespmem:s19+$0x2590]  }
0x194: {  	v2 =	vadd.f32 v9, v2;
	v3 =	vadd.f32 v10, v3;
	s18 =	simm.s32 $0x100;
	v10 =	vld [tilespmem:s19+$0x25A0]  }
.LBB2_40:
0x195: {  	p0 =	sne.s32 s18, $0x3100  }
.Ltmp19:
0x196: {  	s19 =	sshra.s32 s18, $0x2;
	s18 =	sadd.s32 $0x100, s18;
	v0 =	vadd.f32 v4, v0;
	(pc) =	sbr.rel @p0 .LBB2_40-.Ltmp19, $4  }
0x197: {  	v4 =	vld [tilespmem:s19+$0x25B0];
	v1 =	vadd.f32 v5, v1  }
0x198: {  	v5 =	vld [tilespmem:s19+$0x2580];
	v2 =	vadd.f32 v8, v2  }
0x199: {  	v8 =	vld [tilespmem:s19+$0x2590];
	v3 =	vadd.f32 v10, v3  }
0x19a: {  	v10 =	vld [tilespmem:s19+$0x25A0]  }
0x19b: {  	_ =	swait.ge [sflag:s12], $0xC80  }
0x19c: {  	[sflag:s12] =	ssyncset.done $0x0  }
0x19d: {  	[sflag:s12] =	ssyncadd.s32 $0xFFFFF380  }
0x19e: {  	[tilespmem:s13], [sflag:$0x4] =	stream.indirect.gather [hbm4b:s3+s10], $0x1, s10, s10, $0xb8;
	[tilespmem:$0x3280] =	vst v63  }
0x19f: {  	_ =	swait.ge [sflag:s14], $0xC80  }
0x1a0: {  	[sflag:s14] =	ssyncset.done $0x0  }
0x1a1: {  	s18 =	simm.s32 $0x0;
	s19 =	simm.s32 $0x0;
	[sflag:s14] =	ssyncadd.s32 $0xFFFFF380  }
0x1a2: {  	[tilespmem:s18], [sflag:$0x1] =	stream.linear.gather [hbm4b:s26+s18], $0xC80, $0x38;
	[tilespmem:$0x3280] =	vst v63  }
0x1a3: {  	v6 =	vld [tilespmem:s19+$0x1930]  }
0x1a4: {  	v7 =	vld [tilespmem:s19+$0x1900]  }
0x1a5: {  	v0 =	vadd.f32 v4, v0;
	v1 =	vadd.f32 v5, v1;
	v9 =	vld [tilespmem:s19+$0x1910]  }
0x1a6: {  	v2 =	vadd.f32 v8, v2;
	v3 =	vadd.f32 v10, v3;
	s18 =	simm.s32 $0x100;
	v10 =	vld [tilespmem:s19+$0x1920]  }
.LBB2_42:
0x1a7: {  	p0 =	sne.s32 s18, $0x3100  }
.Ltmp20:
0x1a8: {  	s19 =	sshra.s32 s18, $0x2;
	s18 =	sadd.s32 $0x100, s18;
	v0 =	vadd.f32 v6, v0;
	(pc) =	sbr.rel @p0 .LBB2_42-.Ltmp20, $4  }
0x1a9: {  	v6 =	vld [tilespmem:s19+$0x1930];
	v1 =	vadd.f32 v7, v1  }
0x1aa: {  	v7 =	vld [tilespmem:s19+$0x1900];
	v2 =	vadd.f32 v9, v2  }
0x1ab: {  	v9 =	vld [tilespmem:s19+$0x1910];
	v3 =	vadd.f32 v10, v3  }
0x1ac: {  	v10 =	vld [tilespmem:s19+$0x1920]  }
0x1ad: {  	_ =	swait.ge [sflag:s9], $0xC80  }
0x1ae: {  	[sflag:s9] =	ssyncset.done $0x0  }
0x1af: {  	s18 =	simm.s32 $0x0;
	[sflag:s9] =	ssyncadd.s32 $0xFFFFF380  }
0x1b0: {  	[tilespmem:s11], [sflag:$0x3] =	stream.indirect.gather [hbm4b:s3+s10], $0x1, s18, s10, $0xb8;
	[tilespmem:$0x3280] =	vst v63  }
0x1b1: {  	_ =	swait.ge [sflag:s15], $0xC80  }
0x1b2: {  	[sflag:s15] =	ssyncset.done $0x0  }
0x1b3: {  	s19 =	simm.s32 $0x0;
	[sflag:s15] =	ssyncadd.s32 $0xFFFFF380  }
0x1b4: {  	[tilespmem:s10], [sflag:$0x2] =	stream.linear.gather [hbm4b:s28+s18], $0xC80, $0x38;
	[tilespmem:$0x3280] =	vst v63  }
0x1b5: {  	v4 =	vld [tilespmem:s19+$0x25B0]  }
0x1b6: {  	v5 =	vld [tilespmem:s19+$0x2580]  }
0x1b7: {  	v0 =	vadd.f32 v6, v0;
	v1 =	vadd.f32 v7, v1;
	v8 =	vld [tilespmem:s19+$0x2590]  }
0x1b8: {  	v2 =	vadd.f32 v9, v2;
	v3 =	vadd.f32 v10, v3;
	s18 =	simm.s32 $0x100;
	v10 =	vld [tilespmem:s19+$0x25A0]  }
.LBB2_44:
0x1b9: {  	p0 =	sne.s32 s18, $0x3100  }
.Ltmp21:
0x1ba: {  	s19 =	sshra.s32 s18, $0x2;
	s18 =	sadd.s32 $0x100, s18;
	v0 =	vadd.f32 v4, v0;
	(pc) =	sbr.rel @p0 .LBB2_44-.Ltmp21, $4  }
0x1bb: {  	v4 =	vld [tilespmem:s19+$0x25B0];
	v1 =	vadd.f32 v5, v1  }
0x1bc: {  	v5 =	vld [tilespmem:s19+$0x2580];
	v2 =	vadd.f32 v8, v2  }
0x1bd: {  	v8 =	vld [tilespmem:s19+$0x2590];
	v3 =	vadd.f32 v10, v3  }
0x1be: {  	v10 =	vld [tilespmem:s19+$0x25A0]  }
0x1bf: {  	_ =	swait.ge [sflag:s12], $0xC80  }
0x1c0: {  	[sflag:s12] =	ssyncset.done $0x0  }
0x1c1: {  	[sflag:s12] =	ssyncadd.s32 $0xFFFFF380  }
0x1c2: {  	[tilespmem:s13], [sflag:$0x4] =	stream.indirect.gather [hbm4b:s3+s10], $0x1, s10, s10, $0xb8;
	[tilespmem:$0x3280] =	vst v63  }
0x1c3: {  	_ =	swait.ge [sflag:s14], $0xC80  }
0x1c4: {  	[sflag:s14] =	ssyncset.done $0x0  }
0x1c5: {  	s18 =	simm.s32 $0x0;
	s19 =	simm.s32 $0x0;
	[sflag:s14] =	ssyncadd.s32 $0xFFFFF380  }
0x1c6: {  	[tilespmem:s18], [sflag:$0x1] =	stream.linear.gather [hbm4b:s29+s18], $0xC80, $0x38;
	[tilespmem:$0x3280] =	vst v63  }
0x1c7: {  	v6 =	vld [tilespmem:s19+$0x1930]  }
0x1c8: {  	v7 =	vld [tilespmem:s19+$0x1900]  }
0x1c9: {  	v0 =	vadd.f32 v4, v0;
	v1 =	vadd.f32 v5, v1;
	v9 =	vld [tilespmem:s19+$0x1910]  }
0x1ca: {  	v2 =	vadd.f32 v8, v2;
	v3 =	vadd.f32 v10, v3;
	s18 =	simm.s32 $0x100;
	v10 =	vld [tilespmem:s19+$0x1920]  }
.LBB2_46:
0x1cb: {  	p0 =	sne.s32 s18, $0x3100  }
.Ltmp22:
0x1cc: {  	s19 =	sshra.s32 s18, $0x2;
	s18 =	sadd.s32 $0x100, s18;
	v0 =	vadd.f32 v6, v0;
	(pc) =	sbr.rel @p0 .LBB2_46-.Ltmp22, $4  }
0x1cd: {  	v6 =	vld [tilespmem:s19+$0x1930];
	v1 =	vadd.f32 v7, v1  }
0x1ce: {  	v7 =	vld [tilespmem:s19+$0x1900];
	v2 =	vadd.f32 v9, v2  }
0x1cf: {  	v9 =	vld [tilespmem:s19+$0x1910];
	v3 =	vadd.f32 v10, v3  }
0x1d0: {  	v10 =	vld [tilespmem:s19+$0x1920]  }
0x1d1: {  	_ =	swait.ge [sflag:s9], $0xC80  }
0x1d2: {  	[sflag:s9] =	ssyncset.done $0x0  }
0x1d3: {  	s18 =	simm.s32 $0x0;
	[sflag:s9] =	ssyncadd.s32 $0xFFFFF380  }
0x1d4: {  	[tilespmem:s11], [sflag:$0x3] =	stream.indirect.gather [hbm4b:s3+s10], $0x1, s18, s10, $0xb8;
	[tilespmem:$0x3280] =	vst v63  }
0x1d5: {  	_ =	swait.ge [sflag:s15], $0xC80  }
0x1d6: {  	[sflag:s15] =	ssyncset.done $0x0  }
0x1d7: {  	s19 =	simm.s32 $0x0;
	[sflag:s15] =	ssyncadd.s32 $0xFFFFF380  }
0x1d8: {  	[tilespmem:s10], [sflag:$0x2] =	stream.linear.gather [hbm4b:s30+s18], $0xC80, $0x38;
	[tilespmem:$0x3280] =	vst v63  }
0x1d9: {  	v4 =	vld [tilespmem:s19+$0x25B0]  }
0x1da: {  	v5 =	vld [tilespmem:s19+$0x2580]  }
0x1db: {  	v0 =	vadd.f32 v6, v0;
	v1 =	vadd.f32 v7, v1;
	v8 =	vld [tilespmem:s19+$0x2590]  }
0x1dc: {  	v2 =	vadd.f32 v9, v2;
	v3 =	vadd.f32 v10, v3;
	s18 =	simm.s32 $0x100;
	v10 =	vld [tilespmem:s19+$0x25A0]  }
.LBB2_48:
0x1dd: {  	p0 =	sne.s32 s18, $0x3100  }
.Ltmp23:
0x1de: {  	s19 =	sshra.s32 s18, $0x2;
	s18 =	sadd.s32 $0x100, s18;
	v0 =	vadd.f32 v4, v0;
	(pc) =	sbr.rel @p0 .LBB2_48-.Ltmp23, $4  }
0x1df: {  	v4 =	vld [tilespmem:s19+$0x25B0];
	v1 =	vadd.f32 v5, v1  }
0x1e0: {  	v5 =	vld [tilespmem:s19+$0x2580];
	v2 =	vadd.f32 v8, v2  }
0x1e1: {  	v8 =	vld [tilespmem:s19+$0x2590];
	v3 =	vadd.f32 v10, v3  }
0x1e2: {  	v10 =	vld [tilespmem:s19+$0x25A0]  }
0x1e3: {  	_ =	swait.ge [sflag:s12], $0xC80  }
0x1e4: {  	[sflag:s12] =	ssyncset.done $0x0  }
0x1e5: {  	[sflag:s12] =	ssyncadd.s32 $0xFFFFF380  }
0x1e6: {  	[tilespmem:s13], [sflag:$0x4] =	stream.indirect.gather [hbm4b:s3+s10], $0x1, s10, s10, $0xb8;
	[tilespmem:$0x3280] =	vst v63  }
0x1e7: {  	_ =	swait.ge [sflag:s14], $0xC80  }
0x1e8: {  	[sflag:s14] =	ssyncset.done $0x0  }
0x1e9: {  	s18 =	simm.s32 $0x0;
	s19 =	simm.s32 $0x0;
	[sflag:s14] =	ssyncadd.s32 $0xFFFFF380  }
0x1ea: {  	[tilespmem:s18], [sflag:$0x1] =	stream.linear.gather [hbm4b:s31+s18], $0xC80, $0x38;
	[tilespmem:$0x3280] =	vst v63  }
0x1eb: {  	v6 =	vld [tilespmem:s19+$0x1930]  }
0x1ec: {  	v7 =	vld [tilespmem:s19+$0x1900]  }
0x1ed: {  	v0 =	vadd.f32 v4, v0;
	v1 =	vadd.f32 v5, v1;
	v9 =	vld [tilespmem:s19+$0x1910]  }
0x1ee: {  	v2 =	vadd.f32 v8, v2;
	v3 =	vadd.f32 v10, v3;
	s18 =	simm.s32 $0x100;
	v10 =	vld [tilespmem:s19+$0x1920]  }
.LBB2_50:
0x1ef: {  	p0 =	sne.s32 s18, $0x3100  }
.Ltmp24:
0x1f0: {  	s19 =	sshra.s32 s18, $0x2;
	s18 =	sadd.s32 $0x100, s18;
	v0 =	vadd.f32 v6, v0;
	(pc) =	sbr.rel @p0 .LBB2_50-.Ltmp24, $4  }
0x1f1: {  	v6 =	vld [tilespmem:s19+$0x1930];
	v1 =	vadd.f32 v7, v1  }
0x1f2: {  	v7 =	vld [tilespmem:s19+$0x1900];
	v2 =	vadd.f32 v9, v2  }
0x1f3: {  	v9 =	vld [tilespmem:s19+$0x1910];
	v3 =	vadd.f32 v10, v3  }
0x1f4: {  	v10 =	vld [tilespmem:s19+$0x1920]  }
0x1f5: {  	_ =	swait.ge [sflag:s9], $0xC80  }
0x1f6: {  	[sflag:s9] =	ssyncset.done $0x0  }
0x1f7: {  	s18 =	simm.s32 $0x0;
	[sflag:s9] =	ssyncadd.s32 $0xFFFFF380  }
0x1f8: {  	[tilespmem:s11], [sflag:$0x3] =	stream.indirect.gather [hbm4b:s3+s10], $0x1, s18, s10, $0xb8;
	[tilespmem:$0x3280] =	vst v63  }
0x1f9: {  	_ =	swait.ge [sflag:s15], $0xC80  }
0x1fa: {  	[sflag:s15] =	ssyncset.done $0x0  }
0x1fb: {  	s19 =	simm.s32 $0x0;
	[sflag:s15] =	ssyncadd.s32 $0xFFFFF380  }
0x1fc: {  	[tilespmem:s10], [sflag:$0x2] =	stream.linear.gather [hbm4b:s1+s18], $0xC80, $0x38;
	[tilespmem:$0x3280] =	vst v63  }
0x1fd: {  	v4 =	vld [tilespmem:s19+$0x25B0]  }
0x1fe: {  	v5 =	vld [tilespmem:s19+$0x2580]  }
0x1ff: {  	v0 =	vadd.f32 v6, v0;
	v1 =	vadd.f32 v7, v1;
	v8 =	vld [tilespmem:s19+$0x2590]  }
0x200: {  	v2 =	vadd.f32 v9, v2;
	v3 =	vadd.f32 v10, v3;
	s18 =	simm.s32 $0x100;
	v10 =	vld [tilespmem:s19+$0x25A0]  }
.LBB2_52:
0x201: {  	p0 =	sne.s32 s18, $0x3100  }
.Ltmp25:
0x202: {  	s19 =	sshra.s32 s18, $0x2;
	s18 =	sadd.s32 $0x100, s18;
	v0 =	vadd.f32 v4, v0;
	(pc) =	sbr.rel @p0 .LBB2_52-.Ltmp25, $4  }
0x203: {  	v4 =	vld [tilespmem:s19+$0x25B0];
	v1 =	vadd.f32 v5, v1  }
0x204: {  	v5 =	vld [tilespmem:s19+$0x2580];
	v2 =	vadd.f32 v8, v2  }
0x205: {  	v8 =	vld [tilespmem:s19+$0x2590];
	v3 =	vadd.f32 v10, v3  }
0x206: {  	v10 =	vld [tilespmem:s19+$0x25A0]  }
0x207: {  	_ =	swait.ge [sflag:s12], $0xC80  }
0x208: {  	[sflag:s12] =	ssyncset.done $0x0  }
0x209: {  	[sflag:s12] =	ssyncadd.s32 $0xFFFFF380  }
0x20a: {  	[tilespmem:s13], [sflag:$0x4] =	stream.indirect.gather [hbm4b:s3+s10], $0x1, s10, s10, $0xb8;
	[tilespmem:$0x3280] =	vst v63  }
0x20b: {  	_ =	swait.ge [sflag:s14], $0xC80  }
0x20c: {  	[sflag:s14] =	ssyncset.done $0x0  }
0x20d: {  	s18 =	simm.s32 $0x0;
	s19 =	simm.s32 $0x0;
	[sflag:s14] =	ssyncadd.s32 $0xFFFFF380  }
0x20e: {  	[tilespmem:s18], [sflag:$0x1] =	stream.linear.gather [hbm4b:s0+s18], $0xC80, $0x38;
	[tilespmem:$0x3280] =	vst v63  }
0x20f: {  	v6 =	vld [tilespmem:s19+$0x1930]  }
0x210: {  	v7 =	vld [tilespmem:s19+$0x1900]  }
0x211: {  	v0 =	vadd.f32 v4, v0;
	v1 =	vadd.f32 v5, v1;
	v9 =	vld [tilespmem:s19+$0x1910]  }
0x212: {  	v2 =	vadd.f32 v8, v2;
	v3 =	vadd.f32 v10, v3;
	s18 =	simm.s32 $0x100;
	v10 =	vld [tilespmem:s19+$0x1920]  }
.LBB2_54:
0x213: {  	p0 =	sne.s32 s18, $0x3100  }
.Ltmp26:
0x214: {  	s19 =	sshra.s32 s18, $0x2;
	s18 =	sadd.s32 $0x100, s18;
	v0 =	vadd.f32 v6, v0;
	(pc) =	sbr.rel @p0 .LBB2_54-.Ltmp26, $4  }
0x215: {  	v6 =	vld [tilespmem:s19+$0x1930];
	v1 =	vadd.f32 v7, v1  }
0x216: {  	v7 =	vld [tilespmem:s19+$0x1900];
	v2 =	vadd.f32 v9, v2  }
0x217: {  	v9 =	vld [tilespmem:s19+$0x1910];
	v3 =	vadd.f32 v10, v3  }
0x218: {  	v10 =	vld [tilespmem:s19+$0x1920]  }
0x219: {  	_ =	swait.ge [sflag:s9], $0xC80  }
0x21a: {  	[sflag:s9] =	ssyncset.done $0x0  }
0x21b: {  	s18 =	simm.s32 $0x0;
	[sflag:s9] =	ssyncadd.s32 $0xFFFFF380  }
0x21c: {  	[tilespmem:s11], [sflag:$0x3] =	stream.indirect.gather [hbm4b:s3+s10], $0x1, s18, s10, $0xb8;
	[tilespmem:$0x3280] =	vst v63  }
0x21d: {  	_ =	swait.ge [sflag:s15], $0xC80  }
0x21e: {  	[sflag:s15] =	ssyncset.done $0x0  }
0x21f: {  	s19 =	simm.s32 $0x0;
	[sflag:s15] =	ssyncadd.s32 $0xFFFFF380  }
0x220: {  	[tilespmem:s10], [sflag:$0x2] =	stream.linear.gather [hbm4b:s4+s18], $0xC80, $0x38;
	[tilespmem:$0x3280] =	vst v63  }
0x221: {  	v4 =	vld [tilespmem:s19+$0x25B0]  }
0x222: {  	v5 =	vld [tilespmem:s19+$0x2580]  }
0x223: {  	v0 =	vadd.f32 v6, v0;
	v1 =	vadd.f32 v7, v1;
	v8 =	vld [tilespmem:s19+$0x2590]  }
0x224: {  	v2 =	vadd.f32 v9, v2;
	v3 =	vadd.f32 v10, v3;
	s18 =	simm.s32 $0x100;
	v9 =	vld [tilespmem:s19+$0x25A0]  }
.LBB2_56:
0x225: {  	p0 =	sne.s32 s18, $0x3100  }
.Ltmp27:
0x226: {  	s19 =	sshra.s32 s18, $0x2;
	s18 =	sadd.s32 $0x100, s18;
	v0 =	vadd.f32 v4, v0;
	(pc) =	sbr.rel @p0 .LBB2_56-.Ltmp27, $4  }
0x227: {  	v4 =	vld [tilespmem:s19+$0x25B0];
	v1 =	vadd.f32 v5, v1  }
0x228: {  	v5 =	vld [tilespmem:s19+$0x2580];
	v2 =	vadd.f32 v8, v2  }
0x229: {  	v8 =	vld [tilespmem:s19+$0x2590];
	v3 =	vadd.f32 v9, v3  }
0x22a: {  	v9 =	vld [tilespmem:s19+$0x25A0]  }
0x22b: {  	_ =	swait.ge [sflag:s12], $0xC80  }
0x22c: {  	[sflag:s12] =	ssyncset.done $0x0  }
0x22d: {  	[sflag:s12] =	ssyncadd.s32 $0xFFFFF380  }
0x22e: {  	[tilespmem:s13], [sflag:$0x4] =	stream.indirect.gather [hbm4b:s3+s10], $0x1, s10, s10, $0xb8;
	[tilespmem:$0x3280] =	vst v63  }
0x22f: {  	_ =	swait.ge [sflag:s14], $0xC80  }
0x230: {  	[sflag:s14] =	ssyncset.done $0x0  }
0x231: {  	s18 =	simm.s32 $0x0;
	s19 =	simm.s32 $0x0;
	[sflag:s14] =	ssyncadd.s32 $0xFFFFF380  }
0x232: {  	[tilespmem:s18], [sflag:$0x1] =	stream.linear.gather [hbm4b:s5+s18], $0xC80, $0x38;
	[tilespmem:$0x3280] =	vst v63  }
0x233: {  	v6 =	vld [tilespmem:s19+$0x1930]  }
0x234: {  	v7 =	vld [tilespmem:s19+$0x1900]  }
0x235: {  	v0 =	vadd.f32 v4, v0;
	v1 =	vadd.f32 v5, v1;
	v4 =	vld [tilespmem:s19+$0x1910]  }
0x236: {  	v2 =	vadd.f32 v8, v2;
	v3 =	vadd.f32 v9, v3;
	s18 =	simm.s32 $0x100;
	v9 =	vld [tilespmem:s19+$0x1920]  }
.LBB2_58:
0x237: {  	p0 =	sne.s32 s18, $0x3100  }
.Ltmp28:
0x238: {  	s19 =	sshra.s32 s18, $0x2;
	s18 =	sadd.s32 $0x100, s18;
	v0 =	vadd.f32 v6, v0;
	(pc) =	sbr.rel @p0 .LBB2_58-.Ltmp28, $4  }
0x239: {  	v6 =	vld [tilespmem:s19+$0x1930];
	v1 =	vadd.f32 v7, v1  }
0x23a: {  	v7 =	vld [tilespmem:s19+$0x1900];
	v2 =	vadd.f32 v4, v2  }
0x23b: {  	v4 =	vld [tilespmem:s19+$0x1910];
	v3 =	vadd.f32 v9, v3  }
0x23c: {  	v9 =	vld [tilespmem:s19+$0x1920]  }
0x23d: {  	_ =	swait.ge [sflag:s9], $0xC80  }
0x23e: {  	[sflag:s9] =	ssyncset.done $0x0  }
0x23f: {  	s18 =	simm.s32 $0x0;
	[sflag:s9] =	ssyncadd.s32 $0xFFFFF380  }
0x240: {  	[tilespmem:s11], [sflag:$0x3] =	stream.indirect.gather [hbm4b:s3+s10], $0x1, s18, s10, $0xb8;
	[tilespmem:$0x3280] =	vst v63  }
0x241: {  	_ =	swait.ge [sflag:s15], $0xC80  }
0x242: {  	[sflag:s15] =	ssyncset.done $0x0  }
0x243: {  	s19 =	simm.s32 $0x0;
	[sflag:s15] =	ssyncadd.s32 $0xFFFFF380  }
0x244: {  	[tilespmem:s10], [sflag:$0x2] =	stream.linear.gather [hbm4b:s6+s18], $0xC80, $0x38;
	[tilespmem:$0x3280] =	vst v63  }
0x245: {  	v5 =	vld [tilespmem:s19+$0x25B0]  }
0x246: {  	v8 =	vld [tilespmem:s19+$0x2580]  }
0x247: {  	v0 =	vadd.f32 v6, v0;
	v1 =	vadd.f32 v7, v1;
	v6 =	vld [tilespmem:s19+$0x2590]  }
0x248: {  	v2 =	vadd.f32 v4, v2;
	v3 =	vadd.f32 v9, v3;
	s18 =	simm.s32 $0x100;
	v4 =	vld [tilespmem:s19+$0x25A0]  }
.LBB2_60:
0x249: {  	p0 =	sne.s32 s18, $0x3100  }
.Ltmp29:
0x24a: {  	s19 =	sshra.s32 s18, $0x2;
	s18 =	sadd.s32 $0x100, s18;
	v0 =	vadd.f32 v5, v0;
	(pc) =	sbr.rel @p0 .LBB2_60-.Ltmp29, $4  }
0x24b: {  	v5 =	vld [tilespmem:s19+$0x25B0];
	v1 =	vadd.f32 v8, v1  }
0x24c: {  	v8 =	vld [tilespmem:s19+$0x2580];
	v2 =	vadd.f32 v6, v2  }
0x24d: {  	v6 =	vld [tilespmem:s19+$0x2590];
	v3 =	vadd.f32 v4, v3  }
0x24e: {  	v4 =	vld [tilespmem:s19+$0x25A0]  }
0x24f: {  	_ =	swait.ge [sflag:s12], $0xC80  }
0x250: {  	[sflag:s12] =	ssyncset.done $0x0  }
0x251: {  	[sflag:s12] =	ssyncadd.s32 $0xFFFFF380  }
0x252: {  	[tilespmem:s13], [sflag:$0x4] =	stream.indirect.gather [hbm4b:s3+s10], $0x1, s10, s10, $0xb8;
	[tilespmem:$0x3280] =	vst v63  }
0x253: {  	_ =	swait.ge [sflag:s14], $0xC80  }
0x254: {  	[sflag:s14] =	ssyncset.done $0x0  }
0x255: {  	s19 =	simm.s32 $0x0;
	[sflag:s14] =	ssyncadd.s32 $0xFFFFF380  }
0x256: {  	v7 =	vld [tilespmem:s19+$0x1930]  }
0x257: {  	v9 =	vld [tilespmem:s19+$0x1900]  }
0x258: {  	v0 =	vadd.f32 v5, v0;
	v1 =	vadd.f32 v8, v1;
	v5 =	vld [tilespmem:s19+$0x1910]  }
0x259: {  	s18 =	simm.s32 $0x100;
	v2 =	vadd.f32 v6, v2;
	v3 =	vadd.f32 v4, v3;
	v6 =	vld [tilespmem:s19+$0x1920]  }
.LBB2_62:
0x25a: {  	p0 =	sne.s32 s18, $0x3100  }
.Ltmp30:
0x25b: {  	s19 =	sshra.s32 s18, $0x2;
	s18 =	sadd.s32 $0x100, s18;
	v0 =	vadd.f32 v7, v0;
	(pc) =	sbr.rel @p0 .LBB2_62-.Ltmp30, $4  }
0x25c: {  	v7 =	vld [tilespmem:s19+$0x1930];
	v1 =	vadd.f32 v9, v1  }
0x25d: {  	v9 =	vld [tilespmem:s19+$0x1900];
	v2 =	vadd.f32 v5, v2  }
0x25e: {  	v5 =	vld [tilespmem:s19+$0x1910];
	v3 =	vadd.f32 v6, v3  }
0x25f: {  	v6 =	vld [tilespmem:s19+$0x1920]  }
0x260: {  	_ =	swait.ge [sflag:s15], $0xC80  }
0x261: {  	[sflag:s15] =	ssyncset.done $0x0  }
0x262: {  	s19 =	simm.s32 $0x0;
	[sflag:s15] =	ssyncadd.s32 $0xFFFFF380  }
0x263: {  	v4 =	vld [tilespmem:s19+$0x25B0]  }
0x264: {  	v8 =	vld [tilespmem:s19+$0x2580]  }
0x265: {  	v0 =	vadd.f32 v7, v0;
	v1 =	vadd.f32 v9, v1;
	v7 =	vld [tilespmem:s19+$0x2590]  }
0x266: {  	s18 =	simm.s32 $0x100;
	v2 =	vadd.f32 v5, v2;
	v5 =	vld [tilespmem:s19+$0x25A0];
	v3 =	vadd.f32 v6, v3  }
.LBB2_64:
0x267: {  	p0 =	sne.s32 s18, $0x3100  }
.Ltmp31:
0x268: {  	s19 =	sshra.s32 s18, $0x2;
	s18 =	sadd.s32 $0x100, s18;
	v0 =	vadd.f32 v4, v0;
	(pc) =	sbr.rel @p0 .LBB2_64-.Ltmp31, $4  }
0x269: {  	v4 =	vld [tilespmem:s19+$0x25B0];
	v1 =	vadd.f32 v8, v1  }
0x26a: {  	v8 =	vld [tilespmem:s19+$0x2580];
	v2 =	vadd.f32 v7, v2  }
0x26b: {  	v7 =	vld [tilespmem:s19+$0x2590];
	v3 =	vadd.f32 v5, v3  }
0x26c: {  	v5 =	vld [tilespmem:s19+$0x25A0]  }
0x26d: {  	_ =	sdelay $0x2  }
0x26e: {  	v1 =	vadd.f32 v8, v1;
	v2 =	vadd.f32 v7, v2;
	_ =	sdelay $0x1  }
0x26f: {  	v3 =	vadd.f32 v5, v3;
	v1 =	vadd.f32 v2, v1;
	_ =	sdelay $0x1  }
0x270: {  	v0 =	vadd.f32 v4, v0;
	v1 =	vadd.f32 v3, v1;
	_ =	sdelay $0x1  }
0x271: {  	s17 =	sadd.s32 $0x1, s17;
	v0 =	vadd.f32 v0, v1  }
0x272: {  	p0 =	sne.s32 s17, s8  }
.Ltmp32:
0x273: {  	s18 =	simm.s32 $0x3200;
	[tilespmem:$0x3200] =	vst v0;
	(pc) =	sbr.rel @p0 .LBB2_1-.Ltmp32, $4  }
0x274: {  	[hbm4b:s7+s2] =	stream.linear.scatter [tilespmem:s18], [sflag:$0x5], $0x80, $0x38;
	[tilespmem:$0x3280] =	vst v63  }
0x275: {  	_ =	swait.ge [sflag:s16], $0x80  }
0x276: {  	[sflag:s16] =	ssyncset.done $0x0  }
0x277: {  	[sflag:s16] =	ssyncadd.s32 $0xFFFFFF80  }
0x278: {  	_ =	sfence.sel $0x180000  }
0x279: {  	[bflag:$0x0] =	sbarrier.arrive $0xFFFF  }
0x27a: {  	_ =	strace $0x90000047  }
0x27b: {  	s0 =	stileid.u32;
	[bflag:$0x2] =	sbarrier.arrive $0xFFFF  }
0x27c: {  	p0 =	sne.s32 s0, $0x0;
	s0 =	rddreg [dreg:$0x1]  }
0x27d: {  	s0 =	sadd.s32 @!p0 $0x100000, s0  }
0x27e: {  	[sflag:s0] =	ssyncadd.tile.s32 @!p0 $0x1;
	_ =	shalt  }
.Lfunc_end2:
_tile_overlayer_lowered:
.L_overlay_start_2:
0x27f: {  	(tag) =	ssettag $0x2  }
0x280: {  	s0 =	rddreg [dreg:$0x0];
	s2 =	stileid.u32  }
0x281: {  	s1 =	rddreg [dreg:$0x1];
	p0 =	sne.s32 s2, $0x0  }
0x282: {  	s3 =	rddreg [dreg:$0x2];
	[bflag:$0x3] =	sbarrier.arrive $0xFFFF;
	s2 =	simm.s32 @!p0 $0x1C05  }
0x283: {  	[timem:s3], [sflag:s2] =	dma.local @!p0 [hbm:s0], s1  }
0x284: {  	s0 =	simm.s32 @!p0 $0x5  }
0x285: {  	_ =	swait.ge @!p0 [sflag:s0], s1  }
0x286: {  	s1 =	ssub.s32 @!p0 $0x0, s1;
	[sflag:s0] =	ssyncset.done @!p0 $0x0  }
0x287: {  	[sflag:s0] =	ssyncadd.s32 @!p0 s1  }
0x288: {  	[bflag:$0x3] =	sbarrier.arrive $0xFFFF  }
0x289: {  	_ =	shalt  }

</sc_bundles>
